<compile_context>
chip_gen: v7x
topology: tpu7x:2x2x1
jax: 0.10.2.dev20260603
libtpu: 0.0.44.dev20260713+nightly
codegen_flags: <defaults>
</compile_context>

<pallas_src>
import functools

import jax
import jax.numpy as jnp
from jax import lax
from jax.experimental import pallas as pl
from jax.experimental.pallas import tpu as pltpu
from jax.experimental.pallas import tpu_sc as plsc

N_NODES = 10000
N_EDGES = 320000
D = 128
LANES = 16

NUM_CORES = 2
NUM_SUBCORES = 16
NUM_WORKERS = NUM_CORES * NUM_SUBCORES
EDGES_PER_WORKER = N_EDGES // NUM_WORKERS
CHUNK = 80
NUM_CHUNKS = EDGES_PER_WORKER // CHUNK
STRIPE = 624
TAIL = N_NODES - NUM_SUBCORES * STRIPE
ZROWS = 48

_SDS = jax.ShapeDtypeStruct


def _fill_zero(buf, nrows):
  zero16 = jnp.zeros((LANES,), jnp.float32)

  def body(k, carry):
    buf[k // (D // LANES), pl.ds((k % (D // LANES)) * LANES, LANES)] = zero16
    return carry
  lax.fori_loop(0, nrows * (D // LANES), body, 0)


def _zero_and_writeout_specs(s):
  return s * STRIPE


def _make_row_agg():
  mesh = plsc.VectorSubcoreMesh(
      core_axis_name="c", subcore_axis_name="s",
      num_cores=NUM_CORES, num_subcores=NUM_SUBCORES)

  @functools.partial(
      pl.kernel, mesh=mesh,
      out_type=_SDS((NUM_CORES, N_NODES, D), jnp.float32),
      scratch_types=(
          pltpu.VMEM_SHARED((N_NODES, D), jnp.float32),
          pltpu.VMEM((2 * CHUNK,), jnp.int32),
          pltpu.VMEM((2 * CHUNK,), jnp.int32),
          pltpu.VMEM((2 * CHUNK,), jnp.int32),
          pltpu.VMEM((2 * CHUNK,), jnp.int32),
          pltpu.VMEM((CHUNK,), jnp.int32),
          pltpu.VMEM((CHUNK,), jnp.int32),
          pltpu.VMEM((CHUNK, D), jnp.float32),
          pltpu.VMEM((CHUNK, D), jnp.float32),
          pltpu.VMEM((ZROWS, D), jnp.float32),
          pltpu.SemaphoreType.DMA,
          pltpu.SemaphoreType.DMA,
          pltpu.SemaphoreType.DMA,
          pltpu.SemaphoreType.DMA,
      ))
  def agg(x_hbm, src_hbm, dst_hbm, part_hbm, acc,
          srcA, srcB, dstA, dstB, didx0, didx1, rows0, rows1, zbuf,
          gsem0, gsem1, isemA, isemB):
    c = lax.axis_index("c")
    s = lax.axis_index("s")
    wid = s * NUM_CORES + c

    _fill_zero(zbuf, ZROWS)
    off = s * STRIPE
    for r in range(STRIPE // ZROWS):
      pltpu.sync_copy(zbuf, acc.at[pl.ds(off + r * ZROWS, ZROWS)])

    @pl.when(s == NUM_SUBCORES - 1)
    def _zero_tail():
      pltpu.sync_copy(zbuf.at[pl.ds(0, TAIL)],
                      acc.at[pl.ds(NUM_SUBCORES * STRIPE, TAIL)])
    plsc.subcore_barrier()

    base_w = wid * EDGES_PER_WORKER

    def start_pair_load(sb, db, sem, p):
      base = base_w + p * 2 * CHUNK
      pltpu.async_copy(src_hbm.at[pl.ds(base, 2 * CHUNK)], sb, sem)
      pltpu.async_copy(dst_hbm.at[pl.ds(base, 2 * CHUNK)], db, sem)

    def wait_pair_load(sb, db, sem, p):
      base = base_w + p * 2 * CHUNK
      pltpu.make_async_copy(src_hbm.at[pl.ds(base, 2 * CHUNK)], sb, sem).wait()
      pltpu.make_async_copy(dst_hbm.at[pl.ds(base, 2 * CHUNK)], db, sem).wait()

    def copy_didx(db_pair, off, db):
      for j in range(CHUNK // LANES):
        db[pl.ds(j * LANES, LANES)] = db_pair[pl.ds(off + j * LANES, LANES)]

    def run_pair(sb, db):
      pltpu.async_copy(x_hbm.at[sb.at[pl.ds(0, CHUNK)]], rows0, gsem0)
      copy_didx(db, 0, didx0)
      pltpu.async_copy(x_hbm.at[sb.at[pl.ds(CHUNK, CHUNK)]], rows1, gsem1)
      copy_didx(db, CHUNK, didx1)
      pltpu.make_async_copy(x_hbm.at[sb.at[pl.ds(0, CHUNK)]],
                            rows0, gsem0).wait()
      pltpu.sync_copy(rows0, acc.at[didx0], add=True)
      pltpu.make_async_copy(x_hbm.at[sb.at[pl.ds(CHUNK, CHUNK)]],
                            rows1, gsem1).wait()
      pltpu.sync_copy(rows1, acc.at[didx1], add=True)

    NPAIRS = NUM_CHUNKS // 2
    start_pair_load(srcA, dstA, isemA, 0)
    start_pair_load(srcB, dstB, isemB, 1)

    def quad(q, carry):
      wait_pair_load(srcA, dstA, isemA, 2 * q)
      run_pair(srcA, dstA)

      @pl.when(q < NPAIRS // 2 - 1)
      def _():
        start_pair_load(srcA, dstA, isemA, 2 * q + 2)
      wait_pair_load(srcB, dstB, isemB, 2 * q + 1)
      run_pair(srcB, dstB)

      @pl.when(q < NPAIRS // 2 - 1)
      def _():
        start_pair_load(srcB, dstB, isemB, 2 * q + 3)
      return carry
    lax.fori_loop(0, NPAIRS // 2, quad, 0)

    tb = base_w + (NUM_CHUNKS - 1) * CHUNK
    pltpu.sync_copy(src_hbm.at[pl.ds(tb, CHUNK)], srcA.at[pl.ds(0, CHUNK)])
    pltpu.sync_copy(dst_hbm.at[pl.ds(tb, CHUNK)], didx0)
    pltpu.async_copy(x_hbm.at[srcA.at[pl.ds(0, CHUNK)]], rows0, gsem0)
    pltpu.make_async_copy(x_hbm.at[srcA.at[pl.ds(0, CHUNK)]],
                          rows0, gsem0).wait()
    pltpu.sync_copy(rows0, acc.at[didx0], add=True)

    plsc.subcore_barrier()
    pltpu.sync_copy(acc.at[pl.ds(off, STRIPE)],
                    part_hbm.at[c, pl.ds(off, STRIPE)])

    @pl.when(s == NUM_SUBCORES - 1)
    def _write_tail():
      toff = NUM_SUBCORES * STRIPE
      pltpu.sync_copy(acc.at[pl.ds(toff, TAIL)],
                      part_hbm.at[c, pl.ds(toff, TAIL)])

  return agg


def _make_deg():
  mesh = plsc.VectorSubcoreMesh(
      core_axis_name="c", subcore_axis_name="s",
      num_cores=NUM_CORES, num_subcores=NUM_SUBCORES)

  @functools.partial(
      pl.kernel, mesh=mesh,
      out_type=_SDS((NUM_CORES, N_NODES, D), jnp.float32),
      scratch_types=(
          pltpu.VMEM_SHARED((N_NODES, D), jnp.float32),
          pltpu.VMEM((CHUNK,), jnp.int32),
          pltpu.VMEM((CHUNK,), jnp.int32),
          pltpu.VMEM((CHUNK, D), jnp.float32),
          pltpu.VMEM((ZROWS, D), jnp.float32),
          pltpu.SemaphoreType.DMA,
          pltpu.SemaphoreType.DMA,
      ))
  def deg(dst_hbm, deg_hbm, acc, didx0, didx1, ones, zbuf, sem0, sem1):
    c = lax.axis_index("c")
    s = lax.axis_index("s")
    wid = s * NUM_CORES + c

    _fill_zero(zbuf, ZROWS)
    one16 = jnp.full((LANES,), 1.0, jnp.float32)

    def ofill(k, carry):
      ones[k // (D // LANES), pl.ds((k % (D // LANES)) * LANES, LANES)] = one16
      return carry
    lax.fori_loop(0, CHUNK * (D // LANES), ofill, 0)

    off = s * STRIPE
    for r in range(STRIPE // ZROWS):
      pltpu.sync_copy(zbuf, acc.at[pl.ds(off + r * ZROWS, ZROWS)])

    @pl.when(s == NUM_SUBCORES - 1)
    def _zero_tail():
      pltpu.sync_copy(zbuf.at[pl.ds(0, TAIL)],
                      acc.at[pl.ds(NUM_SUBCORES * STRIPE, TAIL)])
    plsc.subcore_barrier()

    base_w = wid * EDGES_PER_WORKER

    pltpu.sync_copy(dst_hbm.at[pl.ds(base_w, CHUNK)], didx0)
    pltpu.async_copy(ones, acc.at[didx0], sem0, add=True)

    def pair(k, carry):
      pltpu.sync_copy(dst_hbm.at[pl.ds(base_w + (2 * k + 1) * CHUNK, CHUNK)],
                      didx1)
      pltpu.async_copy(ones, acc.at[didx1], sem1, add=True)
      pltpu.make_async_copy(ones, acc.at[didx0], sem0).wait()
      pltpu.sync_copy(dst_hbm.at[pl.ds(base_w + (2 * k + 2) * CHUNK, CHUNK)],
                      didx0)
      pltpu.async_copy(ones, acc.at[didx0], sem0, add=True)
      pltpu.make_async_copy(ones, acc.at[didx1], sem1).wait()
      return carry
    lax.fori_loop(0, (NUM_CHUNKS - 1) // 2, pair, 0)
    pltpu.make_async_copy(ones, acc.at[didx0], sem0).wait()

    plsc.subcore_barrier()
    pltpu.sync_copy(acc.at[pl.ds(off, STRIPE)],
                    deg_hbm.at[c, pl.ds(off, STRIPE)])

    @pl.when(s == NUM_SUBCORES - 1)
    def _write_tail():
      toff = NUM_SUBCORES * STRIPE
      pltpu.sync_copy(acc.at[pl.ds(toff, TAIL)],
                      deg_hbm.at[c, pl.ds(toff, TAIL)])

  return deg


def _make_tc_combine(relu, block_rows=1000):

  def body(x_ref, p_ref, dg_ref, ws_ref, wn_ref, b_ref, o_ref):
    agg = p_ref[0] + p_ref[1]
    deg = dg_ref[0] + dg_ref[1]
    inv = 1.0 / jnp.maximum(jnp.max(deg, axis=1, keepdims=True), 1.0)
    h = jnp.dot(x_ref[...], ws_ref[...], preferred_element_type=jnp.float32)
    h = h + jnp.dot(agg * inv, wn_ref[...],
                    preferred_element_type=jnp.float32)
    h = h + b_ref[...]
    if relu:
      h = jnp.maximum(h, 0.0)
    o_ref[...] = h

  return pl.pallas_call(
      body,
      grid=(N_NODES // block_rows,),
      in_specs=[
          pl.BlockSpec((block_rows, D), lambda i: (i, 0)),
          pl.BlockSpec((NUM_CORES, block_rows, D), lambda i: (0, i, 0)),
          pl.BlockSpec((NUM_CORES, block_rows, D), lambda i: (0, i, 0)),
          pl.BlockSpec((D, D), lambda i: (0, 0)),
          pl.BlockSpec((D, D), lambda i: (0, 0)),
          pl.BlockSpec((1, D), lambda i: (0, 0)),
      ],
      out_specs=pl.BlockSpec((block_rows, D), lambda i: (i, 0)),
      out_shape=_SDS((N_NODES, D), jnp.float32),
  )


_get_row_agg = functools.lru_cache(maxsize=None)(_make_row_agg)
_get_deg = functools.lru_cache(maxsize=None)(_make_deg)
_combine_relu = _make_tc_combine(relu=True)
_combine_linear = _make_tc_combine(relu=False)


def kernel(in_feat, edge_index, W1_self, W1_neigh, b1, W2_self, W2_neigh, b2):
  src = edge_index[0].astype(jnp.int32)
  dst = edge_index[1].astype(jnp.int32)
  degp = _get_deg()(dst)
  part1 = _get_row_agg()(in_feat, src, dst)
  h1 = _combine_relu(in_feat, part1, degp, W1_self, W1_neigh,
                     b1.reshape(1, D))
  part2 = _get_row_agg()(h1, src, dst)
  out = _combine_linear(h1, part2, degp, W2_self, W2_neigh,
                        b2.reshape(1, D))
  return out

# --- scband reference (transcript-rebuilt; emitter-appended) ---
"""Pipeline reference for scband-graph-sage-42245298324238 (READ-ONLY COPY).

The authoritative reference and input builder live on the scoring server;
editing this copy changes nothing except your own understanding.
"""

import jax, jax.numpy as jnp
import numpy as np

N_NODES = 10000
N_EDGES = 320000
D_IN = 128
D_H = 128


def setup_inputs(seed: int = 0) -> dict:
    key = jax.random.key(seed)
    ks = jax.random.split(key, 9)
    in_feat = jax.random.normal(ks[0], (N_NODES, D_IN), dtype=jnp.float32)
    edge_index = jax.random.randint(ks[1], (2, N_EDGES), 0, N_NODES, dtype=jnp.int64)
    s1 = 1.0 / np.sqrt(D_IN)
    s2 = 1.0 / np.sqrt(D_H)
    W1_self = jax.random.normal(ks[2], (D_IN, D_H), dtype=jnp.float32) * s1
    W1_neigh = jax.random.normal(ks[3], (D_IN, D_H), dtype=jnp.float32) * s1
    b1 = jnp.zeros((D_H,), dtype=jnp.float32)
    W2_self = jax.random.normal(ks[4], (D_H, D_H), dtype=jnp.float32) * s2
    W2_neigh = jax.random.normal(ks[5], (D_H, D_H), dtype=jnp.float32) * s2
    b2 = jnp.zeros((D_H,), dtype=jnp.float32)
    return {"in_feat": in_feat, "edge_index": edge_index,
            "W1_self": W1_self, "W1_neigh": W1_neigh, "b1": b1,
            "W2_self": W2_self, "W2_neigh": W2_neigh, "b2": b2}


def _sage_conv(x, src, dst, n_nodes, W_self, W_neigh, b):
    # DGL SAGEConv with 'mean' aggregator:
    #   h_neigh = mean over incoming-edge source features (0 if no in-edges)
    #   out = fc_self(x) + fc_neigh(h_neigh) + bias
    msg = jnp.take(x, src, axis=0)                                    # gather [E, d]
    agg = jax.ops.segment_sum(msg, dst, num_segments=n_nodes)         # scatter-add
    deg = jax.ops.segment_sum(jnp.ones((src.shape[0], 1), x.dtype), dst,
                              num_segments=n_nodes)
    h_neigh = agg / jnp.maximum(deg, 1.0)
    return x @ W_self + h_neigh @ W_neigh + b


def reference(in_feat, edge_index, W1_self, W1_neigh, b1, W2_self, W2_neigh, b2):
    src = edge_index[0]
    dst = edge_index[1]
    n = in_feat.shape[0]
    h = _sage_conv(in_feat, src, dst, n, W1_self, W1_neigh, b1)
    h = jax.nn.relu(h)
    h = _sage_conv(h, src, dst, n, W2_self, W2_neigh, b2)
    return h

if __name__ == "__main__":
    import jax
    _d = setup_inputs()
    print(jax.jit(kernel)(*tuple(_d.values())))

</pallas_src>

<mosaic_0001>
#map = affine_map<(d0, d1) -> (0)>
#map1 = affine_map<(d0, d1) -> (0, 0, 0)>
module attributes {stable_mosaic.version = 14 : i64} {
  func.func @deg(%arg0: i32, %arg1: i32, %arg2: memref<320000xi32, #tpu.memory_space<hbm>>, %arg3: memref<2x10000x128xf32, #tpu.memory_space<hbm>>, %arg4: memref<10000x128xf32, #tpu.memory_space<vmem_shared>>, %arg5: memref<80xi32, #tpu.memory_space<vmem>>, %arg6: memref<80xi32, #tpu.memory_space<vmem>>, %arg7: memref<80x128xf32, #tpu.memory_space<vmem>>, %arg8: memref<48x128xf32, #tpu.memory_space<vmem>>, %arg9: memref<!tpu.dma_semaphore, #tpu.memory_space<semaphore_mem>>, %arg10: memref<!tpu.dma_semaphore, #tpu.memory_space<semaphore_mem>>) attributes {dimension_semantics = [#tpu.dimension_semantics<core_parallel>, #tpu.dimension_semantics<subcore_parallel>], iteration_bounds = array<i64: 2, 16>, scalar_prefetch = 0 : i64, scratch_operands = 7 : i64, tpu.core_type = #tpu.core_type<sc_vector_subcore>, window_params = [{transform_indices = #map}, {transform_indices = #map1}]} {
    %mul3A = arith.constant 2 : i32
    %mul3A_0 = arith.muli %arg1, %mul3A : i32
    %add3A = arith.addi %mul3A_0, %arg0 : i32
    %broadcast_in_dim3A = arith.constant 0.000000e+00 : f32
    %broadcast_in_dim3A_1 = vector.broadcast %broadcast_in_dim3A : f32 to vector<16xf32>
    %scan3A = arith.constant 0 : i32
    %scan3A_2 = arith.constant 0 : i32
    %scan3A_3 = arith.constant 384 : i32
    %scan3A_4 = arith.addi %scan3A_2, %scan3A_3 : i32
    %scan3A_5 = arith.constant 1 : i32
    scf.for %scan3A_63 = %scan3A_2 to %scan3A_4 step %scan3A_5  : i32 {
      %jit3A = arith.constant 8 : i32
      %div3A = arith.divsi %scan3A_63, %jit3A : i32
      %sign3A = arith.constant 0 : i32
      %sign3A_64 = arith.cmpi sgt, %scan3A_63, %sign3A : i32
      %sign3A_65 = arith.extui %sign3A_64 : i1 to i32
      %sign3A_66 = arith.constant 0 : i32
      %sign3A_67 = arith.cmpi slt, %scan3A_63, %sign3A_66 : i32
      %sign3A_68 = arith.extui %sign3A_67 : i1 to i32
      %sign3A_69 = arith.subi %sign3A_65, %sign3A_68 : i32
      %sign3A_70 = arith.constant 0 : i32
      %sign3A_71 = arith.cmpi sgt, %jit3A, %sign3A_70 : i32
      %sign3A_72 = arith.extui %sign3A_71 : i1 to i32
      %sign3A_73 = arith.constant 0 : i32
      %sign3A_74 = arith.cmpi slt, %jit3A, %sign3A_73 : i32
      %sign3A_75 = arith.extui %sign3A_74 : i1 to i32
      %sign3A_76 = arith.subi %sign3A_72, %sign3A_75 : i32
      %ne3A = arith.cmpi ne, %sign3A_69, %sign3A_76 : i32
      %rem3A = arith.remsi %scan3A_63, %jit3A : i32
      %ne3A_77 = arith.constant 0 : i32
      %ne3A_78 = arith.cmpi ne, %rem3A, %ne3A_77 : i32
      %and3A = arith.andi %ne3A, %ne3A_78 : i1
      %sub3A = arith.constant 1 : i32
      %sub3A_79 = arith.subi %div3A, %sub3A : i32
      %select_n3A = arith.select %and3A, %sub3A_79, %div3A : i32
      %jit3A_80 = arith.constant 8 : i32
      %eq3A_81 = arith.constant 0 : i32
      %eq3A_82 = arith.cmpi eq, %jit3A_80, %eq3A_81 : i32
      %jit3A_83 = arith.constant 1 : i32
      %select_n3A_84 = arith.select %eq3A_82, %jit3A_83, %jit3A_80 : i32
      %rem3A_85 = arith.remsi %scan3A_63, %select_n3A_84 : i32
      %ne3A_86 = arith.constant 0 : i32
      %ne3A_87 = arith.cmpi ne, %rem3A_85, %ne3A_86 : i32
      %lt3A = arith.constant 0 : i32
      %lt3A_88 = arith.cmpi slt, %rem3A_85, %lt3A : i32
      %lt3A_89 = arith.constant 0 : i32
      %lt3A_90 = arith.cmpi slt, %select_n3A_84, %lt3A_89 : i32
      %ne3A_91 = arith.xori %lt3A_88, %lt3A_90 : i1
      %and3A_92 = arith.andi %ne3A_91, %ne3A_87 : i1
      %add3A_93 = arith.addi %rem3A_85, %select_n3A_84 : i32
      %select_n3A_94 = arith.select %and3A_92, %add3A_93, %rem3A_85 : i32
      %mul3A_95 = arith.constant 16 : i32
      %mul3A_96 = arith.muli %select_n3A_94, %mul3A_95 : i32
      %swap3A = arith.index_cast %select_n3A : i32 to index
      %swap3A_97 = arith.index_cast %mul3A_96 : i32 to index
      %swap3A_98 = tpu.vector_load %arg8[%swap3A, %swap3A_97] {strides = array<i32>} : memref<48x128xf32, #tpu.memory_space<vmem>>, vector<1x16xf32>,
      %swap3A_99 = vector.shape_cast %swap3A_98 : vector<1x16xf32> to vector<16xf32>
      %swap3A_100 = vector.shape_cast %broadcast_in_dim3A_1 : vector<16xf32> to vector<1x16xf32>
      tpu.vector_store %arg8[%swap3A, %swap3A_97], %swap3A_100 {strides = array<i32>} : memref<48x128xf32, #tpu.memory_space<vmem>>, vector<1x16xf32>,
    }
    %scan3A_6 = arith.constant 384 : i32
    %broadcast_in_dim3A_7 = arith.constant 1.000000e+00 : f32
    %broadcast_in_dim3A_8 = vector.broadcast %broadcast_in_dim3A_7 : f32 to vector<16xf32>
    %scan3A_9 = arith.constant 0 : i32
    %scan3A_10 = arith.constant 0 : i32
    %scan3A_11 = arith.constant 640 : i32
    %scan3A_12 = arith.addi %scan3A_10, %scan3A_11 : i32
    %scan3A_13 = arith.constant 1 : i32
    scf.for %scan3A_63 = %scan3A_10 to %scan3A_12 step %scan3A_13  : i32 {
      %jit3A = arith.constant 8 : i32
      %div3A = arith.divsi %scan3A_63, %jit3A : i32
      %sign3A = arith.constant 0 : i32
      %sign3A_64 = arith.cmpi sgt, %scan3A_63, %sign3A : i32
      %sign3A_65 = arith.extui %sign3A_64 : i1 to i32
      %sign3A_66 = arith.constant 0 : i32
      %sign3A_67 = arith.cmpi slt, %scan3A_63, %sign3A_66 : i32
      %sign3A_68 = arith.extui %sign3A_67 : i1 to i32
      %sign3A_69 = arith.subi %sign3A_65, %sign3A_68 : i32
      %sign3A_70 = arith.constant 0 : i32
      %sign3A_71 = arith.cmpi sgt, %jit3A, %sign3A_70 : i32
      %sign3A_72 = arith.extui %sign3A_71 : i1 to i32
      %sign3A_73 = arith.constant 0 : i32
      %sign3A_74 = arith.cmpi slt, %jit3A, %sign3A_73 : i32
      %sign3A_75 = arith.extui %sign3A_74 : i1 to i32
      %sign3A_76 = arith.subi %sign3A_72, %sign3A_75 : i32
      %ne3A = arith.cmpi ne, %sign3A_69, %sign3A_76 : i32
      %rem3A = arith.remsi %scan3A_63, %jit3A : i32
      %ne3A_77 = arith.constant 0 : i32
      %ne3A_78 = arith.cmpi ne, %rem3A, %ne3A_77 : i32
      %and3A = arith.andi %ne3A, %ne3A_78 : i1
      %sub3A = arith.constant 1 : i32
      %sub3A_79 = arith.subi %div3A, %sub3A : i32
      %select_n3A = arith.select %and3A, %sub3A_79, %div3A : i32
      %jit3A_80 = arith.constant 8 : i32
      %eq3A_81 = arith.constant 0 : i32
      %eq3A_82 = arith.cmpi eq, %jit3A_80, %eq3A_81 : i32
      %jit3A_83 = arith.constant 1 : i32
      %select_n3A_84 = arith.select %eq3A_82, %jit3A_83, %jit3A_80 : i32
      %rem3A_85 = arith.remsi %scan3A_63, %select_n3A_84 : i32
      %ne3A_86 = arith.constant 0 : i32
      %ne3A_87 = arith.cmpi ne, %rem3A_85, %ne3A_86 : i32
      %lt3A = arith.constant 0 : i32
      %lt3A_88 = arith.cmpi slt, %rem3A_85, %lt3A : i32
      %lt3A_89 = arith.constant 0 : i32
      %lt3A_90 = arith.cmpi slt, %select_n3A_84, %lt3A_89 : i32
      %ne3A_91 = arith.xori %lt3A_88, %lt3A_90 : i1
      %and3A_92 = arith.andi %ne3A_91, %ne3A_87 : i1
      %add3A_93 = arith.addi %rem3A_85, %select_n3A_84 : i32
      %select_n3A_94 = arith.select %and3A_92, %add3A_93, %rem3A_85 : i32
      %mul3A_95 = arith.constant 16 : i32
      %mul3A_96 = arith.muli %select_n3A_94, %mul3A_95 : i32
      %swap3A = arith.index_cast %select_n3A : i32 to index
      %swap3A_97 = arith.index_cast %mul3A_96 : i32 to index
      %swap3A_98 = tpu.vector_load %arg7[%swap3A, %swap3A_97] {strides = array<i32>} : memref<80x128xf32, #tpu.memory_space<vmem>>, vector<1x16xf32>,
      %swap3A_99 = vector.shape_cast %swap3A_98 : vector<1x16xf32> to vector<16xf32>
      %swap3A_100 = vector.shape_cast %broadcast_in_dim3A_8 : vector<16xf32> to vector<1x16xf32>
      tpu.vector_store %arg7[%swap3A, %swap3A_97], %swap3A_100 {strides = array<i32>} : memref<80x128xf32, #tpu.memory_space<vmem>>, vector<1x16xf32>,
    }
    %scan3A_14 = arith.constant 640 : i32
    %mul3A_15 = arith.constant 624 : i32
    %mul3A_16 = arith.muli %arg1, %mul3A_15 : i32
    %add3A_17 = arith.constant 0 : i32
    %add3A_18 = arith.addi %mul3A_16, %add3A_17 : i32
    "tpu.region"() ({
      %run_scoped3A = tpu.sem_alloc : memref<!tpu.dma_semaphore, #tpu.memory_space<semaphore_mem>>
      %dma_start3A_63 = arith.constant 0 : i32
      %dma_start3A_64 = tpu.memref_slice %arg4[%add3A_18, %dma_start3A_63] : memref<10000x128xf32, #tpu.memory_space<vmem_shared>> -> memref<48x128xf32, #tpu.memory_space<vmem_shared>>
      %dma_start3A_65 = arith.constant 0 : i32
      %dma_start3A_66 = tpu.memref_slice %arg4[%add3A_18, %dma_start3A_65] : memref<10000x128xf32, #tpu.memory_space<vmem_shared>> -> memref<48x128xf32, #tpu.memory_space<vmem_shared>>
      tpu.enqueue_dma source(%arg8 : memref<48x128xf32, #tpu.memory_space<vmem>>) target(%dma_start3A_66 : memref<48x128xf32, #tpu.memory_space<vmem_shared>>) target_semaphore(%run_scoped3A : memref<!tpu.dma_semaphore, #tpu.memory_space<semaphore_mem>>)
      %dma_wait3A_67 = arith.constant 0 : i32
      %dma_wait3A_68 = tpu.memref_slice %arg4[%add3A_18, %dma_wait3A_67] : memref<10000x128xf32, #tpu.memory_space<vmem_shared>> -> memref<48x128xf32, #tpu.memory_space<vmem_shared>>
      %dma_wait3A_69 = arith.constant 0 : i32
      %dma_wait3A_70 = tpu.memref_slice %arg4[%add3A_18, %dma_wait3A_69] : memref<10000x128xf32, #tpu.memory_space<vmem_shared>> -> memref<48x128xf32, #tpu.memory_space<vmem_shared>>
      tpu.wait_dma2 semaphore(%run_scoped3A : memref<!tpu.dma_semaphore, #tpu.memory_space<semaphore_mem>>) src(%arg8 : memref<48x128xf32, #tpu.memory_space<vmem>>) dst(%dma_wait3A_70 : memref<48x128xf32, #tpu.memory_space<vmem_shared>>)
      tpu.yield
    }) : () -> ()
    %add3A_19 = arith.constant 48 : i32
    %add3A_20 = arith.addi %mul3A_16, %add3A_19 : i32
    "tpu.region"() ({
      %run_scoped3A = tpu.sem_alloc : memref<!tpu.dma_semaphore, #tpu.memory_space<semaphore_mem>>
      %dma_start3A_63 = arith.constant 0 : i32
      %dma_start3A_64 = tpu.memref_slice %arg4[%add3A_20, %dma_start3A_63] : memref<10000x128xf32, #tpu.memory_space<vmem_shared>> -> memref<48x128xf32, #tpu.memory_space<vmem_shared>>
      %dma_start3A_65 = arith.constant 0 : i32
      %dma_start3A_66 = tpu.memref_slice %arg4[%add3A_20, %dma_start3A_65] : memref<10000x128xf32, #tpu.memory_space<vmem_shared>> -> memref<48x128xf32, #tpu.memory_space<vmem_shared>>
      tpu.enqueue_dma source(%arg8 : memref<48x128xf32, #tpu.memory_space<vmem>>) target(%dma_start3A_66 : memref<48x128xf32, #tpu.memory_space<vmem_shared>>) target_semaphore(%run_scoped3A : memref<!tpu.dma_semaphore, #tpu.memory_space<semaphore_mem>>)
      %dma_wait3A_67 = arith.constant 0 : i32
      %dma_wait3A_68 = tpu.memref_slice %arg4[%add3A_20, %dma_wait3A_67] : memref<10000x128xf32, #tpu.memory_space<vmem_shared>> -> memref<48x128xf32, #tpu.memory_space<vmem_shared>>
      %dma_wait3A_69 = arith.constant 0 : i32
      %dma_wait3A_70 = tpu.memref_slice %arg4[%add3A_20, %dma_wait3A_69] : memref<10000x128xf32, #tpu.memory_space<vmem_shared>> -> memref<48x128xf32, #tpu.memory_space<vmem_shared>>
      tpu.wait_dma2 semaphore(%run_scoped3A : memref<!tpu.dma_semaphore, #tpu.memory_space<semaphore_mem>>) src(%arg8 : memref<48x128xf32, #tpu.memory_space<vmem>>) dst(%dma_wait3A_70 : memref<48x128xf32, #tpu.memory_space<vmem_shared>>)
      tpu.yield
    }) : () -> ()
    %add3A_21 = arith.constant 96 : i32
    %add3A_22 = arith.addi %mul3A_16, %add3A_21 : i32
    "tpu.region"() ({
      %run_scoped3A = tpu.sem_alloc : memref<!tpu.dma_semaphore, #tpu.memory_space<semaphore_mem>>
      %dma_start3A_63 = arith.constant 0 : i32
      %dma_start3A_64 = tpu.memref_slice %arg4[%add3A_22, %dma_start3A_63] : memref<10000x128xf32, #tpu.memory_space<vmem_shared>> -> memref<48x128xf32, #tpu.memory_space<vmem_shared>>
      %dma_start3A_65 = arith.constant 0 : i32
      %dma_start3A_66 = tpu.memref_slice %arg4[%add3A_22, %dma_start3A_65] : memref<10000x128xf32, #tpu.memory_space<vmem_shared>> -> memref<48x128xf32, #tpu.memory_space<vmem_shared>>
      tpu.enqueue_dma source(%arg8 : memref<48x128xf32, #tpu.memory_space<vmem>>) target(%dma_start3A_66 : memref<48x128xf32, #tpu.memory_space<vmem_shared>>) target_semaphore(%run_scoped3A : memref<!tpu.dma_semaphore, #tpu.memory_space<semaphore_mem>>)
      %dma_wait3A_67 = arith.constant 0 : i32
      %dma_wait3A_68 = tpu.memref_slice %arg4[%add3A_22, %dma_wait3A_67] : memref<10000x128xf32, #tpu.memory_space<vmem_shared>> -> memref<48x128xf32, #tpu.memory_space<vmem_shared>>
      %dma_wait3A_69 = arith.constant 0 : i32
      %dma_wait3A_70 = tpu.memref_slice %arg4[%add3A_22, %dma_wait3A_69] : memref<10000x128xf32, #tpu.memory_space<vmem_shared>> -> memref<48x128xf32, #tpu.memory_space<vmem_shared>>
      tpu.wait_dma2 semaphore(%run_scoped3A : memref<!tpu.dma_semaphore, #tpu.memory_space<semaphore_mem>>) src(%arg8 : memref<48x128xf32, #tpu.memory_space<vmem>>) dst(%dma_wait3A_70 : memref<48x128xf32, #tpu.memory_space<vmem_shared>>)
      tpu.yield
    }) : () -> ()
    %add3A_23 = arith.constant 144 : i32
    %add3A_24 = arith.addi %mul3A_16, %add3A_23 : i32
    "tpu.region"() ({
      %run_scoped3A = tpu.sem_alloc : memref<!tpu.dma_semaphore, #tpu.memory_space<semaphore_mem>>
      %dma_start3A_63 = arith.constant 0 : i32
      %dma_start3A_64 = tpu.memref_slice %arg4[%add3A_24, %dma_start3A_63] : memref<10000x128xf32, #tpu.memory_space<vmem_shared>> -> memref<48x128xf32, #tpu.memory_space<vmem_shared>>
      %dma_start3A_65 = arith.constant 0 : i32
      %dma_start3A_66 = tpu.memref_slice %arg4[%add3A_24, %dma_start3A_65] : memref<10000x128xf32, #tpu.memory_space<vmem_shared>> -> memref<48x128xf32, #tpu.memory_space<vmem_shared>>
      tpu.enqueue_dma source(%arg8 : memref<48x128xf32, #tpu.memory_space<vmem>>) target(%dma_start3A_66 : memref<48x128xf32, #tpu.memory_space<vmem_shared>>) target_semaphore(%run_scoped3A : memref<!tpu.dma_semaphore, #tpu.memory_space<semaphore_mem>>)
      %dma_wait3A_67 = arith.constant 0 : i32
      %dma_wait3A_68 = tpu.memref_slice %arg4[%add3A_24, %dma_wait3A_67] : memref<10000x128xf32, #tpu.memory_space<vmem_shared>> -> memref<48x128xf32, #tpu.memory_space<vmem_shared>>
      %dma_wait3A_69 = arith.constant 0 : i32
      %dma_wait3A_70 = tpu.memref_slice %arg4[%add3A_24, %dma_wait3A_69] : memref<10000x128xf32, #tpu.memory_space<vmem_shared>> -> memref<48x128xf32, #tpu.memory_space<vmem_shared>>
      tpu.wait_dma2 semaphore(%run_scoped3A : memref<!tpu.dma_semaphore, #tpu.memory_space<semaphore_mem>>) src(%arg8 : memref<48x128xf32, #tpu.memory_space<vmem>>) dst(%dma_wait3A_70 : memref<48x128xf32, #tpu.memory_space<vmem_shared>>)
      tpu.yield
    }) : () -> ()
    %add3A_25 = arith.constant 192 : i32
    %add3A_26 = arith.addi %mul3A_16, %add3A_25 : i32
    "tpu.region"() ({
      %run_scoped3A = tpu.sem_alloc : memref<!tpu.dma_semaphore, #tpu.memory_space<semaphore_mem>>
      %dma_start3A_63 = arith.constant 0 : i32
      %dma_start3A_64 = tpu.memref_slice %arg4[%add3A_26, %dma_start3A_63] : memref<10000x128xf32, #tpu.memory_space<vmem_shared>> -> memref<48x128xf32, #tpu.memory_space<vmem_shared>>
      %dma_start3A_65 = arith.constant 0 : i32
      %dma_start3A_66 = tpu.memref_slice %arg4[%add3A_26, %dma_start3A_65] : memref<10000x128xf32, #tpu.memory_space<vmem_shared>> -> memref<48x128xf32, #tpu.memory_space<vmem_shared>>
      tpu.enqueue_dma source(%arg8 : memref<48x128xf32, #tpu.memory_space<vmem>>) target(%dma_start3A_66 : memref<48x128xf32, #tpu.memory_space<vmem_shared>>) target_semaphore(%run_scoped3A : memref<!tpu.dma_semaphore, #tpu.memory_space<semaphore_mem>>)
      %dma_wait3A_67 = arith.constant 0 : i32
      %dma_wait3A_68 = tpu.memref_slice %arg4[%add3A_26, %dma_wait3A_67] : memref<10000x128xf32, #tpu.memory_space<vmem_shared>> -> memref<48x128xf32, #tpu.memory_space<vmem_shared>>
      %dma_wait3A_69 = arith.constant 0 : i32
      %dma_wait3A_70 = tpu.memref_slice %arg4[%add3A_26, %dma_wait3A_69] : memref<10000x128xf32, #tpu.memory_space<vmem_shared>> -> memref<48x128xf32, #tpu.memory_space<vmem_shared>>
      tpu.wait_dma2 semaphore(%run_scoped3A : memref<!tpu.dma_semaphore, #tpu.memory_space<semaphore_mem>>) src(%arg8 : memref<48x128xf32, #tpu.memory_space<vmem>>) dst(%dma_wait3A_70 : memref<48x128xf32, #tpu.memory_space<vmem_shared>>)
      tpu.yield
    }) : () -> ()
    %add3A_27 = arith.constant 240 : i32
    %add3A_28 = arith.addi %mul3A_16, %add3A_27 : i32
    "tpu.region"() ({
      %run_scoped3A = tpu.sem_alloc : memref<!tpu.dma_semaphore, #tpu.memory_space<semaphore_mem>>
      %dma_start3A_63 = arith.constant 0 : i32
      %dma_start3A_64 = tpu.memref_slice %arg4[%add3A_28, %dma_start3A_63] : memref<10000x128xf32, #tpu.memory_space<vmem_shared>> -> memref<48x128xf32, #tpu.memory_space<vmem_shared>>
      %dma_start3A_65 = arith.constant 0 : i32
      %dma_start3A_66 = tpu.memref_slice %arg4[%add3A_28, %dma_start3A_65] : memref<10000x128xf32, #tpu.memory_space<vmem_shared>> -> memref<48x128xf32, #tpu.memory_space<vmem_shared>>
      tpu.enqueue_dma source(%arg8 : memref<48x128xf32, #tpu.memory_space<vmem>>) target(%dma_start3A_66 : memref<48x128xf32, #tpu.memory_space<vmem_shared>>) target_semaphore(%run_scoped3A : memref<!tpu.dma_semaphore, #tpu.memory_space<semaphore_mem>>)
      %dma_wait3A_67 = arith.constant 0 : i32
      %dma_wait3A_68 = tpu.memref_slice %arg4[%add3A_28, %dma_wait3A_67] : memref<10000x128xf32, #tpu.memory_space<vmem_shared>> -> memref<48x128xf32, #tpu.memory_space<vmem_shared>>
      %dma_wait3A_69 = arith.constant 0 : i32
      %dma_wait3A_70 = tpu.memref_slice %arg4[%add3A_28, %dma_wait3A_69] : memref<10000x128xf32, #tpu.memory_space<vmem_shared>> -> memref<48x128xf32, #tpu.memory_space<vmem_shared>>
      tpu.wait_dma2 semaphore(%run_scoped3A : memref<!tpu.dma_semaphore, #tpu.memory_space<semaphore_mem>>) src(%arg8 : memref<48x128xf32, #tpu.memory_space<vmem>>) dst(%dma_wait3A_70 : memref<48x128xf32, #tpu.memory_space<vmem_shared>>)
      tpu.yield
    }) : () -> ()
    %add3A_29 = arith.constant 288 : i32
    %add3A_30 = arith.addi %mul3A_16, %add3A_29 : i32
    "tpu.region"() ({
      %run_scoped3A = tpu.sem_alloc : memref<!tpu.dma_semaphore, #tpu.memory_space<semaphore_mem>>
      %dma_start3A_63 = arith.constant 0 : i32
      %dma_start3A_64 = tpu.memref_slice %arg4[%add3A_30, %dma_start3A_63] : memref<10000x128xf32, #tpu.memory_space<vmem_shared>> -> memref<48x128xf32, #tpu.memory_space<vmem_shared>>
      %dma_start3A_65 = arith.constant 0 : i32
      %dma_start3A_66 = tpu.memref_slice %arg4[%add3A_30, %dma_start3A_65] : memref<10000x128xf32, #tpu.memory_space<vmem_shared>> -> memref<48x128xf32, #tpu.memory_space<vmem_shared>>
      tpu.enqueue_dma source(%arg8 : memref<48x128xf32, #tpu.memory_space<vmem>>) target(%dma_start3A_66 : memref<48x128xf32, #tpu.memory_space<vmem_shared>>) target_semaphore(%run_scoped3A : memref<!tpu.dma_semaphore, #tpu.memory_space<semaphore_mem>>)
      %dma_wait3A_67 = arith.constant 0 : i32
      %dma_wait3A_68 = tpu.memref_slice %arg4[%add3A_30, %dma_wait3A_67] : memref<10000x128xf32, #tpu.memory_space<vmem_shared>> -> memref<48x128xf32, #tpu.memory_space<vmem_shared>>
      %dma_wait3A_69 = arith.constant 0 : i32
      %dma_wait3A_70 = tpu.memref_slice %arg4[%add3A_30, %dma_wait3A_69] : memref<10000x128xf32, #tpu.memory_space<vmem_shared>> -> memref<48x128xf32, #tpu.memory_space<vmem_shared>>
      tpu.wait_dma2 semaphore(%run_scoped3A : memref<!tpu.dma_semaphore, #tpu.memory_space<semaphore_mem>>) src(%arg8 : memref<48x128xf32, #tpu.memory_space<vmem>>) dst(%dma_wait3A_70 : memref<48x128xf32, #tpu.memory_space<vmem_shared>>)
      tpu.yield
    }) : () -> ()
    %add3A_31 = arith.constant 336 : i32
    %add3A_32 = arith.addi %mul3A_16, %add3A_31 : i32
    "tpu.region"() ({
      %run_scoped3A = tpu.sem_alloc : memref<!tpu.dma_semaphore, #tpu.memory_space<semaphore_mem>>
      %dma_start3A_63 = arith.constant 0 : i32
      %dma_start3A_64 = tpu.memref_slice %arg4[%add3A_32, %dma_start3A_63] : memref<10000x128xf32, #tpu.memory_space<vmem_shared>> -> memref<48x128xf32, #tpu.memory_space<vmem_shared>>
      %dma_start3A_65 = arith.constant 0 : i32
      %dma_start3A_66 = tpu.memref_slice %arg4[%add3A_32, %dma_start3A_65] : memref<10000x128xf32, #tpu.memory_space<vmem_shared>> -> memref<48x128xf32, #tpu.memory_space<vmem_shared>>
      tpu.enqueue_dma source(%arg8 : memref<48x128xf32, #tpu.memory_space<vmem>>) target(%dma_start3A_66 : memref<48x128xf32, #tpu.memory_space<vmem_shared>>) target_semaphore(%run_scoped3A : memref<!tpu.dma_semaphore, #tpu.memory_space<semaphore_mem>>)
      %dma_wait3A_67 = arith.constant 0 : i32
      %dma_wait3A_68 = tpu.memref_slice %arg4[%add3A_32, %dma_wait3A_67] : memref<10000x128xf32, #tpu.memory_space<vmem_shared>> -> memref<48x128xf32, #tpu.memory_space<vmem_shared>>
      %dma_wait3A_69 = arith.constant 0 : i32
      %dma_wait3A_70 = tpu.memref_slice %arg4[%add3A_32, %dma_wait3A_69] : memref<10000x128xf32, #tpu.memory_space<vmem_shared>> -> memref<48x128xf32, #tpu.memory_space<vmem_shared>>
      tpu.wait_dma2 semaphore(%run_scoped3A : memref<!tpu.dma_semaphore, #tpu.memory_space<semaphore_mem>>) src(%arg8 : memref<48x128xf32, #tpu.memory_space<vmem>>) dst(%dma_wait3A_70 : memref<48x128xf32, #tpu.memory_space<vmem_shared>>)
      tpu.yield
    }) : () -> ()
    %add3A_33 = arith.constant 384 : i32
    %add3A_34 = arith.addi %mul3A_16, %add3A_33 : i32
    "tpu.region"() ({
      %run_scoped3A = tpu.sem_alloc : memref<!tpu.dma_semaphore, #tpu.memory_space<semaphore_mem>>
      %dma_start3A_63 = arith.constant 0 : i32
      %dma_start3A_64 = tpu.memref_slice %arg4[%add3A_34, %dma_start3A_63] : memref<10000x128xf32, #tpu.memory_space<vmem_shared>> -> memref<48x128xf32, #tpu.memory_space<vmem_shared>>
      %dma_start3A_65 = arith.constant 0 : i32
      %dma_start3A_66 = tpu.memref_slice %arg4[%add3A_34, %dma_start3A_65] : memref<10000x128xf32, #tpu.memory_space<vmem_shared>> -> memref<48x128xf32, #tpu.memory_space<vmem_shared>>
      tpu.enqueue_dma source(%arg8 : memref<48x128xf32, #tpu.memory_space<vmem>>) target(%dma_start3A_66 : memref<48x128xf32, #tpu.memory_space<vmem_shared>>) target_semaphore(%run_scoped3A : memref<!tpu.dma_semaphore, #tpu.memory_space<semaphore_mem>>)
      %dma_wait3A_67 = arith.constant 0 : i32
      %dma_wait3A_68 = tpu.memref_slice %arg4[%add3A_34, %dma_wait3A_67] : memref<10000x128xf32, #tpu.memory_space<vmem_shared>> -> memref<48x128xf32, #tpu.memory_space<vmem_shared>>
      %dma_wait3A_69 = arith.constant 0 : i32
      %dma_wait3A_70 = tpu.memref_slice %arg4[%add3A_34, %dma_wait3A_69] : memref<10000x128xf32, #tpu.memory_space<vmem_shared>> -> memref<48x128xf32, #tpu.memory_space<vmem_shared>>
      tpu.wait_dma2 semaphore(%run_scoped3A : memref<!tpu.dma_semaphore, #tpu.memory_space<semaphore_mem>>) src(%arg8 : memref<48x128xf32, #tpu.memory_space<vmem>>) dst(%dma_wait3A_70 : memref<48x128xf32, #tpu.memory_space<vmem_shared>>)
      tpu.yield
    }) : () -> ()
    %add3A_35 = arith.constant 432 : i32
    %add3A_36 = arith.addi %mul3A_16, %add3A_35 : i32
    "tpu.region"() ({
      %run_scoped3A = tpu.sem_alloc : memref<!tpu.dma_semaphore, #tpu.memory_space<semaphore_mem>>
      %dma_start3A_63 = arith.constant 0 : i32
      %dma_start3A_64 = tpu.memref_slice %arg4[%add3A_36, %dma_start3A_63] : memref<10000x128xf32, #tpu.memory_space<vmem_shared>> -> memref<48x128xf32, #tpu.memory_space<vmem_shared>>
      %dma_start3A_65 = arith.constant 0 : i32
      %dma_start3A_66 = tpu.memref_slice %arg4[%add3A_36, %dma_start3A_65] : memref<10000x128xf32, #tpu.memory_space<vmem_shared>> -> memref<48x128xf32, #tpu.memory_space<vmem_shared>>
      tpu.enqueue_dma source(%arg8 : memref<48x128xf32, #tpu.memory_space<vmem>>) target(%dma_start3A_66 : memref<48x128xf32, #tpu.memory_space<vmem_shared>>) target_semaphore(%run_scoped3A : memref<!tpu.dma_semaphore, #tpu.memory_space<semaphore_mem>>)
      %dma_wait3A_67 = arith.constant 0 : i32
      %dma_wait3A_68 = tpu.memref_slice %arg4[%add3A_36, %dma_wait3A_67] : memref<10000x128xf32, #tpu.memory_space<vmem_shared>> -> memref<48x128xf32, #tpu.memory_space<vmem_shared>>
      %dma_wait3A_69 = arith.constant 0 : i32
      %dma_wait3A_70 = tpu.memref_slice %arg4[%add3A_36, %dma_wait3A_69] : memref<10000x128xf32, #tpu.memory_space<vmem_shared>> -> memref<48x128xf32, #tpu.memory_space<vmem_shared>>
      tpu.wait_dma2 semaphore(%run_scoped3A : memref<!tpu.dma_semaphore, #tpu.memory_space<semaphore_mem>>) src(%arg8 : memref<48x128xf32, #tpu.memory_space<vmem>>) dst(%dma_wait3A_70 : memref<48x128xf32, #tpu.memory_space<vmem_shared>>)
      tpu.yield
    }) : () -> ()
    %add3A_37 = arith.constant 480 : i32
    %add3A_38 = arith.addi %mul3A_16, %add3A_37 : i32
    "tpu.region"() ({
      %run_scoped3A = tpu.sem_alloc : memref<!tpu.dma_semaphore, #tpu.memory_space<semaphore_mem>>
      %dma_start3A_63 = arith.constant 0 : i32
      %dma_start3A_64 = tpu.memref_slice %arg4[%add3A_38, %dma_start3A_63] : memref<10000x128xf32, #tpu.memory_space<vmem_shared>> -> memref<48x128xf32, #tpu.memory_space<vmem_shared>>
      %dma_start3A_65 = arith.constant 0 : i32
      %dma_start3A_66 = tpu.memref_slice %arg4[%add3A_38, %dma_start3A_65] : memref<10000x128xf32, #tpu.memory_space<vmem_shared>> -> memref<48x128xf32, #tpu.memory_space<vmem_shared>>
      tpu.enqueue_dma source(%arg8 : memref<48x128xf32, #tpu.memory_space<vmem>>) target(%dma_start3A_66 : memref<48x128xf32, #tpu.memory_space<vmem_shared>>) target_semaphore(%run_scoped3A : memref<!tpu.dma_semaphore, #tpu.memory_space<semaphore_mem>>)
      %dma_wait3A_67 = arith.constant 0 : i32
      %dma_wait3A_68 = tpu.memref_slice %arg4[%add3A_38, %dma_wait3A_67] : memref<10000x128xf32, #tpu.memory_space<vmem_shared>> -> memref<48x128xf32, #tpu.memory_space<vmem_shared>>
      %dma_wait3A_69 = arith.constant 0 : i32
      %dma_wait3A_70 = tpu.memref_slice %arg4[%add3A_38, %dma_wait3A_69] : memref<10000x128xf32, #tpu.memory_space<vmem_shared>> -> memref<48x128xf32, #tpu.memory_space<vmem_shared>>
      tpu.wait_dma2 semaphore(%run_scoped3A : memref<!tpu.dma_semaphore, #tpu.memory_space<semaphore_mem>>) src(%arg8 : memref<48x128xf32, #tpu.memory_space<vmem>>) dst(%dma_wait3A_70 : memref<48x128xf32, #tpu.memory_space<vmem_shared>>)
      tpu.yield
    }) : () -> ()
    %add3A_39 = arith.constant 528 : i32
    %add3A_40 = arith.addi %mul3A_16, %add3A_39 : i32
    "tpu.region"() ({
      %run_scoped3A = tpu.sem_alloc : memref<!tpu.dma_semaphore, #tpu.memory_space<semaphore_mem>>
      %dma_start3A_63 = arith.constant 0 : i32
      %dma_start3A_64 = tpu.memref_slice %arg4[%add3A_40, %dma_start3A_63] : memref<10000x128xf32, #tpu.memory_space<vmem_shared>> -> memref<48x128xf32, #tpu.memory_space<vmem_shared>>
      %dma_start3A_65 = arith.constant 0 : i32
      %dma_start3A_66 = tpu.memref_slice %arg4[%add3A_40, %dma_start3A_65] : memref<10000x128xf32, #tpu.memory_space<vmem_shared>> -> memref<48x128xf32, #tpu.memory_space<vmem_shared>>
      tpu.enqueue_dma source(%arg8 : memref<48x128xf32, #tpu.memory_space<vmem>>) target(%dma_start3A_66 : memref<48x128xf32, #tpu.memory_space<vmem_shared>>) target_semaphore(%run_scoped3A : memref<!tpu.dma_semaphore, #tpu.memory_space<semaphore_mem>>)
      %dma_wait3A_67 = arith.constant 0 : i32
      %dma_wait3A_68 = tpu.memref_slice %arg4[%add3A_40, %dma_wait3A_67] : memref<10000x128xf32, #tpu.memory_space<vmem_shared>> -> memref<48x128xf32, #tpu.memory_space<vmem_shared>>
      %dma_wait3A_69 = arith.constant 0 : i32
      %dma_wait3A_70 = tpu.memref_slice %arg4[%add3A_40, %dma_wait3A_69] : memref<10000x128xf32, #tpu.memory_space<vmem_shared>> -> memref<48x128xf32, #tpu.memory_space<vmem_shared>>
      tpu.wait_dma2 semaphore(%run_scoped3A : memref<!tpu.dma_semaphore, #tpu.memory_space<semaphore_mem>>) src(%arg8 : memref<48x128xf32, #tpu.memory_space<vmem>>) dst(%dma_wait3A_70 : memref<48x128xf32, #tpu.memory_space<vmem_shared>>)
      tpu.yield
    }) : () -> ()
    %add3A_41 = arith.constant 576 : i32
    %add3A_42 = arith.addi %mul3A_16, %add3A_41 : i32
    "tpu.region"() ({
      %run_scoped3A = tpu.sem_alloc : memref<!tpu.dma_semaphore, #tpu.memory_space<semaphore_mem>>
      %dma_start3A_63 = arith.constant 0 : i32
      %dma_start3A_64 = tpu.memref_slice %arg4[%add3A_42, %dma_start3A_63] : memref<10000x128xf32, #tpu.memory_space<vmem_shared>> -> memref<48x128xf32, #tpu.memory_space<vmem_shared>>
      %dma_start3A_65 = arith.constant 0 : i32
      %dma_start3A_66 = tpu.memref_slice %arg4[%add3A_42, %dma_start3A_65] : memref<10000x128xf32, #tpu.memory_space<vmem_shared>> -> memref<48x128xf32, #tpu.memory_space<vmem_shared>>
      tpu.enqueue_dma source(%arg8 : memref<48x128xf32, #tpu.memory_space<vmem>>) target(%dma_start3A_66 : memref<48x128xf32, #tpu.memory_space<vmem_shared>>) target_semaphore(%run_scoped3A : memref<!tpu.dma_semaphore, #tpu.memory_space<semaphore_mem>>)
      %dma_wait3A_67 = arith.constant 0 : i32
      %dma_wait3A_68 = tpu.memref_slice %arg4[%add3A_42, %dma_wait3A_67] : memref<10000x128xf32, #tpu.memory_space<vmem_shared>> -> memref<48x128xf32, #tpu.memory_space<vmem_shared>>
      %dma_wait3A_69 = arith.constant 0 : i32
      %dma_wait3A_70 = tpu.memref_slice %arg4[%add3A_42, %dma_wait3A_69] : memref<10000x128xf32, #tpu.memory_space<vmem_shared>> -> memref<48x128xf32, #tpu.memory_space<vmem_shared>>
      tpu.wait_dma2 semaphore(%run_scoped3A : memref<!tpu.dma_semaphore, #tpu.memory_space<semaphore_mem>>) src(%arg8 : memref<48x128xf32, #tpu.memory_space<vmem>>) dst(%dma_wait3A_70 : memref<48x128xf32, #tpu.memory_space<vmem_shared>>)
      tpu.yield
    }) : () -> ()
    %eq3A = arith.constant 15 : i32
    %eq3A_43 = arith.cmpi eq, %arg1, %eq3A : i32
    %convert_element_type3A = arith.extui %eq3A_43 : i1 to i32
    %cond3A = arith.constant 0 : i32
    %cond3A_44 = arith.cmpi ne, %convert_element_type3A, %cond3A : i32
    scf.if %cond3A_44 {
      "tpu.region"() ({
        %run_scoped3A = tpu.sem_alloc : memref<!tpu.dma_semaphore, #tpu.memory_space<semaphore_mem>>
        %dma_start3A_63 = arith.constant 0 : i32
        %dma_start3A_64 = arith.constant 0 : i32
        %dma_start3A_65 = tpu.memref_slice %arg8[%dma_start3A_63, %dma_start3A_64] : memref<48x128xf32, #tpu.memory_space<vmem>> -> memref<16x128xf32, #tpu.memory_space<vmem>>
        %dma_start3A_66 = arith.constant 9984 : i32
        %dma_start3A_67 = arith.constant 0 : i32
        %dma_start3A_68 = tpu.memref_slice %arg4[%dma_start3A_66, %dma_start3A_67] : memref<10000x128xf32, #tpu.memory_space<vmem_shared>> -> memref<16x128xf32, #tpu.memory_space<vmem_shared>>
        %dma_start3A_69 = arith.constant 9984 : i32
        %dma_start3A_70 = arith.constant 0 : i32
        %dma_start3A_71 = tpu.memref_slice %arg4[%dma_start3A_69, %dma_start3A_70] : memref<10000x128xf32, #tpu.memory_space<vmem_shared>> -> memref<16x128xf32, #tpu.memory_space<vmem_shared>>
        %dma_start3A_72 = arith.constant 0 : i32
        %dma_start3A_73 = arith.constant 0 : i32
        %dma_start3A_74 = tpu.memref_slice %arg8[%dma_start3A_72, %dma_start3A_73] : memref<48x128xf32, #tpu.memory_space<vmem>> -> memref<16x128xf32, #tpu.memory_space<vmem>>
        tpu.enqueue_dma source(%dma_start3A_74 : memref<16x128xf32, #tpu.memory_space<vmem>>) target(%dma_start3A_71 : memref<16x128xf32, #tpu.memory_space<vmem_shared>>) target_semaphore(%run_scoped3A : memref<!tpu.dma_semaphore, #tpu.memory_space<semaphore_mem>>)
        %dma_wait3A_75 = arith.constant 0 : i32
        %dma_wait3A_76 = arith.constant 0 : i32
        %dma_wait3A_77 = tpu.memref_slice %arg8[%dma_wait3A_75, %dma_wait3A_76] : memref<48x128xf32, #tpu.memory_space<vmem>> -> memref<16x128xf32, #tpu.memory_space<vmem>>
        %dma_wait3A_78 = arith.constant 9984 : i32
        %dma_wait3A_79 = arith.constant 0 : i32
        %dma_wait3A_80 = tpu.memref_slice %arg4[%dma_wait3A_78, %dma_wait3A_79] : memref<10000x128xf32, #tpu.memory_space<vmem_shared>> -> memref<16x128xf32, #tpu.memory_space<vmem_shared>>
        %dma_wait3A_81 = arith.constant 9984 : i32
        %dma_wait3A_82 = arith.constant 0 : i32
        %dma_wait3A_83 = tpu.memref_slice %arg4[%dma_wait3A_81, %dma_wait3A_82] : memref<10000x128xf32, #tpu.memory_space<vmem_shared>> -> memref<16x128xf32, #tpu.memory_space<vmem_shared>>
        %dma_wait3A_84 = arith.constant 0 : i32
        %dma_wait3A_85 = arith.constant 0 : i32
        %dma_wait3A_86 = tpu.memref_slice %arg8[%dma_wait3A_84, %dma_wait3A_85] : memref<48x128xf32, #tpu.memory_space<vmem>> -> memref<16x128xf32, #tpu.memory_space<vmem>>
        tpu.wait_dma2 semaphore(%run_scoped3A : memref<!tpu.dma_semaphore, #tpu.memory_space<semaphore_mem>>) src(%dma_wait3A_86 : memref<16x128xf32, #tpu.memory_space<vmem>>) dst(%dma_wait3A_83 : memref<16x128xf32, #tpu.memory_space<vmem_shared>>)
        tpu.yield
      }) : () -> ()
    } else {
    }
    %barrier3A = arith.constant 0 : index
    tpu.barrier barrier_id(%barrier3A)
    %mul3A_45 = arith.constant 10000 : i32
    %mul3A_46 = arith.muli %add3A, %mul3A_45 : i32
    "tpu.region"() ({
      %run_scoped3A = tpu.sem_alloc : memref<!tpu.dma_semaphore, #tpu.memory_space<semaphore_mem>>
      %dma_start3A_63 = tpu.memref_slice %arg2[%mul3A_46] : memref<320000xi32, #tpu.memory_space<hbm>> -> memref<80xi32, #tpu.memory_space<hbm>>
      %dma_start3A_64 = tpu.memref_slice %arg2[%mul3A_46] : memref<320000xi32, #tpu.memory_space<hbm>> -> memref<80xi32, #tpu.memory_space<hbm>>
      tpu.enqueue_dma source(%dma_start3A_64 : memref<80xi32, #tpu.memory_space<hbm>>) target(%arg5 : memref<80xi32, #tpu.memory_space<vmem>>) target_semaphore(%run_scoped3A : memref<!tpu.dma_semaphore, #tpu.memory_space<semaphore_mem>>)
      %dma_wait3A_65 = tpu.memref_slice %arg2[%mul3A_46] : memref<320000xi32, #tpu.memory_space<hbm>> -> memref<80xi32, #tpu.memory_space<hbm>>
      %dma_wait3A_66 = tpu.memref_slice %arg2[%mul3A_46] : memref<320000xi32, #tpu.memory_space<hbm>> -> memref<80xi32, #tpu.memory_space<hbm>>
      tpu.wait_dma2 semaphore(%run_scoped3A : memref<!tpu.dma_semaphore, #tpu.memory_space<semaphore_mem>>) src(%dma_wait3A_66 : memref<80xi32, #tpu.memory_space<hbm>>) dst(%arg5 : memref<80xi32, #tpu.memory_space<vmem>>)
      tpu.yield
    }) : () -> ()
    %dma_start3A = arith.constant 0 : i32
    %dma_start3A_47 = arith.constant 0 : i32
    %dma_start3A_48 = tpu.memref_slice %arg4[%dma_start3A, %dma_start3A_47] : memref<10000x128xf32, #tpu.memory_space<vmem_shared>> -> memref<10000x128xf32, #tpu.memory_space<vmem_shared>>
    tpu.enqueue_indirect_dma source(%arg7 : memref<80x128xf32, #tpu.memory_space<vmem>>) target(%dma_start3A_48 : memref<10000x128xf32, #tpu.memory_space<vmem_shared>>) offsets(%arg5 : memref<80xi32, #tpu.memory_space<vmem>>) semaphore(%arg9 : memref<!tpu.dma_semaphore, #tpu.memory_space<semaphore_mem>>) {add = true}
    %scan3A_49 = arith.constant 0 : i32
    %scan3A_50 = arith.constant 0 : i32
    %scan3A_51 = arith.constant 62 : i32
    %scan3A_52 = arith.addi %scan3A_50, %scan3A_51 : i32
    %scan3A_53 = arith.constant 1 : i32
    scf.for %scan3A_63 = %scan3A_50 to %scan3A_52 step %scan3A_53  : i32 {
      %mul3A_64 = arith.constant 2 : i32
      %mul3A_65 = arith.muli %mul3A_64, %scan3A_63 : i32
      %add3A_66 = arith.constant 1 : i32
      %add3A_67 = arith.addi %mul3A_65, %add3A_66 : i32
      %mul3A_68 = arith.constant 80 : i32
      %mul3A_69 = arith.muli %add3A_67, %mul3A_68 : i32
      %add3A_70 = arith.addi %mul3A_46, %mul3A_69 : i32
      "tpu.region"() ({
        %run_scoped3A = tpu.sem_alloc : memref<!tpu.dma_semaphore, #tpu.memory_space<semaphore_mem>>
        %dma_start3A_90 = tpu.memref_slice %arg2[%add3A_70] : memref<320000xi32, #tpu.memory_space<hbm>> -> memref<80xi32, #tpu.memory_space<hbm>>
        %dma_start3A_91 = tpu.memref_slice %arg2[%add3A_70] : memref<320000xi32, #tpu.memory_space<hbm>> -> memref<80xi32, #tpu.memory_space<hbm>>
        tpu.enqueue_dma source(%dma_start3A_91 : memref<80xi32, #tpu.memory_space<hbm>>) target(%arg6 : memref<80xi32, #tpu.memory_space<vmem>>) target_semaphore(%run_scoped3A : memref<!tpu.dma_semaphore, #tpu.memory_space<semaphore_mem>>)
        %dma_wait3A_92 = tpu.memref_slice %arg2[%add3A_70] : memref<320000xi32, #tpu.memory_space<hbm>> -> memref<80xi32, #tpu.memory_space<hbm>>
        %dma_wait3A_93 = tpu.memref_slice %arg2[%add3A_70] : memref<320000xi32, #tpu.memory_space<hbm>> -> memref<80xi32, #tpu.memory_space<hbm>>
        tpu.wait_dma2 semaphore(%run_scoped3A : memref<!tpu.dma_semaphore, #tpu.memory_space<semaphore_mem>>) src(%dma_wait3A_93 : memref<80xi32, #tpu.memory_space<hbm>>) dst(%arg6 : memref<80xi32, #tpu.memory_space<vmem>>)
        tpu.yield
      }) : () -> ()
      %dma_start3A_71 = arith.constant 0 : i32
      %dma_start3A_72 = arith.constant 0 : i32
      %dma_start3A_73 = tpu.memref_slice %arg4[%dma_start3A_71, %dma_start3A_72] : memref<10000x128xf32, #tpu.memory_space<vmem_shared>> -> memref<10000x128xf32, #tpu.memory_space<vmem_shared>>
      tpu.enqueue_indirect_dma source(%arg7 : memref<80x128xf32, #tpu.memory_space<vmem>>) target(%dma_start3A_73 : memref<10000x128xf32, #tpu.memory_space<vmem_shared>>) offsets(%arg6 : memref<80xi32, #tpu.memory_space<vmem>>) semaphore(%arg10 : memref<!tpu.dma_semaphore, #tpu.memory_space<semaphore_mem>>) {add = true}
      %dma_wait3A_74 = arith.constant 0 : i32
      %dma_wait3A_75 = arith.constant 0 : i32
      %dma_wait3A_76 = tpu.memref_slice %arg4[%dma_wait3A_74, %dma_wait3A_75] : memref<10000x128xf32, #tpu.memory_space<vmem_shared>> -> memref<10000x128xf32, #tpu.memory_space<vmem_shared>>
      tpu.wait_indirect_dma semaphore(%arg9 : memref<!tpu.dma_semaphore, #tpu.memory_space<semaphore_mem>>) src(%arg7 : memref<80x128xf32, #tpu.memory_space<vmem>>) dst(%dma_wait3A_76 : memref<10000x128xf32, #tpu.memory_space<vmem_shared>>)
      %mul3A_77 = arith.constant 2 : i32
      %mul3A_78 = arith.muli %mul3A_77, %scan3A_63 : i32
      %add3A_79 = arith.constant 2 : i32
      %add3A_80 = arith.addi %mul3A_78, %add3A_79 : i32
      %mul3A_81 = arith.constant 80 : i32
      %mul3A_82 = arith.muli %add3A_80, %mul3A_81 : i32
      %add3A_83 = arith.addi %mul3A_46, %mul3A_82 : i32
      "tpu.region"() ({
        %run_scoped3A = tpu.sem_alloc : memref<!tpu.dma_semaphore, #tpu.memory_space<semaphore_mem>>
        %dma_start3A_90 = tpu.memref_slice %arg2[%add3A_83] : memref<320000xi32, #tpu.memory_space<hbm>> -> memref<80xi32, #tpu.memory_space<hbm>>
        %dma_start3A_91 = tpu.memref_slice %arg2[%add3A_83] : memref<320000xi32, #tpu.memory_space<hbm>> -> memref<80xi32, #tpu.memory_space<hbm>>
        tpu.enqueue_dma source(%dma_start3A_91 : memref<80xi32, #tpu.memory_space<hbm>>) target(%arg5 : memref<80xi32, #tpu.memory_space<vmem>>) target_semaphore(%run_scoped3A : memref<!tpu.dma_semaphore, #tpu.memory_space<semaphore_mem>>)
        %dma_wait3A_92 = tpu.memref_slice %arg2[%add3A_83] : memref<320000xi32, #tpu.memory_space<hbm>> -> memref<80xi32, #tpu.memory_space<hbm>>
        %dma_wait3A_93 = tpu.memref_slice %arg2[%add3A_83] : memref<320000xi32, #tpu.memory_space<hbm>> -> memref<80xi32, #tpu.memory_space<hbm>>
        tpu.wait_dma2 semaphore(%run_scoped3A : memref<!tpu.dma_semaphore, #tpu.memory_space<semaphore_mem>>) src(%dma_wait3A_93 : memref<80xi32, #tpu.memory_space<hbm>>) dst(%arg5 : memref<80xi32, #tpu.memory_space<vmem>>)
        tpu.yield
      }) : () -> ()
      %dma_start3A_84 = arith.constant 0 : i32
      %dma_start3A_85 = arith.constant 0 : i32
      %dma_start3A_86 = tpu.memref_slice %arg4[%dma_start3A_84, %dma_start3A_85] : memref<10000x128xf32, #tpu.memory_space<vmem_shared>> -> memref<10000x128xf32, #tpu.memory_space<vmem_shared>>
      tpu.enqueue_indirect_dma source(%arg7 : memref<80x128xf32, #tpu.memory_space<vmem>>) target(%dma_start3A_86 : memref<10000x128xf32, #tpu.memory_space<vmem_shared>>) offsets(%arg5 : memref<80xi32, #tpu.memory_space<vmem>>) semaphore(%arg9 : memref<!tpu.dma_semaphore, #tpu.memory_space<semaphore_mem>>) {add = true}
      %dma_wait3A_87 = arith.constant 0 : i32
      %dma_wait3A_88 = arith.constant 0 : i32
      %dma_wait3A_89 = tpu.memref_slice %arg4[%dma_wait3A_87, %dma_wait3A_88] : memref<10000x128xf32, #tpu.memory_space<vmem_shared>> -> memref<10000x128xf32, #tpu.memory_space<vmem_shared>>
      tpu.wait_indirect_dma semaphore(%arg10 : memref<!tpu.dma_semaphore, #tpu.memory_space<semaphore_mem>>) src(%arg7 : memref<80x128xf32, #tpu.memory_space<vmem>>) dst(%dma_wait3A_89 : memref<10000x128xf32, #tpu.memory_space<vmem_shared>>)
    }
    %scan3A_54 = arith.constant 62 : i32
    %dma_wait3A = arith.constant 0 : i32
    %dma_wait3A_55 = arith.constant 0 : i32
    %dma_wait3A_56 = tpu.memref_slice %arg4[%dma_wait3A, %dma_wait3A_55] : memref<10000x128xf32, #tpu.memory_space<vmem_shared>> -> memref<10000x128xf32, #tpu.memory_space<vmem_shared>>
    tpu.wait_indirect_dma semaphore(%arg9 : memref<!tpu.dma_semaphore, #tpu.memory_space<semaphore_mem>>) src(%arg7 : memref<80x128xf32, #tpu.memory_space<vmem>>) dst(%dma_wait3A_56 : memref<10000x128xf32, #tpu.memory_space<vmem_shared>>)
    %barrier3A_57 = arith.constant 0 : index
    tpu.barrier barrier_id(%barrier3A_57)
    "tpu.region"() ({
      %run_scoped3A = tpu.sem_alloc : memref<!tpu.dma_semaphore, #tpu.memory_space<semaphore_mem>>
      %dma_start3A_63 = arith.constant 0 : i32
      %dma_start3A_64 = tpu.memref_slice %arg3[%arg0, %mul3A_16, %dma_start3A_63] : memref<2x10000x128xf32, #tpu.memory_space<hbm>> -> memref<1x624x128xf32, #tpu.memory_space<hbm>>
      %dma_start3A_65 = tpu.memref_squeeze %dma_start3A_64 : memref<1x624x128xf32, #tpu.memory_space<hbm>> -> memref<624x128xf32, #tpu.memory_space<hbm>>
      %dma_start3A_66 = arith.constant 0 : i32
      %dma_start3A_67 = tpu.memref_slice %arg4[%mul3A_16, %dma_start3A_66] : memref<10000x128xf32, #tpu.memory_space<vmem_shared>> -> memref<624x128xf32, #tpu.memory_space<vmem_shared>>
      tpu.enqueue_dma source(%dma_start3A_67 : memref<624x128xf32, #tpu.memory_space<vmem_shared>>) target(%dma_start3A_65 : memref<624x128xf32, #tpu.memory_space<hbm>>) target_semaphore(%run_scoped3A : memref<!tpu.dma_semaphore, #tpu.memory_space<semaphore_mem>>)
      %dma_wait3A_68 = arith.constant 0 : i32
      %dma_wait3A_69 = tpu.memref_slice %arg3[%arg0, %mul3A_16, %dma_wait3A_68] : memref<2x10000x128xf32, #tpu.memory_space<hbm>> -> memref<1x624x128xf32, #tpu.memory_space<hbm>>
      %dma_wait3A_70 = tpu.memref_squeeze %dma_wait3A_69 : memref<1x624x128xf32, #tpu.memory_space<hbm>> -> memref<624x128xf32, #tpu.memory_space<hbm>>
      %dma_wait3A_71 = arith.constant 0 : i32
      %dma_wait3A_72 = tpu.memref_slice %arg4[%mul3A_16, %dma_wait3A_71] : memref<10000x128xf32, #tpu.memory_space<vmem_shared>> -> memref<624x128xf32, #tpu.memory_space<vmem_shared>>
      tpu.wait_dma2 semaphore(%run_scoped3A : memref<!tpu.dma_semaphore, #tpu.memory_space<semaphore_mem>>) src(%dma_wait3A_72 : memref<624x128xf32, #tpu.memory_space<vmem_shared>>) dst(%dma_wait3A_70 : memref<624x128xf32, #tpu.memory_space<hbm>>)
      tpu.yield
    }) : () -> ()
    %eq3A_58 = arith.constant 15 : i32
    %eq3A_59 = arith.cmpi eq, %arg1, %eq3A_58 : i32
    %convert_element_type3A_60 = arith.extui %eq3A_59 : i1 to i32
    %cond3A_61 = arith.constant 0 : i32
    %cond3A_62 = arith.cmpi ne, %convert_element_type3A_60, %cond3A_61 : i32
    scf.if %cond3A_62 {
      "tpu.region"() ({
        %run_scoped3A = tpu.sem_alloc : memref<!tpu.dma_semaphore, #tpu.memory_space<semaphore_mem>>
        %dma_start3A_63 = arith.constant 9984 : i32
        %dma_start3A_64 = arith.constant 0 : i32
        %dma_start3A_65 = tpu.memref_slice %arg3[%arg0, %dma_start3A_63, %dma_start3A_64] : memref<2x10000x128xf32, #tpu.memory_space<hbm>> -> memref<1x16x128xf32, #tpu.memory_space<hbm>>
        %dma_start3A_66 = tpu.memref_squeeze %dma_start3A_65 : memref<1x16x128xf32, #tpu.memory_space<hbm>> -> memref<16x128xf32, #tpu.memory_space<hbm>>
        %dma_start3A_67 = arith.constant 9984 : i32
        %dma_start3A_68 = arith.constant 0 : i32
        %dma_start3A_69 = tpu.memref_slice %arg4[%dma_start3A_67, %dma_start3A_68] : memref<10000x128xf32, #tpu.memory_space<vmem_shared>> -> memref<16x128xf32, #tpu.memory_space<vmem_shared>>
        tpu.enqueue_dma source(%dma_start3A_69 : memref<16x128xf32, #tpu.memory_space<vmem_shared>>) target(%dma_start3A_66 : memref<16x128xf32, #tpu.memory_space<hbm>>) target_semaphore(%run_scoped3A : memref<!tpu.dma_semaphore, #tpu.memory_space<semaphore_mem>>)
        %dma_wait3A_70 = arith.constant 9984 : i32
        %dma_wait3A_71 = arith.constant 0 : i32
        %dma_wait3A_72 = tpu.memref_slice %arg3[%arg0, %dma_wait3A_70, %dma_wait3A_71] : memref<2x10000x128xf32, #tpu.memory_space<hbm>> -> memref<1x16x128xf32, #tpu.memory_space<hbm>>
        %dma_wait3A_73 = tpu.memref_squeeze %dma_wait3A_72 : memref<1x16x128xf32, #tpu.memory_space<hbm>> -> memref<16x128xf32, #tpu.memory_space<hbm>>
        %dma_wait3A_74 = arith.constant 9984 : i32
        %dma_wait3A_75 = arith.constant 0 : i32
        %dma_wait3A_76 = tpu.memref_slice %arg4[%dma_wait3A_74, %dma_wait3A_75] : memref<10000x128xf32, #tpu.memory_space<vmem_shared>> -> memref<16x128xf32, #tpu.memory_space<vmem_shared>>
        tpu.wait_dma2 semaphore(%run_scoped3A : memref<!tpu.dma_semaphore, #tpu.memory_space<semaphore_mem>>) src(%dma_wait3A_76 : memref<16x128xf32, #tpu.memory_space<vmem_shared>>) dst(%dma_wait3A_73 : memref<16x128xf32, #tpu.memory_space<hbm>>)
        tpu.yield
      }) : () -> ()
    } else {
    }
    return
  }
}

#map = affine_map<(d0, d1) -> (0, 0)>
#map1 = affine_map<(d0, d1) -> (0)>
#map2 = affine_map<(d0, d1) -> (0, 0, 0)>
module attributes {stable_mosaic.version = 14 : i64} {
  func.func @agg(%arg0: i32, %arg1: i32, %arg2: memref<10000x128xf32, #tpu.memory_space<hbm>>, %arg3: memref<320000xi32, #tpu.memory_space<hbm>>, %arg4: memref<320000xi32, #tpu.memory_space<hbm>>, %arg5: memref<2x10000x128xf32, #tpu.memory_space<hbm>>, %arg6: memref<10000x128xf32, #tpu.memory_space<vmem_shared>>, %arg7: memref<160xi32, #tpu.memory_space<vmem>>, %arg8: memref<160xi32, #tpu.memory_space<vmem>>, %arg9: memref<160xi32, #tpu.memory_space<vmem>>, %arg10: memref<160xi32, #tpu.memory_space<vmem>>, %arg11: memref<80xi32, #tpu.memory_space<vmem>>, %arg12: memref<80xi32, #tpu.memory_space<vmem>>, %arg13: memref<80x128xf32, #tpu.memory_space<vmem>>, %arg14: memref<80x128xf32, #tpu.memory_space<vmem>>, %arg15: memref<48x128xf32, #tpu.memory_space<vmem>>, %arg16: memref<!tpu.dma_semaphore, #tpu.memory_space<semaphore_mem>>, %arg17: memref<!tpu.dma_semaphore, #tpu.memory_space<semaphore_mem>>, %arg18: memref<!tpu.dma_semaphore, #tpu.memory_space<semaphore_mem>>, %arg19: memref<!tpu.dma_semaphore, #tpu.memory_space<semaphore_mem>>) attributes {dimension_semantics = [#tpu.dimension_semantics<core_parallel>, #tpu.dimension_semantics<subcore_parallel>], iteration_bounds = array<i64: 2, 16>, scalar_prefetch = 0 : i64, scratch_operands = 14 : i64, tpu.core_type = #tpu.core_type<sc_vector_subcore>, window_params = [{transform_indices = #map}, {transform_indices = #map1}, {transform_indices = #map1}, {transform_indices = #map2}]} {
    %mul3A = arith.constant 2 : i32
    %mul3A_0 = arith.muli %arg1, %mul3A : i32
    %add3A = arith.addi %mul3A_0, %arg0 : i32
    %broadcast_in_dim3A = arith.constant 0.000000e+00 : f32
    %broadcast_in_dim3A_1 = vector.broadcast %broadcast_in_dim3A : f32 to vector<16xf32>
    %scan3A = arith.constant 0 : i32
    %scan3A_2 = arith.constant 0 : i32
    %scan3A_3 = arith.constant 384 : i32
    %scan3A_4 = arith.addi %scan3A_2, %scan3A_3 : i32
    %scan3A_5 = arith.constant 1 : i32
    scf.for %scan3A_73 = %scan3A_2 to %scan3A_4 step %scan3A_5  : i32 {
      %jit3A = arith.constant 8 : i32
      %div3A = arith.divsi %scan3A_73, %jit3A : i32
      %sign3A = arith.constant 0 : i32
      %sign3A_74 = arith.cmpi sgt, %scan3A_73, %sign3A : i32
      %sign3A_75 = arith.extui %sign3A_74 : i1 to i32
      %sign3A_76 = arith.constant 0 : i32
      %sign3A_77 = arith.cmpi slt, %scan3A_73, %sign3A_76 : i32
      %sign3A_78 = arith.extui %sign3A_77 : i1 to i32
      %sign3A_79 = arith.subi %sign3A_75, %sign3A_78 : i32
      %sign3A_80 = arith.constant 0 : i32
      %sign3A_81 = arith.cmpi sgt, %jit3A, %sign3A_80 : i32
      %sign3A_82 = arith.extui %sign3A_81 : i1 to i32
      %sign3A_83 = arith.constant 0 : i32
      %sign3A_84 = arith.cmpi slt, %jit3A, %sign3A_83 : i32
      %sign3A_85 = arith.extui %sign3A_84 : i1 to i32
      %sign3A_86 = arith.subi %sign3A_82, %sign3A_85 : i32
      %ne3A = arith.cmpi ne, %sign3A_79, %sign3A_86 : i32
      %rem3A = arith.remsi %scan3A_73, %jit3A : i32
      %ne3A_87 = arith.constant 0 : i32
      %ne3A_88 = arith.cmpi ne, %rem3A, %ne3A_87 : i32
      %and3A = arith.andi %ne3A, %ne3A_88 : i1
      %sub3A = arith.constant 1 : i32
      %sub3A_89 = arith.subi %div3A, %sub3A : i32
      %select_n3A = arith.select %and3A, %sub3A_89, %div3A : i32
      %jit3A_90 = arith.constant 8 : i32
      %eq3A_91 = arith.constant 0 : i32
      %eq3A_92 = arith.cmpi eq, %jit3A_90, %eq3A_91 : i32
      %jit3A_93 = arith.constant 1 : i32
      %select_n3A_94 = arith.select %eq3A_92, %jit3A_93, %jit3A_90 : i32
      %rem3A_95 = arith.remsi %scan3A_73, %select_n3A_94 : i32
      %ne3A_96 = arith.constant 0 : i32
      %ne3A_97 = arith.cmpi ne, %rem3A_95, %ne3A_96 : i32
      %lt3A = arith.constant 0 : i32
      %lt3A_98 = arith.cmpi slt, %rem3A_95, %lt3A : i32
      %lt3A_99 = arith.constant 0 : i32
      %lt3A_100 = arith.cmpi slt, %select_n3A_94, %lt3A_99 : i32
      %ne3A_101 = arith.xori %lt3A_98, %lt3A_100 : i1
      %and3A_102 = arith.andi %ne3A_101, %ne3A_97 : i1
      %add3A_103 = arith.addi %rem3A_95, %select_n3A_94 : i32
      %select_n3A_104 = arith.select %and3A_102, %add3A_103, %rem3A_95 : i32
      %mul3A_105 = arith.constant 16 : i32
      %mul3A_106 = arith.muli %select_n3A_104, %mul3A_105 : i32
      %swap3A = arith.index_cast %select_n3A : i32 to index
      %swap3A_107 = arith.index_cast %mul3A_106 : i32 to index
      %swap3A_108 = tpu.vector_load %arg15[%swap3A, %swap3A_107] {strides = array<i32>} : memref<48x128xf32, #tpu.memory_space<vmem>>, vector<1x16xf32>,
      %swap3A_109 = vector.shape_cast %swap3A_108 : vector<1x16xf32> to vector<16xf32>
      %swap3A_110 = vector.shape_cast %broadcast_in_dim3A_1 : vector<16xf32> to vector<1x16xf32>
      tpu.vector_store %arg15[%swap3A, %swap3A_107], %swap3A_110 {strides = array<i32>} : memref<48x128xf32, #tpu.memory_space<vmem>>, vector<1x16xf32>,
    }
    %scan3A_6 = arith.constant 384 : i32
    %mul3A_7 = arith.constant 624 : i32
    %mul3A_8 = arith.muli %arg1, %mul3A_7 : i32
    %add3A_9 = arith.constant 0 : i32
    %add3A_10 = arith.addi %mul3A_8, %add3A_9 : i32
    "tpu.region"() ({
      %run_scoped3A = tpu.sem_alloc : memref<!tpu.dma_semaphore, #tpu.memory_space<semaphore_mem>>
      %dma_start3A_73 = arith.constant 0 : i32
      %dma_start3A_74 = tpu.memref_slice %arg6[%add3A_10, %dma_start3A_73] : memref<10000x128xf32, #tpu.memory_space<vmem_shared>> -> memref<48x128xf32, #tpu.memory_space<vmem_shared>>
      %dma_start3A_75 = arith.constant 0 : i32
      %dma_start3A_76 = tpu.memref_slice %arg6[%add3A_10, %dma_start3A_75] : memref<10000x128xf32, #tpu.memory_space<vmem_shared>> -> memref<48x128xf32, #tpu.memory_space<vmem_shared>>
      tpu.enqueue_dma source(%arg15 : memref<48x128xf32, #tpu.memory_space<vmem>>) target(%dma_start3A_76 : memref<48x128xf32, #tpu.memory_space<vmem_shared>>) target_semaphore(%run_scoped3A : memref<!tpu.dma_semaphore, #tpu.memory_space<semaphore_mem>>)
      %dma_wait3A_77 = arith.constant 0 : i32
      %dma_wait3A_78 = tpu.memref_slice %arg6[%add3A_10, %dma_wait3A_77] : memref<10000x128xf32, #tpu.memory_space<vmem_shared>> -> memref<48x128xf32, #tpu.memory_space<vmem_shared>>
      %dma_wait3A_79 = arith.constant 0 : i32
      %dma_wait3A_80 = tpu.memref_slice %arg6[%add3A_10, %dma_wait3A_79] : memref<10000x128xf32, #tpu.memory_space<vmem_shared>> -> memref<48x128xf32, #tpu.memory_space<vmem_shared>>
      tpu.wait_dma2 semaphore(%run_scoped3A : memref<!tpu.dma_semaphore, #tpu.memory_space<semaphore_mem>>) src(%arg15 : memref<48x128xf32, #tpu.memory_space<vmem>>) dst(%dma_wait3A_80 : memref<48x128xf32, #tpu.memory_space<vmem_shared>>)
      tpu.yield
    }) : () -> ()
    %add3A_11 = arith.constant 48 : i32
    %add3A_12 = arith.addi %mul3A_8, %add3A_11 : i32
    "tpu.region"() ({
      %run_scoped3A = tpu.sem_alloc : memref<!tpu.dma_semaphore, #tpu.memory_space<semaphore_mem>>
      %dma_start3A_73 = arith.constant 0 : i32
      %dma_start3A_74 = tpu.memref_slice %arg6[%add3A_12, %dma_start3A_73] : memref<10000x128xf32, #tpu.memory_space<vmem_shared>> -> memref<48x128xf32, #tpu.memory_space<vmem_shared>>
      %dma_start3A_75 = arith.constant 0 : i32
      %dma_start3A_76 = tpu.memref_slice %arg6[%add3A_12, %dma_start3A_75] : memref<10000x128xf32, #tpu.memory_space<vmem_shared>> -> memref<48x128xf32, #tpu.memory_space<vmem_shared>>
      tpu.enqueue_dma source(%arg15 : memref<48x128xf32, #tpu.memory_space<vmem>>) target(%dma_start3A_76 : memref<48x128xf32, #tpu.memory_space<vmem_shared>>) target_semaphore(%run_scoped3A : memref<!tpu.dma_semaphore, #tpu.memory_space<semaphore_mem>>)
      %dma_wait3A_77 = arith.constant 0 : i32
      %dma_wait3A_78 = tpu.memref_slice %arg6[%add3A_12, %dma_wait3A_77] : memref<10000x128xf32, #tpu.memory_space<vmem_shared>> -> memref<48x128xf32, #tpu.memory_space<vmem_shared>>
      %dma_wait3A_79 = arith.constant 0 : i32
      %dma_wait3A_80 = tpu.memref_slice %arg6[%add3A_12, %dma_wait3A_79] : memref<10000x128xf32, #tpu.memory_space<vmem_shared>> -> memref<48x128xf32, #tpu.memory_space<vmem_shared>>
      tpu.wait_dma2 semaphore(%run_scoped3A : memref<!tpu.dma_semaphore, #tpu.memory_space<semaphore_mem>>) src(%arg15 : memref<48x128xf32, #tpu.memory_space<vmem>>) dst(%dma_wait3A_80 : memref<48x128xf32, #tpu.memory_space<vmem_shared>>)
      tpu.yield
    }) : () -> ()
    %add3A_13 = arith.constant 96 : i32
    %add3A_14 = arith.addi %mul3A_8, %add3A_13 : i32
    "tpu.region"() ({
      %run_scoped3A = tpu.sem_alloc : memref<!tpu.dma_semaphore, #tpu.memory_space<semaphore_mem>>
      %dma_start3A_73 = arith.constant 0 : i32
      %dma_start3A_74 = tpu.memref_slice %arg6[%add3A_14, %dma_start3A_73] : memref<10000x128xf32, #tpu.memory_space<vmem_shared>> -> memref<48x128xf32, #tpu.memory_space<vmem_shared>>
      %dma_start3A_75 = arith.constant 0 : i32
      %dma_start3A_76 = tpu.memref_slice %arg6[%add3A_14, %dma_start3A_75] : memref<10000x128xf32, #tpu.memory_space<vmem_shared>> -> memref<48x128xf32, #tpu.memory_space<vmem_shared>>
      tpu.enqueue_dma source(%arg15 : memref<48x128xf32, #tpu.memory_space<vmem>>) target(%dma_start3A_76 : memref<48x128xf32, #tpu.memory_space<vmem_shared>>) target_semaphore(%run_scoped3A : memref<!tpu.dma_semaphore, #tpu.memory_space<semaphore_mem>>)
      %dma_wait3A_77 = arith.constant 0 : i32
      %dma_wait3A_78 = tpu.memref_slice %arg6[%add3A_14, %dma_wait3A_77] : memref<10000x128xf32, #tpu.memory_space<vmem_shared>> -> memref<48x128xf32, #tpu.memory_space<vmem_shared>>
      %dma_wait3A_79 = arith.constant 0 : i32
      %dma_wait3A_80 = tpu.memref_slice %arg6[%add3A_14, %dma_wait3A_79] : memref<10000x128xf32, #tpu.memory_space<vmem_shared>> -> memref<48x128xf32, #tpu.memory_space<vmem_shared>>
      tpu.wait_dma2 semaphore(%run_scoped3A : memref<!tpu.dma_semaphore, #tpu.memory_space<semaphore_mem>>) src(%arg15 : memref<48x128xf32, #tpu.memory_space<vmem>>) dst(%dma_wait3A_80 : memref<48x128xf32, #tpu.memory_space<vmem_shared>>)
      tpu.yield
    }) : () -> ()
    %add3A_15 = arith.constant 144 : i32
    %add3A_16 = arith.addi %mul3A_8, %add3A_15 : i32
    "tpu.region"() ({
      %run_scoped3A = tpu.sem_alloc : memref<!tpu.dma_semaphore, #tpu.memory_space<semaphore_mem>>
      %dma_start3A_73 = arith.constant 0 : i32
      %dma_start3A_74 = tpu.memref_slice %arg6[%add3A_16, %dma_start3A_73] : memref<10000x128xf32, #tpu.memory_space<vmem_shared>> -> memref<48x128xf32, #tpu.memory_space<vmem_shared>>
      %dma_start3A_75 = arith.constant 0 : i32
      %dma_start3A_76 = tpu.memref_slice %arg6[%add3A_16, %dma_start3A_75] : memref<10000x128xf32, #tpu.memory_space<vmem_shared>> -> memref<48x128xf32, #tpu.memory_space<vmem_shared>>
      tpu.enqueue_dma source(%arg15 : memref<48x128xf32, #tpu.memory_space<vmem>>) target(%dma_start3A_76 : memref<48x128xf32, #tpu.memory_space<vmem_shared>>) target_semaphore(%run_scoped3A : memref<!tpu.dma_semaphore, #tpu.memory_space<semaphore_mem>>)
      %dma_wait3A_77 = arith.constant 0 : i32
      %dma_wait3A_78 = tpu.memref_slice %arg6[%add3A_16, %dma_wait3A_77] : memref<10000x128xf32, #tpu.memory_space<vmem_shared>> -> memref<48x128xf32, #tpu.memory_space<vmem_shared>>
      %dma_wait3A_79 = arith.constant 0 : i32
      %dma_wait3A_80 = tpu.memref_slice %arg6[%add3A_16, %dma_wait3A_79] : memref<10000x128xf32, #tpu.memory_space<vmem_shared>> -> memref<48x128xf32, #tpu.memory_space<vmem_shared>>
      tpu.wait_dma2 semaphore(%run_scoped3A : memref<!tpu.dma_semaphore, #tpu.memory_space<semaphore_mem>>) src(%arg15 : memref<48x128xf32, #tpu.memory_space<vmem>>) dst(%dma_wait3A_80 : memref<48x128xf32, #tpu.memory_space<vmem_shared>>)
      tpu.yield
    }) : () -> ()
    %add3A_17 = arith.constant 192 : i32
    %add3A_18 = arith.addi %mul3A_8, %add3A_17 : i32
    "tpu.region"() ({
      %run_scoped3A = tpu.sem_alloc : memref<!tpu.dma_semaphore, #tpu.memory_space<semaphore_mem>>
      %dma_start3A_73 = arith.constant 0 : i32
      %dma_start3A_74 = tpu.memref_slice %arg6[%add3A_18, %dma_start3A_73] : memref<10000x128xf32, #tpu.memory_space<vmem_shared>> -> memref<48x128xf32, #tpu.memory_space<vmem_shared>>
      %dma_start3A_75 = arith.constant 0 : i32
      %dma_start3A_76 = tpu.memref_slice %arg6[%add3A_18, %dma_start3A_75] : memref<10000x128xf32, #tpu.memory_space<vmem_shared>> -> memref<48x128xf32, #tpu.memory_space<vmem_shared>>
      tpu.enqueue_dma source(%arg15 : memref<48x128xf32, #tpu.memory_space<vmem>>) target(%dma_start3A_76 : memref<48x128xf32, #tpu.memory_space<vmem_shared>>) target_semaphore(%run_scoped3A : memref<!tpu.dma_semaphore, #tpu.memory_space<semaphore_mem>>)
      %dma_wait3A_77 = arith.constant 0 : i32
      %dma_wait3A_78 = tpu.memref_slice %arg6[%add3A_18, %dma_wait3A_77] : memref<10000x128xf32, #tpu.memory_space<vmem_shared>> -> memref<48x128xf32, #tpu.memory_space<vmem_shared>>
      %dma_wait3A_79 = arith.constant 0 : i32
      %dma_wait3A_80 = tpu.memref_slice %arg6[%add3A_18, %dma_wait3A_79] : memref<10000x128xf32, #tpu.memory_space<vmem_shared>> -> memref<48x128xf32, #tpu.memory_space<vmem_shared>>
      tpu.wait_dma2 semaphore(%run_scoped3A : memref<!tpu.dma_semaphore, #tpu.memory_space<semaphore_mem>>) src(%arg15 : memref<48x128xf32, #tpu.memory_space<vmem>>) dst(%dma_wait3A_80 : memref<48x128xf32, #tpu.memory_space<vmem_shared>>)
      tpu.yield
    }) : () -> ()
    %add3A_19 = arith.constant 240 : i32
    %add3A_20 = arith.addi %mul3A_8, %add3A_19 : i32
    "tpu.region"() ({
      %run_scoped3A = tpu.sem_alloc : memref<!tpu.dma_semaphore, #tpu.memory_space<semaphore_mem>>
      %dma_start3A_73 = arith.constant 0 : i32
      %dma_start3A_74 = tpu.memref_slice %arg6[%add3A_20, %dma_start3A_73] : memref<10000x128xf32, #tpu.memory_space<vmem_shared>> -> memref<48x128xf32, #tpu.memory_space<vmem_shared>>
      %dma_start3A_75 = arith.constant 0 : i32
      %dma_start3A_76 = tpu.memref_slice %arg6[%add3A_20, %dma_start3A_75] : memref<10000x128xf32, #tpu.memory_space<vmem_shared>> -> memref<48x128xf32, #tpu.memory_space<vmem_shared>>
      tpu.enqueue_dma source(%arg15 : memref<48x128xf32, #tpu.memory_space<vmem>>) target(%dma_start3A_76 : memref<48x128xf32, #tpu.memory_space<vmem_shared>>) target_semaphore(%run_scoped3A : memref<!tpu.dma_semaphore, #tpu.memory_space<semaphore_mem>>)
      %dma_wait3A_77 = arith.constant 0 : i32
      %dma_wait3A_78 = tpu.memref_slice %arg6[%add3A_20, %dma_wait3A_77] : memref<10000x128xf32, #tpu.memory_space<vmem_shared>> -> memref<48x128xf32, #tpu.memory_space<vmem_shared>>
      %dma_wait3A_79 = arith.constant 0 : i32
      %dma_wait3A_80 = tpu.memref_slice %arg6[%add3A_20, %dma_wait3A_79] : memref<10000x128xf32, #tpu.memory_space<vmem_shared>> -> memref<48x128xf32, #tpu.memory_space<vmem_shared>>
      tpu.wait_dma2 semaphore(%run_scoped3A : memref<!tpu.dma_semaphore, #tpu.memory_space<semaphore_mem>>) src(%arg15 : memref<48x128xf32, #tpu.memory_space<vmem>>) dst(%dma_wait3A_80 : memref<48x128xf32, #tpu.memory_space<vmem_shared>>)
      tpu.yield
    }) : () -> ()
    %add3A_21 = arith.constant 288 : i32
    %add3A_22 = arith.addi %mul3A_8, %add3A_21 : i32
    "tpu.region"() ({
      %run_scoped3A = tpu.sem_alloc : memref<!tpu.dma_semaphore, #tpu.memory_space<semaphore_mem>>
      %dma_start3A_73 = arith.constant 0 : i32
      %dma_start3A_74 = tpu.memref_slice %arg6[%add3A_22, %dma_start3A_73] : memref<10000x128xf32, #tpu.memory_space<vmem_shared>> -> memref<48x128xf32, #tpu.memory_space<vmem_shared>>
      %dma_start3A_75 = arith.constant 0 : i32
      %dma_start3A_76 = tpu.memref_slice %arg6[%add3A_22, %dma_start3A_75] : memref<10000x128xf32, #tpu.memory_space<vmem_shared>> -> memref<48x128xf32, #tpu.memory_space<vmem_shared>>
      tpu.enqueue_dma source(%arg15 : memref<48x128xf32, #tpu.memory_space<vmem>>) target(%dma_start3A_76 : memref<48x128xf32, #tpu.memory_space<vmem_shared>>) target_semaphore(%run_scoped3A : memref<!tpu.dma_semaphore, #tpu.memory_space<semaphore_mem>>)
      %dma_wait3A_77 = arith.constant 0 : i32
      %dma_wait3A_78 = tpu.memref_slice %arg6[%add3A_22, %dma_wait3A_77] : memref<10000x128xf32, #tpu.memory_space<vmem_shared>> -> memref<48x128xf32, #tpu.memory_space<vmem_shared>>
      %dma_wait3A_79 = arith.constant 0 : i32
      %dma_wait3A_80 = tpu.memref_slice %arg6[%add3A_22, %dma_wait3A_79] : memref<10000x128xf32, #tpu.memory_space<vmem_shared>> -> memref<48x128xf32, #tpu.memory_space<vmem_shared>>
      tpu.wait_dma2 semaphore(%run_scoped3A : memref<!tpu.dma_semaphore, #tpu.memory_space<semaphore_mem>>) src(%arg15 : memref<48x128xf32, #tpu.memory_space<vmem>>) dst(%dma_wait3A_80 : memref<48x128xf32, #tpu.memory_space<vmem_shared>>)
      tpu.yield
    }) : () -> ()
    %add3A_23 = arith.constant 336 : i32
    %add3A_24 = arith.addi %mul3A_8, %add3A_23 : i32
    "tpu.region"() ({
      %run_scoped3A = tpu.sem_alloc : memref<!tpu.dma_semaphore, #tpu.memory_space<semaphore_mem>>
      %dma_start3A_73 = arith.constant 0 : i32
      %dma_start3A_74 = tpu.memref_slice %arg6[%add3A_24, %dma_start3A_73] : memref<10000x128xf32, #tpu.memory_space<vmem_shared>> -> memref<48x128xf32, #tpu.memory_space<vmem_shared>>
      %dma_start3A_75 = arith.constant 0 : i32
      %dma_start3A_76 = tpu.memref_slice %arg6[%add3A_24, %dma_start3A_75] : memref<10000x128xf32, #tpu.memory_space<vmem_shared>> -> memref<48x128xf32, #tpu.memory_space<vmem_shared>>
      tpu.enqueue_dma source(%arg15 : memref<48x128xf32, #tpu.memory_space<vmem>>) target(%dma_start3A_76 : memref<48x128xf32, #tpu.memory_space<vmem_shared>>) target_semaphore(%run_scoped3A : memref<!tpu.dma_semaphore, #tpu.memory_space<semaphore_mem>>)
      %dma_wait3A_77 = arith.constant 0 : i32
      %dma_wait3A_78 = tpu.memref_slice %arg6[%add3A_24, %dma_wait3A_77] : memref<10000x128xf32, #tpu.memory_space<vmem_shared>> -> memref<48x128xf32, #tpu.memory_space<vmem_shared>>
      %dma_wait3A_79 = arith.constant 0 : i32
      %dma_wait3A_80 = tpu.memref_slice %arg6[%add3A_24, %dma_wait3A_79] : memref<10000x128xf32, #tpu.memory_space<vmem_shared>> -> memref<48x128xf32, #tpu.memory_space<vmem_shared>>
      tpu.wait_dma2 semaphore(%run_scoped3A : memref<!tpu.dma_semaphore, #tpu.memory_space<semaphore_mem>>) src(%arg15 : memref<48x128xf32, #tpu.memory_space<vmem>>) dst(%dma_wait3A_80 : memref<48x128xf32, #tpu.memory_space<vmem_shared>>)
      tpu.yield
    }) : () -> ()
    %add3A_25 = arith.constant 384 : i32
    %add3A_26 = arith.addi %mul3A_8, %add3A_25 : i32
    "tpu.region"() ({
      %run_scoped3A = tpu.sem_alloc : memref<!tpu.dma_semaphore, #tpu.memory_space<semaphore_mem>>
      %dma_start3A_73 = arith.constant 0 : i32
      %dma_start3A_74 = tpu.memref_slice %arg6[%add3A_26, %dma_start3A_73] : memref<10000x128xf32, #tpu.memory_space<vmem_shared>> -> memref<48x128xf32, #tpu.memory_space<vmem_shared>>
      %dma_start3A_75 = arith.constant 0 : i32
      %dma_start3A_76 = tpu.memref_slice %arg6[%add3A_26, %dma_start3A_75] : memref<10000x128xf32, #tpu.memory_space<vmem_shared>> -> memref<48x128xf32, #tpu.memory_space<vmem_shared>>
      tpu.enqueue_dma source(%arg15 : memref<48x128xf32, #tpu.memory_space<vmem>>) target(%dma_start3A_76 : memref<48x128xf32, #tpu.memory_space<vmem_shared>>) target_semaphore(%run_scoped3A : memref<!tpu.dma_semaphore, #tpu.memory_space<semaphore_mem>>)
      %dma_wait3A_77 = arith.constant 0 : i32
      %dma_wait3A_78 = tpu.memref_slice %arg6[%add3A_26, %dma_wait3A_77] : memref<10000x128xf32, #tpu.memory_space<vmem_shared>> -> memref<48x128xf32, #tpu.memory_space<vmem_shared>>
      %dma_wait3A_79 = arith.constant 0 : i32
      %dma_wait3A_80 = tpu.memref_slice %arg6[%add3A_26, %dma_wait3A_79] : memref<10000x128xf32, #tpu.memory_space<vmem_shared>> -> memref<48x128xf32, #tpu.memory_space<vmem_shared>>
      tpu.wait_dma2 semaphore(%run_scoped3A : memref<!tpu.dma_semaphore, #tpu.memory_space<semaphore_mem>>) src(%arg15 : memref<48x128xf32, #tpu.memory_space<vmem>>) dst(%dma_wait3A_80 : memref<48x128xf32, #tpu.memory_space<vmem_shared>>)
      tpu.yield
    }) : () -> ()
    %add3A_27 = arith.constant 432 : i32
    %add3A_28 = arith.addi %mul3A_8, %add3A_27 : i32
    "tpu.region"() ({
      %run_scoped3A = tpu.sem_alloc : memref<!tpu.dma_semaphore, #tpu.memory_space<semaphore_mem>>
      %dma_start3A_73 = arith.constant 0 : i32
      %dma_start3A_74 = tpu.memref_slice %arg6[%add3A_28, %dma_start3A_73] : memref<10000x128xf32, #tpu.memory_space<vmem_shared>> -> memref<48x128xf32, #tpu.memory_space<vmem_shared>>
      %dma_start3A_75 = arith.constant 0 : i32
      %dma_start3A_76 = tpu.memref_slice %arg6[%add3A_28, %dma_start3A_75] : memref<10000x128xf32, #tpu.memory_space<vmem_shared>> -> memref<48x128xf32, #tpu.memory_space<vmem_shared>>
      tpu.enqueue_dma source(%arg15 : memref<48x128xf32, #tpu.memory_space<vmem>>) target(%dma_start3A_76 : memref<48x128xf32, #tpu.memory_space<vmem_shared>>) target_semaphore(%run_scoped3A : memref<!tpu.dma_semaphore, #tpu.memory_space<semaphore_mem>>)
      %dma_wait3A_77 = arith.constant 0 : i32
      %dma_wait3A_78 = tpu.memref_slice %arg6[%add3A_28, %dma_wait3A_77] : memref<10000x128xf32, #tpu.memory_space<vmem_shared>> -> memref<48x128xf32, #tpu.memory_space<vmem_shared>>
      %dma_wait3A_79 = arith.constant 0 : i32
      %dma_wait3A_80 = tpu.memref_slice %arg6[%add3A_28, %dma_wait3A_79] : memref<10000x128xf32, #tpu.memory_space<vmem_shared>> -> memref<48x128xf32, #tpu.memory_space<vmem_shared>>
      tpu.wait_dma2 semaphore(%run_scoped3A : memref<!tpu.dma_semaphore, #tpu.memory_space<semaphore_mem>>) src(%arg15 : memref<48x128xf32, #tpu.memory_space<vmem>>) dst(%dma_wait3A_80 : memref<48x128xf32, #tpu.memory_space<vmem_shared>>)
      tpu.yield
    }) : () -> ()
    %add3A_29 = arith.constant 480 : i32
    %add3A_30 = arith.addi %mul3A_8, %add3A_29 : i32
    "tpu.region"() ({
      %run_scoped3A = tpu.sem_alloc : memref<!tpu.dma_semaphore, #tpu.memory_space<semaphore_mem>>
      %dma_start3A_73 = arith.constant 0 : i32
      %dma_start3A_74 = tpu.memref_slice %arg6[%add3A_30, %dma_start3A_73] : memref<10000x128xf32, #tpu.memory_space<vmem_shared>> -> memref<48x128xf32, #tpu.memory_space<vmem_shared>>
      %dma_start3A_75 = arith.constant 0 : i32
      %dma_start3A_76 = tpu.memref_slice %arg6[%add3A_30, %dma_start3A_75] : memref<10000x128xf32, #tpu.memory_space<vmem_shared>> -> memref<48x128xf32, #tpu.memory_space<vmem_shared>>
      tpu.enqueue_dma source(%arg15 : memref<48x128xf32, #tpu.memory_space<vmem>>) target(%dma_start3A_76 : memref<48x128xf32, #tpu.memory_space<vmem_shared>>) target_semaphore(%run_scoped3A : memref<!tpu.dma_semaphore, #tpu.memory_space<semaphore_mem>>)
      %dma_wait3A_77 = arith.constant 0 : i32
      %dma_wait3A_78 = tpu.memref_slice %arg6[%add3A_30, %dma_wait3A_77] : memref<10000x128xf32, #tpu.memory_space<vmem_shared>> -> memref<48x128xf32, #tpu.memory_space<vmem_shared>>
      %dma_wait3A_79 = arith.constant 0 : i32
      %dma_wait3A_80 = tpu.memref_slice %arg6[%add3A_30, %dma_wait3A_79] : memref<10000x128xf32, #tpu.memory_space<vmem_shared>> -> memref<48x128xf32, #tpu.memory_space<vmem_shared>>
      tpu.wait_dma2 semaphore(%run_scoped3A : memref<!tpu.dma_semaphore, #tpu.memory_space<semaphore_mem>>) src(%arg15 : memref<48x128xf32, #tpu.memory_space<vmem>>) dst(%dma_wait3A_80 : memref<48x128xf32, #tpu.memory_space<vmem_shared>>)
      tpu.yield
    }) : () -> ()
    %add3A_31 = arith.constant 528 : i32
    %add3A_32 = arith.addi %mul3A_8, %add3A_31 : i32
    "tpu.region"() ({
      %run_scoped3A = tpu.sem_alloc : memref<!tpu.dma_semaphore, #tpu.memory_space<semaphore_mem>>
      %dma_start3A_73 = arith.constant 0 : i32
      %dma_start3A_74 = tpu.memref_slice %arg6[%add3A_32, %dma_start3A_73] : memref<10000x128xf32, #tpu.memory_space<vmem_shared>> -> memref<48x128xf32, #tpu.memory_space<vmem_shared>>
      %dma_start3A_75 = arith.constant 0 : i32
      %dma_start3A_76 = tpu.memref_slice %arg6[%add3A_32, %dma_start3A_75] : memref<10000x128xf32, #tpu.memory_space<vmem_shared>> -> memref<48x128xf32, #tpu.memory_space<vmem_shared>>
      tpu.enqueue_dma source(%arg15 : memref<48x128xf32, #tpu.memory_space<vmem>>) target(%dma_start3A_76 : memref<48x128xf32, #tpu.memory_space<vmem_shared>>) target_semaphore(%run_scoped3A : memref<!tpu.dma_semaphore, #tpu.memory_space<semaphore_mem>>)
      %dma_wait3A_77 = arith.constant 0 : i32
      %dma_wait3A_78 = tpu.memref_slice %arg6[%add3A_32, %dma_wait3A_77] : memref<10000x128xf32, #tpu.memory_space<vmem_shared>> -> memref<48x128xf32, #tpu.memory_space<vmem_shared>>
      %dma_wait3A_79 = arith.constant 0 : i32
      %dma_wait3A_80 = tpu.memref_slice %arg6[%add3A_32, %dma_wait3A_79] : memref<10000x128xf32, #tpu.memory_space<vmem_shared>> -> memref<48x128xf32, #tpu.memory_space<vmem_shared>>
      tpu.wait_dma2 semaphore(%run_scoped3A : memref<!tpu.dma_semaphore, #tpu.memory_space<semaphore_mem>>) src(%arg15 : memref<48x128xf32, #tpu.memory_space<vmem>>) dst(%dma_wait3A_80 : memref<48x128xf32, #tpu.memory_space<vmem_shared>>)
      tpu.yield
    }) : () -> ()
    %add3A_33 = arith.constant 576 : i32
    %add3A_34 = arith.addi %mul3A_8, %add3A_33 : i32
    "tpu.region"() ({
      %run_scoped3A = tpu.sem_alloc : memref<!tpu.dma_semaphore, #tpu.memory_space<semaphore_mem>>
      %dma_start3A_73 = arith.constant 0 : i32
      %dma_start3A_74 = tpu.memref_slice %arg6[%add3A_34, %dma_start3A_73] : memref<10000x128xf32, #tpu.memory_space<vmem_shared>> -> memref<48x128xf32, #tpu.memory_space<vmem_shared>>
      %dma_start3A_75 = arith.constant 0 : i32
      %dma_start3A_76 = tpu.memref_slice %arg6[%add3A_34, %dma_start3A_75] : memref<10000x128xf32, #tpu.memory_space<vmem_shared>> -> memref<48x128xf32, #tpu.memory_space<vmem_shared>>
      tpu.enqueue_dma source(%arg15 : memref<48x128xf32, #tpu.memory_space<vmem>>) target(%dma_start3A_76 : memref<48x128xf32, #tpu.memory_space<vmem_shared>>) target_semaphore(%run_scoped3A : memref<!tpu.dma_semaphore, #tpu.memory_space<semaphore_mem>>)
      %dma_wait3A_77 = arith.constant 0 : i32
      %dma_wait3A_78 = tpu.memref_slice %arg6[%add3A_34, %dma_wait3A_77] : memref<10000x128xf32, #tpu.memory_space<vmem_shared>> -> memref<48x128xf32, #tpu.memory_space<vmem_shared>>
      %dma_wait3A_79 = arith.constant 0 : i32
      %dma_wait3A_80 = tpu.memref_slice %arg6[%add3A_34, %dma_wait3A_79] : memref<10000x128xf32, #tpu.memory_space<vmem_shared>> -> memref<48x128xf32, #tpu.memory_space<vmem_shared>>
      tpu.wait_dma2 semaphore(%run_scoped3A : memref<!tpu.dma_semaphore, #tpu.memory_space<semaphore_mem>>) src(%arg15 : memref<48x128xf32, #tpu.memory_space<vmem>>) dst(%dma_wait3A_80 : memref<48x128xf32, #tpu.memory_space<vmem_shared>>)
      tpu.yield
    }) : () -> ()
    %eq3A = arith.constant 15 : i32
    %eq3A_35 = arith.cmpi eq, %arg1, %eq3A : i32
    %convert_element_type3A = arith.extui %eq3A_35 : i1 to i32
    %cond3A = arith.constant 0 : i32
    %cond3A_36 = arith.cmpi ne, %convert_element_type3A, %cond3A : i32
    scf.if %cond3A_36 {
      "tpu.region"() ({
        %run_scoped3A = tpu.sem_alloc : memref<!tpu.dma_semaphore, #tpu.memory_space<semaphore_mem>>
        %dma_start3A_73 = arith.constant 0 : i32
        %dma_start3A_74 = arith.constant 0 : i32
        %dma_start3A_75 = tpu.memref_slice %arg15[%dma_start3A_73, %dma_start3A_74] : memref<48x128xf32, #tpu.memory_space<vmem>> -> memref<16x128xf32, #tpu.memory_space<vmem>>
        %dma_start3A_76 = arith.constant 9984 : i32
        %dma_start3A_77 = arith.constant 0 : i32
        %dma_start3A_78 = tpu.memref_slice %arg6[%dma_start3A_76, %dma_start3A_77] : memref<10000x128xf32, #tpu.memory_space<vmem_shared>> -> memref<16x128xf32, #tpu.memory_space<vmem_shared>>
        %dma_start3A_79 = arith.constant 9984 : i32
        %dma_start3A_80 = arith.constant 0 : i32
        %dma_start3A_81 = tpu.memref_slice %arg6[%dma_start3A_79, %dma_start3A_80] : memref<10000x128xf32, #tpu.memory_space<vmem_shared>> -> memref<16x128xf32, #tpu.memory_space<vmem_shared>>
        %dma_start3A_82 = arith.constant 0 : i32
        %dma_start3A_83 = arith.constant 0 : i32
        %dma_start3A_84 = tpu.memref_slice %arg15[%dma_start3A_82, %dma_start3A_83] : memref<48x128xf32, #tpu.memory_space<vmem>> -> memref<16x128xf32, #tpu.memory_space<vmem>>
        tpu.enqueue_dma source(%dma_start3A_84 : memref<16x128xf32, #tpu.memory_space<vmem>>) target(%dma_start3A_81 : memref<16x128xf32, #tpu.memory_space<vmem_shared>>) target_semaphore(%run_scoped3A : memref<!tpu.dma_semaphore, #tpu.memory_space<semaphore_mem>>)
        %dma_wait3A_85 = arith.constant 0 : i32
        %dma_wait3A_86 = arith.constant 0 : i32
        %dma_wait3A_87 = tpu.memref_slice %arg15[%dma_wait3A_85, %dma_wait3A_86] : memref<48x128xf32, #tpu.memory_space<vmem>> -> memref<16x128xf32, #tpu.memory_space<vmem>>
        %dma_wait3A_88 = arith.constant 9984 : i32
        %dma_wait3A_89 = arith.constant 0 : i32
        %dma_wait3A_90 = tpu.memref_slice %arg6[%dma_wait3A_88, %dma_wait3A_89] : memref<10000x128xf32, #tpu.memory_space<vmem_shared>> -> memref<16x128xf32, #tpu.memory_space<vmem_shared>>
        %dma_wait3A_91 = arith.constant 9984 : i32
        %dma_wait3A_92 = arith.constant 0 : i32
        %dma_wait3A_93 = tpu.memref_slice %arg6[%dma_wait3A_91, %dma_wait3A_92] : memref<10000x128xf32, #tpu.memory_space<vmem_shared>> -> memref<16x128xf32, #tpu.memory_space<vmem_shared>>
        %dma_wait3A_94 = arith.constant 0 : i32
        %dma_wait3A_95 = arith.constant 0 : i32
        %dma_wait3A_96 = tpu.memref_slice %arg15[%dma_wait3A_94, %dma_wait3A_95] : memref<48x128xf32, #tpu.memory_space<vmem>> -> memref<16x128xf32, #tpu.memory_space<vmem>>
        tpu.wait_dma2 semaphore(%run_scoped3A : memref<!tpu.dma_semaphore, #tpu.memory_space<semaphore_mem>>) src(%dma_wait3A_96 : memref<16x128xf32, #tpu.memory_space<vmem>>) dst(%dma_wait3A_93 : memref<16x128xf32, #tpu.memory_space<vmem_shared>>)
        tpu.yield
      }) : () -> ()
    } else {
    }
    %barrier3A = arith.constant 0 : index
    tpu.barrier barrier_id(%barrier3A)
    %mul3A_37 = arith.constant 10000 : i32
    %mul3A_38 = arith.muli %add3A, %mul3A_37 : i32
    %add3A_39 = arith.constant 0 : i32
    %add3A_40 = arith.addi %mul3A_38, %add3A_39 : i32
    %dma_start3A = tpu.memref_slice %arg3[%add3A_40] : memref<320000xi32, #tpu.memory_space<hbm>> -> memref<160xi32, #tpu.memory_space<hbm>>
    %dma_start3A_41 = tpu.memref_slice %arg3[%add3A_40] : memref<320000xi32, #tpu.memory_space<hbm>> -> memref<160xi32, #tpu.memory_space<hbm>>
    tpu.enqueue_dma source(%dma_start3A_41 : memref<160xi32, #tpu.memory_space<hbm>>) target(%arg7 : memref<160xi32, #tpu.memory_space<vmem>>) target_semaphore(%arg18 : memref<!tpu.dma_semaphore, #tpu.memory_space<semaphore_mem>>)
    %dma_start3A_42 = tpu.memref_slice %arg4[%add3A_40] : memref<320000xi32, #tpu.memory_space<hbm>> -> memref<160xi32, #tpu.memory_space<hbm>>
    %dma_start3A_43 = tpu.memref_slice %arg4[%add3A_40] : memref<320000xi32, #tpu.memory_space<hbm>> -> memref<160xi32, #tpu.memory_space<hbm>>
    tpu.enqueue_dma source(%dma_start3A_43 : memref<160xi32, #tpu.memory_space<hbm>>) target(%arg9 : memref<160xi32, #tpu.memory_space<vmem>>) target_semaphore(%arg18 : memref<!tpu.dma_semaphore, #tpu.memory_space<semaphore_mem>>)
    %add3A_44 = arith.constant 160 : i32
    %add3A_45 = arith.addi %mul3A_38, %add3A_44 : i32
    %dma_start3A_46 = tpu.memref_slice %arg3[%add3A_45] : memref<320000xi32, #tpu.memory_space<hbm>> -> memref<160xi32, #tpu.memory_space<hbm>>
    %dma_start3A_47 = tpu.memref_slice %arg3[%add3A_45] : memref<320000xi32, #tpu.memory_space<hbm>> -> memref<160xi32, #tpu.memory_space<hbm>>
    tpu.enqueue_dma source(%dma_start3A_47 : memref<160xi32, #tpu.memory_space<hbm>>) target(%arg8 : memref<160xi32, #tpu.memory_space<vmem>>) target_semaphore(%arg19 : memref<!tpu.dma_semaphore, #tpu.memory_space<semaphore_mem>>)
    %dma_start3A_48 = tpu.memref_slice %arg4[%add3A_45] : memref<320000xi32, #tpu.memory_space<hbm>> -> memref<160xi32, #tpu.memory_space<hbm>>
    %dma_start3A_49 = tpu.memref_slice %arg4[%add3A_45] : memref<320000xi32, #tpu.memory_space<hbm>> -> memref<160xi32, #tpu.memory_space<hbm>>
    tpu.enqueue_dma source(%dma_start3A_49 : memref<160xi32, #tpu.memory_space<hbm>>) target(%arg10 : memref<160xi32, #tpu.memory_space<vmem>>) target_semaphore(%arg19 : memref<!tpu.dma_semaphore, #tpu.memory_space<semaphore_mem>>)
    %scan3A_50 = arith.constant 0 : i32
    %scan3A_51 = arith.constant 0 : i32
    %scan3A_52 = arith.constant 31 : i32
    %scan3A_53 = arith.addi %scan3A_51, %scan3A_52 : i32
    %scan3A_54 = arith.constant 1 : i32
    scf.for %scan3A_73 = %scan3A_51 to %scan3A_53 step %scan3A_54  : i32 {
      %mul3A_74 = arith.constant 2 : i32
      %mul3A_75 = arith.muli %mul3A_74, %scan3A_73 : i32
      %mul3A_76 = arith.constant 2 : i32
      %mul3A_77 = arith.muli %mul3A_75, %mul3A_76 : i32
      %mul3A_78 = arith.constant 80 : i32
      %mul3A_79 = arith.muli %mul3A_77, %mul3A_78 : i32
      %add3A_80 = arith.addi %mul3A_38, %mul3A_79 : i32
      %dma_wait3A_81 = tpu.memref_slice %arg3[%add3A_80] : memref<320000xi32, #tpu.memory_space<hbm>> -> memref<160xi32, #tpu.memory_space<hbm>>
      %dma_wait3A_82 = tpu.memref_slice %arg3[%add3A_80] : memref<320000xi32, #tpu.memory_space<hbm>> -> memref<160xi32, #tpu.memory_space<hbm>>
      tpu.wait_dma2 semaphore(%arg18 : memref<!tpu.dma_semaphore, #tpu.memory_space<semaphore_mem>>) src(%dma_wait3A_82 : memref<160xi32, #tpu.memory_space<hbm>>) dst(%arg7 : memref<160xi32, #tpu.memory_space<vmem>>)
      %dma_wait3A_83 = tpu.memref_slice %arg4[%add3A_80] : memref<320000xi32, #tpu.memory_space<hbm>> -> memref<160xi32, #tpu.memory_space<hbm>>
      %dma_wait3A_84 = tpu.memref_slice %arg4[%add3A_80] : memref<320000xi32, #tpu.memory_space<hbm>> -> memref<160xi32, #tpu.memory_space<hbm>>
      tpu.wait_dma2 semaphore(%arg18 : memref<!tpu.dma_semaphore, #tpu.memory_space<semaphore_mem>>) src(%dma_wait3A_84 : memref<160xi32, #tpu.memory_space<hbm>>) dst(%arg9 : memref<160xi32, #tpu.memory_space<vmem>>)
      %dma_start3A_85 = arith.constant 0 : i32
      %dma_start3A_86 = tpu.memref_slice %arg7[%dma_start3A_85] : memref<160xi32, #tpu.memory_space<vmem>> -> memref<80xi32, #tpu.memory_space<vmem>>
      %dma_start3A_87 = arith.constant 0 : i32
      %dma_start3A_88 = arith.constant 0 : i32
      %dma_start3A_89 = tpu.memref_slice %arg2[%dma_start3A_87, %dma_start3A_88] : memref<10000x128xf32, #tpu.memory_space<hbm>> -> memref<10000x128xf32, #tpu.memory_space<hbm>>
      tpu.enqueue_indirect_dma source(%dma_start3A_89 : memref<10000x128xf32, #tpu.memory_space<hbm>>) target(%arg13 : memref<80x128xf32, #tpu.memory_space<vmem>>) offsets(%dma_start3A_86 : memref<80xi32, #tpu.memory_space<vmem>>) semaphore(%arg16 : memref<!tpu.dma_semaphore, #tpu.memory_space<semaphore_mem>>)
      %get3A = arith.constant 0 : index
      %get3A_90 = tpu.vector_load %arg9[%get3A] {strides = array<i32>} : memref<160xi32, #tpu.memory_space<vmem>>, vector<16xi32>,
      %get3A_91 = vector.shape_cast %get3A_90 : vector<16xi32> to vector<16xi32>
      %swap3A = arith.constant 0 : index
      %swap3A_92 = tpu.vector_load %arg11[%swap3A] {strides = array<i32>} : memref<80xi32, #tpu.memory_space<vmem>>, vector<16xi32>,
      %swap3A_93 = vector.shape_cast %swap3A_92 : vector<16xi32> to vector<16xi32>
      %swap3A_94 = vector.shape_cast %get3A_91 : vector<16xi32> to vector<16xi32>
      tpu.vector_store %arg11[%swap3A], %swap3A_94 {strides = array<i32>} : memref<80xi32, #tpu.memory_space<vmem>>, vector<16xi32>,
      %get3A_95 = arith.constant 16 : index
      %get3A_96 = tpu.vector_load %arg9[%get3A_95] {strides = array<i32>} : memref<160xi32, #tpu.memory_space<vmem>>, vector<16xi32>,
      %get3A_97 = vector.shape_cast %get3A_96 : vector<16xi32> to vector<16xi32>
      %swap3A_98 = arith.constant 16 : index
      %swap3A_99 = tpu.vector_load %arg11[%swap3A_98] {strides = array<i32>} : memref<80xi32, #tpu.memory_space<vmem>>, vector<16xi32>,
      %swap3A_100 = vector.shape_cast %swap3A_99 : vector<16xi32> to vector<16xi32>
      %swap3A_101 = vector.shape_cast %get3A_97 : vector<16xi32> to vector<16xi32>
      tpu.vector_store %arg11[%swap3A_98], %swap3A_101 {strides = array<i32>} : memref<80xi32, #tpu.memory_space<vmem>>, vector<16xi32>,
      %get3A_102 = arith.constant 32 : index
      %get3A_103 = tpu.vector_load %arg9[%get3A_102] {strides = array<i32>} : memref<160xi32, #tpu.memory_space<vmem>>, vector<16xi32>,
      %get3A_104 = vector.shape_cast %get3A_103 : vector<16xi32> to vector<16xi32>
      %swap3A_105 = arith.constant 32 : index
      %swap3A_106 = tpu.vector_load %arg11[%swap3A_105] {strides = array<i32>} : memref<80xi32, #tpu.memory_space<vmem>>, vector<16xi32>,
      %swap3A_107 = vector.shape_cast %swap3A_106 : vector<16xi32> to vector<16xi32>
      %swap3A_108 = vector.shape_cast %get3A_104 : vector<16xi32> to vector<16xi32>
      tpu.vector_store %arg11[%swap3A_105], %swap3A_108 {strides = array<i32>} : memref<80xi32, #tpu.memory_space<vmem>>, vector<16xi32>,
      %get3A_109 = arith.constant 48 : index
      %get3A_110 = tpu.vector_load %arg9[%get3A_109] {strides = array<i32>} : memref<160xi32, #tpu.memory_space<vmem>>, vector<16xi32>,
      %get3A_111 = vector.shape_cast %get3A_110 : vector<16xi32> to vector<16xi32>
      %swap3A_112 = arith.constant 48 : index
      %swap3A_113 = tpu.vector_load %arg11[%swap3A_112] {strides = array<i32>} : memref<80xi32, #tpu.memory_space<vmem>>, vector<16xi32>,
      %swap3A_114 = vector.shape_cast %swap3A_113 : vector<16xi32> to vector<16xi32>
      %swap3A_115 = vector.shape_cast %get3A_111 : vector<16xi32> to vector<16xi32>
      tpu.vector_store %arg11[%swap3A_112], %swap3A_115 {strides = array<i32>} : memref<80xi32, #tpu.memory_space<vmem>>, vector<16xi32>,
      %get3A_116 = arith.constant 64 : index
      %get3A_117 = tpu.vector_load %arg9[%get3A_116] {strides = array<i32>} : memref<160xi32, #tpu.memory_space<vmem>>, vector<16xi32>,
      %get3A_118 = vector.shape_cast %get3A_117 : vector<16xi32> to vector<16xi32>
      %swap3A_119 = arith.constant 64 : index
      %swap3A_120 = tpu.vector_load %arg11[%swap3A_119] {strides = array<i32>} : memref<80xi32, #tpu.memory_space<vmem>>, vector<16xi32>,
      %swap3A_121 = vector.shape_cast %swap3A_120 : vector<16xi32> to vector<16xi32>
      %swap3A_122 = vector.shape_cast %get3A_118 : vector<16xi32> to vector<16xi32>
      tpu.vector_store %arg11[%swap3A_119], %swap3A_122 {strides = array<i32>} : memref<80xi32, #tpu.memory_space<vmem>>, vector<16xi32>,
      %dma_start3A_123 = arith.constant 80 : i32
      %dma_start3A_124 = tpu.memref_slice %arg7[%dma_start3A_123] : memref<160xi32, #tpu.memory_space<vmem>> -> memref<80xi32, #tpu.memory_space<vmem>>
      %dma_start3A_125 = arith.constant 0 : i32
      %dma_start3A_126 = arith.constant 0 : i32
      %dma_start3A_127 = tpu.memref_slice %arg2[%dma_start3A_125, %dma_start3A_126] : memref<10000x128xf32, #tpu.memory_space<hbm>> -> memref<10000x128xf32, #tpu.memory_space<hbm>>
      tpu.enqueue_indirect_dma source(%dma_start3A_127 : memref<10000x128xf32, #tpu.memory_space<hbm>>) target(%arg14 : memref<80x128xf32, #tpu.memory_space<vmem>>) offsets(%dma_start3A_124 : memref<80xi32, #tpu.memory_space<vmem>>) semaphore(%arg17 : memref<!tpu.dma_semaphore, #tpu.memory_space<semaphore_mem>>)
      %get3A_128 = arith.constant 80 : index
      %get3A_129 = tpu.vector_load %arg9[%get3A_128] {strides = array<i32>} : memref<160xi32, #tpu.memory_space<vmem>>, vector<16xi32>,
      %get3A_130 = vector.shape_cast %get3A_129 : vector<16xi32> to vector<16xi32>
      %swap3A_131 = arith.constant 0 : index
      %swap3A_132 = tpu.vector_load %arg12[%swap3A_131] {strides = array<i32>} : memref<80xi32, #tpu.memory_space<vmem>>, vector<16xi32>,
      %swap3A_133 = vector.shape_cast %swap3A_132 : vector<16xi32> to vector<16xi32>
      %swap3A_134 = vector.shape_cast %get3A_130 : vector<16xi32> to vector<16xi32>
      tpu.vector_store %arg12[%swap3A_131], %swap3A_134 {strides = array<i32>} : memref<80xi32, #tpu.memory_space<vmem>>, vector<16xi32>,
      %get3A_135 = arith.constant 96 : index
      %get3A_136 = tpu.vector_load %arg9[%get3A_135] {strides = array<i32>} : memref<160xi32, #tpu.memory_space<vmem>>, vector<16xi32>,
      %get3A_137 = vector.shape_cast %get3A_136 : vector<16xi32> to vector<16xi32>
      %swap3A_138 = arith.constant 16 : index
      %swap3A_139 = tpu.vector_load %arg12[%swap3A_138] {strides = array<i32>} : memref<80xi32, #tpu.memory_space<vmem>>, vector<16xi32>,
      %swap3A_140 = vector.shape_cast %swap3A_139 : vector<16xi32> to vector<16xi32>
      %swap3A_141 = vector.shape_cast %get3A_137 : vector<16xi32> to vector<16xi32>
      tpu.vector_store %arg12[%swap3A_138], %swap3A_141 {strides = array<i32>} : memref<80xi32, #tpu.memory_space<vmem>>, vector<16xi32>,
      %get3A_142 = arith.constant 112 : index
      %get3A_143 = tpu.vector_load %arg9[%get3A_142] {strides = array<i32>} : memref<160xi32, #tpu.memory_space<vmem>>, vector<16xi32>,
      %get3A_144 = vector.shape_cast %get3A_143 : vector<16xi32> to vector<16xi32>
      %swap3A_145 = arith.constant 32 : index
      %swap3A_146 = tpu.vector_load %arg12[%swap3A_145] {strides = array<i32>} : memref<80xi32, #tpu.memory_space<vmem>>, vector<16xi32>,
      %swap3A_147 = vector.shape_cast %swap3A_146 : vector<16xi32> to vector<16xi32>
      %swap3A_148 = vector.shape_cast %get3A_144 : vector<16xi32> to vector<16xi32>
      tpu.vector_store %arg12[%swap3A_145], %swap3A_148 {strides = array<i32>} : memref<80xi32, #tpu.memory_space<vmem>>, vector<16xi32>,
      %get3A_149 = arith.constant 128 : index
      %get3A_150 = tpu.vector_load %arg9[%get3A_149] {strides = array<i32>} : memref<160xi32, #tpu.memory_space<vmem>>, vector<16xi32>,
      %get3A_151 = vector.shape_cast %get3A_150 : vector<16xi32> to vector<16xi32>
      %swap3A_152 = arith.constant 48 : index
      %swap3A_153 = tpu.vector_load %arg12[%swap3A_152] {strides = array<i32>} : memref<80xi32, #tpu.memory_space<vmem>>, vector<16xi32>,
      %swap3A_154 = vector.shape_cast %swap3A_153 : vector<16xi32> to vector<16xi32>
      %swap3A_155 = vector.shape_cast %get3A_151 : vector<16xi32> to vector<16xi32>
      tpu.vector_store %arg12[%swap3A_152], %swap3A_155 {strides = array<i32>} : memref<80xi32, #tpu.memory_space<vmem>>, vector<16xi32>,
      %get3A_156 = arith.constant 144 : index
      %get3A_157 = tpu.vector_load %arg9[%get3A_156] {strides = array<i32>} : memref<160xi32, #tpu.memory_space<vmem>>, vector<16xi32>,
      %get3A_158 = vector.shape_cast %get3A_157 : vector<16xi32> to vector<16xi32>
      %swap3A_159 = arith.constant 64 : index
      %swap3A_160 = tpu.vector_load %arg12[%swap3A_159] {strides = array<i32>} : memref<80xi32, #tpu.memory_space<vmem>>, vector<16xi32>,
      %swap3A_161 = vector.shape_cast %swap3A_160 : vector<16xi32> to vector<16xi32>
      %swap3A_162 = vector.shape_cast %get3A_158 : vector<16xi32> to vector<16xi32>
      tpu.vector_store %arg12[%swap3A_159], %swap3A_162 {strides = array<i32>} : memref<80xi32, #tpu.memory_space<vmem>>, vector<16xi32>,
      %dma_wait3A_163 = arith.constant 0 : i32
      %dma_wait3A_164 = tpu.memref_slice %arg7[%dma_wait3A_163] : memref<160xi32, #tpu.memory_space<vmem>> -> memref<80xi32, #tpu.memory_space<vmem>>
      %dma_wait3A_165 = arith.constant 0 : i32
      %dma_wait3A_166 = arith.constant 0 : i32
      %dma_wait3A_167 = tpu.memref_slice %arg2[%dma_wait3A_165, %dma_wait3A_166] : memref<10000x128xf32, #tpu.memory_space<hbm>> -> memref<10000x128xf32, #tpu.memory_space<hbm>>
      tpu.wait_indirect_dma semaphore(%arg16 : memref<!tpu.dma_semaphore, #tpu.memory_space<semaphore_mem>>) src(%dma_wait3A_167 : memref<10000x128xf32, #tpu.memory_space<hbm>>) dst(%arg13 : memref<80x128xf32, #tpu.memory_space<vmem>>)
      "tpu.region"() ({
        %run_scoped3A = tpu.sem_alloc : memref<!tpu.dma_semaphore, #tpu.memory_space<semaphore_mem>>
        %dma_start3A_285 = arith.constant 0 : i32
        %dma_start3A_286 = arith.constant 0 : i32
        %dma_start3A_287 = tpu.memref_slice %arg6[%dma_start3A_285, %dma_start3A_286] : memref<10000x128xf32, #tpu.memory_space<vmem_shared>> -> memref<10000x128xf32, #tpu.memory_space<vmem_shared>>
        tpu.enqueue_indirect_dma source(%arg13 : memref<80x128xf32, #tpu.memory_space<vmem>>) target(%dma_start3A_287 : memref<10000x128xf32, #tpu.memory_space<vmem_shared>>) offsets(%arg11 : memref<80xi32, #tpu.memory_space<vmem>>) semaphore(%run_scoped3A : memref<!tpu.dma_semaphore, #tpu.memory_space<semaphore_mem>>) {add = true}
        %dma_wait3A_288 = arith.constant 0 : i32
        %dma_wait3A_289 = arith.constant 0 : i32
        %dma_wait3A_290 = tpu.memref_slice %arg6[%dma_wait3A_288, %dma_wait3A_289] : memref<10000x128xf32, #tpu.memory_space<vmem_shared>> -> memref<10000x128xf32, #tpu.memory_space<vmem_shared>>
        tpu.wait_indirect_dma semaphore(%run_scoped3A : memref<!tpu.dma_semaphore, #tpu.memory_space<semaphore_mem>>) src(%arg13 : memref<80x128xf32, #tpu.memory_space<vmem>>) dst(%dma_wait3A_290 : memref<10000x128xf32, #tpu.memory_space<vmem_shared>>)
        tpu.yield
      }) : () -> ()
      %dma_wait3A_168 = arith.constant 80 : i32
      %dma_wait3A_169 = tpu.memref_slice %arg7[%dma_wait3A_168] : memref<160xi32, #tpu.memory_space<vmem>> -> memref<80xi32, #tpu.memory_space<vmem>>
      %dma_wait3A_170 = arith.constant 0 : i32
      %dma_wait3A_171 = arith.constant 0 : i32
      %dma_wait3A_172 = tpu.memref_slice %arg2[%dma_wait3A_170, %dma_wait3A_171] : memref<10000x128xf32, #tpu.memory_space<hbm>> -> memref<10000x128xf32, #tpu.memory_space<hbm>>
      tpu.wait_indirect_dma semaphore(%arg17 : memref<!tpu.dma_semaphore, #tpu.memory_space<semaphore_mem>>) src(%dma_wait3A_172 : memref<10000x128xf32, #tpu.memory_space<hbm>>) dst(%arg14 : memref<80x128xf32, #tpu.memory_space<vmem>>)
      "tpu.region"() ({
        %run_scoped3A = tpu.sem_alloc : memref<!tpu.dma_semaphore, #tpu.memory_space<semaphore_mem>>
        %dma_start3A_285 = arith.constant 0 : i32
        %dma_start3A_286 = arith.constant 0 : i32
        %dma_start3A_287 = tpu.memref_slice %arg6[%dma_start3A_285, %dma_start3A_286] : memref<10000x128xf32, #tpu.memory_space<vmem_shared>> -> memref<10000x128xf32, #tpu.memory_space<vmem_shared>>
        tpu.enqueue_indirect_dma source(%arg14 : memref<80x128xf32, #tpu.memory_space<vmem>>) target(%dma_start3A_287 : memref<10000x128xf32, #tpu.memory_space<vmem_shared>>) offsets(%arg12 : memref<80xi32, #tpu.memory_space<vmem>>) semaphore(%run_scoped3A : memref<!tpu.dma_semaphore, #tpu.memory_space<semaphore_mem>>) {add = true}
        %dma_wait3A_288 = arith.constant 0 : i32
        %dma_wait3A_289 = arith.constant 0 : i32
        %dma_wait3A_290 = tpu.memref_slice %arg6[%dma_wait3A_288, %dma_wait3A_289] : memref<10000x128xf32, #tpu.memory_space<vmem_shared>> -> memref<10000x128xf32, #tpu.memory_space<vmem_shared>>
        tpu.wait_indirect_dma semaphore(%run_scoped3A : memref<!tpu.dma_semaphore, #tpu.memory_space<semaphore_mem>>) src(%arg14 : memref<80x128xf32, #tpu.memory_space<vmem>>) dst(%dma_wait3A_290 : memref<10000x128xf32, #tpu.memory_space<vmem_shared>>)
        tpu.yield
      }) : () -> ()
      %lt3A = arith.constant 30 : i32
      %lt3A_173 = arith.cmpi slt, %scan3A_73, %lt3A : i32
      %convert_element_type3A_174 = arith.extui %lt3A_173 : i1 to i32
      %cond3A_175 = arith.constant 0 : i32
      %cond3A_176 = arith.cmpi ne, %convert_element_type3A_174, %cond3A_175 : i32
      scf.if %cond3A_176 {
        %mul3A_285 = arith.constant 2 : i32
        %mul3A_286 = arith.muli %mul3A_285, %scan3A_73 : i32
        %add3A_287 = arith.constant 2 : i32
        %add3A_288 = arith.addi %mul3A_286, %add3A_287 : i32
        %mul3A_289 = arith.constant 2 : i32
        %mul3A_290 = arith.muli %add3A_288, %mul3A_289 : i32
        %mul3A_291 = arith.constant 80 : i32
        %mul3A_292 = arith.muli %mul3A_290, %mul3A_291 : i32
        %add3A_293 = arith.addi %mul3A_38, %mul3A_292 : i32
        %dma_start3A_294 = tpu.memref_slice %arg3[%add3A_293] : memref<320000xi32, #tpu.memory_space<hbm>> -> memref<160xi32, #tpu.memory_space<hbm>>
        %dma_start3A_295 = tpu.memref_slice %arg3[%add3A_293] : memref<320000xi32, #tpu.memory_space<hbm>> -> memref<160xi32, #tpu.memory_space<hbm>>
        tpu.enqueue_dma source(%dma_start3A_295 : memref<160xi32, #tpu.memory_space<hbm>>) target(%arg7 : memref<160xi32, #tpu.memory_space<vmem>>) target_semaphore(%arg18 : memref<!tpu.dma_semaphore, #tpu.memory_space<semaphore_mem>>)
        %dma_start3A_296 = tpu.memref_slice %arg4[%add3A_293] : memref<320000xi32, #tpu.memory_space<hbm>> -> memref<160xi32, #tpu.memory_space<hbm>>
        %dma_start3A_297 = tpu.memref_slice %arg4[%add3A_293] : memref<320000xi32, #tpu.memory_space<hbm>> -> memref<160xi32, #tpu.memory_space<hbm>>
        tpu.enqueue_dma source(%dma_start3A_297 : memref<160xi32, #tpu.memory_space<hbm>>) target(%arg9 : memref<160xi32, #tpu.memory_space<vmem>>) target_semaphore(%arg18 : memref<!tpu.dma_semaphore, #tpu.memory_space<semaphore_mem>>)
      } else {
      }
      %mul3A_177 = arith.constant 2 : i32
      %mul3A_178 = arith.muli %mul3A_177, %scan3A_73 : i32
      %add3A_179 = arith.constant 1 : i32
      %add3A_180 = arith.addi %mul3A_178, %add3A_179 : i32
      %mul3A_181 = arith.constant 2 : i32
      %mul3A_182 = arith.muli %add3A_180, %mul3A_181 : i32
      %mul3A_183 = arith.constant 80 : i32
      %mul3A_184 = arith.muli %mul3A_182, %mul3A_183 : i32
      %add3A_185 = arith.addi %mul3A_38, %mul3A_184 : i32
      %dma_wait3A_186 = tpu.memref_slice %arg3[%add3A_185] : memref<320000xi32, #tpu.memory_space<hbm>> -> memref<160xi32, #tpu.memory_space<hbm>>
      %dma_wait3A_187 = tpu.memref_slice %arg3[%add3A_185] : memref<320000xi32, #tpu.memory_space<hbm>> -> memref<160xi32, #tpu.memory_space<hbm>>
      tpu.wait_dma2 semaphore(%arg19 : memref<!tpu.dma_semaphore, #tpu.memory_space<semaphore_mem>>) src(%dma_wait3A_187 : memref<160xi32, #tpu.memory_space<hbm>>) dst(%arg8 : memref<160xi32, #tpu.memory_space<vmem>>)
      %dma_wait3A_188 = tpu.memref_slice %arg4[%add3A_185] : memref<320000xi32, #tpu.memory_space<hbm>> -> memref<160xi32, #tpu.memory_space<hbm>>
      %dma_wait3A_189 = tpu.memref_slice %arg4[%add3A_185] : memref<320000xi32, #tpu.memory_space<hbm>> -> memref<160xi32, #tpu.memory_space<hbm>>
      tpu.wait_dma2 semaphore(%arg19 : memref<!tpu.dma_semaphore, #tpu.memory_space<semaphore_mem>>) src(%dma_wait3A_189 : memref<160xi32, #tpu.memory_space<hbm>>) dst(%arg10 : memref<160xi32, #tpu.memory_space<vmem>>)
      %dma_start3A_190 = arith.constant 0 : i32
      %dma_start3A_191 = tpu.memref_slice %arg8[%dma_start3A_190] : memref<160xi32, #tpu.memory_space<vmem>> -> memref<80xi32, #tpu.memory_space<vmem>>
      %dma_start3A_192 = arith.constant 0 : i32
      %dma_start3A_193 = arith.constant 0 : i32
      %dma_start3A_194 = tpu.memref_slice %arg2[%dma_start3A_192, %dma_start3A_193] : memref<10000x128xf32, #tpu.memory_space<hbm>> -> memref<10000x128xf32, #tpu.memory_space<hbm>>
      tpu.enqueue_indirect_dma source(%dma_start3A_194 : memref<10000x128xf32, #tpu.memory_space<hbm>>) target(%arg13 : memref<80x128xf32, #tpu.memory_space<vmem>>) offsets(%dma_start3A_191 : memref<80xi32, #tpu.memory_space<vmem>>) semaphore(%arg16 : memref<!tpu.dma_semaphore, #tpu.memory_space<semaphore_mem>>)
      %get3A_195 = arith.constant 0 : index
      %get3A_196 = tpu.vector_load %arg10[%get3A_195] {strides = array<i32>} : memref<160xi32, #tpu.memory_space<vmem>>, vector<16xi32>,
      %get3A_197 = vector.shape_cast %get3A_196 : vector<16xi32> to vector<16xi32>
      %swap3A_198 = arith.constant 0 : index
      %swap3A_199 = tpu.vector_load %arg11[%swap3A_198] {strides = array<i32>} : memref<80xi32, #tpu.memory_space<vmem>>, vector<16xi32>,
      %swap3A_200 = vector.shape_cast %swap3A_199 : vector<16xi32> to vector<16xi32>
      %swap3A_201 = vector.shape_cast %get3A_197 : vector<16xi32> to vector<16xi32>
      tpu.vector_store %arg11[%swap3A_198], %swap3A_201 {strides = array<i32>} : memref<80xi32, #tpu.memory_space<vmem>>, vector<16xi32>,
      %get3A_202 = arith.constant 16 : index
      %get3A_203 = tpu.vector_load %arg10[%get3A_202] {strides = array<i32>} : memref<160xi32, #tpu.memory_space<vmem>>, vector<16xi32>,
      %get3A_204 = vector.shape_cast %get3A_203 : vector<16xi32> to vector<16xi32>
      %swap3A_205 = arith.constant 16 : index
      %swap3A_206 = tpu.vector_load %arg11[%swap3A_205] {strides = array<i32>} : memref<80xi32, #tpu.memory_space<vmem>>, vector<16xi32>,
      %swap3A_207 = vector.shape_cast %swap3A_206 : vector<16xi32> to vector<16xi32>
      %swap3A_208 = vector.shape_cast %get3A_204 : vector<16xi32> to vector<16xi32>
      tpu.vector_store %arg11[%swap3A_205], %swap3A_208 {strides = array<i32>} : memref<80xi32, #tpu.memory_space<vmem>>, vector<16xi32>,
      %get3A_209 = arith.constant 32 : index
      %get3A_210 = tpu.vector_load %arg10[%get3A_209] {strides = array<i32>} : memref<160xi32, #tpu.memory_space<vmem>>, vector<16xi32>,
      %get3A_211 = vector.shape_cast %get3A_210 : vector<16xi32> to vector<16xi32>
      %swap3A_212 = arith.constant 32 : index
      %swap3A_213 = tpu.vector_load %arg11[%swap3A_212] {strides = array<i32>} : memref<80xi32, #tpu.memory_space<vmem>>, vector<16xi32>,
      %swap3A_214 = vector.shape_cast %swap3A_213 : vector<16xi32> to vector<16xi32>
      %swap3A_215 = vector.shape_cast %get3A_211 : vector<16xi32> to vector<16xi32>
      tpu.vector_store %arg11[%swap3A_212], %swap3A_215 {strides = array<i32>} : memref<80xi32, #tpu.memory_space<vmem>>, vector<16xi32>,
      %get3A_216 = arith.constant 48 : index
      %get3A_217 = tpu.vector_load %arg10[%get3A_216] {strides = array<i32>} : memref<160xi32, #tpu.memory_space<vmem>>, vector<16xi32>,
      %get3A_218 = vector.shape_cast %get3A_217 : vector<16xi32> to vector<16xi32>
      %swap3A_219 = arith.constant 48 : index
      %swap3A_220 = tpu.vector_load %arg11[%swap3A_219] {strides = array<i32>} : memref<80xi32, #tpu.memory_space<vmem>>, vector<16xi32>,
      %swap3A_221 = vector.shape_cast %swap3A_220 : vector<16xi32> to vector<16xi32>
      %swap3A_222 = vector.shape_cast %get3A_218 : vector<16xi32> to vector<16xi32>
      tpu.vector_store %arg11[%swap3A_219], %swap3A_222 {strides = array<i32>} : memref<80xi32, #tpu.memory_space<vmem>>, vector<16xi32>,
      %get3A_223 = arith.constant 64 : index
      %get3A_224 = tpu.vector_load %arg10[%get3A_223] {strides = array<i32>} : memref<160xi32, #tpu.memory_space<vmem>>, vector<16xi32>,
      %get3A_225 = vector.shape_cast %get3A_224 : vector<16xi32> to vector<16xi32>
      %swap3A_226 = arith.constant 64 : index
      %swap3A_227 = tpu.vector_load %arg11[%swap3A_226] {strides = array<i32>} : memref<80xi32, #tpu.memory_space<vmem>>, vector<16xi32>,
      %swap3A_228 = vector.shape_cast %swap3A_227 : vector<16xi32> to vector<16xi32>
      %swap3A_229 = vector.shape_cast %get3A_225 : vector<16xi32> to vector<16xi32>
      tpu.vector_store %arg11[%swap3A_226], %swap3A_229 {strides = array<i32>} : memref<80xi32, #tpu.memory_space<vmem>>, vector<16xi32>,
      %dma_start3A_230 = arith.constant 80 : i32
      %dma_start3A_231 = tpu.memref_slice %arg8[%dma_start3A_230] : memref<160xi32, #tpu.memory_space<vmem>> -> memref<80xi32, #tpu.memory_space<vmem>>
      %dma_start3A_232 = arith.constant 0 : i32
      %dma_start3A_233 = arith.constant 0 : i32
      %dma_start3A_234 = tpu.memref_slice %arg2[%dma_start3A_232, %dma_start3A_233] : memref<10000x128xf32, #tpu.memory_space<hbm>> -> memref<10000x128xf32, #tpu.memory_space<hbm>>
      tpu.enqueue_indirect_dma source(%dma_start3A_234 : memref<10000x128xf32, #tpu.memory_space<hbm>>) target(%arg14 : memref<80x128xf32, #tpu.memory_space<vmem>>) offsets(%dma_start3A_231 : memref<80xi32, #tpu.memory_space<vmem>>) semaphore(%arg17 : memref<!tpu.dma_semaphore, #tpu.memory_space<semaphore_mem>>)
      %get3A_235 = arith.constant 80 : index
      %get3A_236 = tpu.vector_load %arg10[%get3A_235] {strides = array<i32>} : memref<160xi32, #tpu.memory_space<vmem>>, vector<16xi32>,
      %get3A_237 = vector.shape_cast %get3A_236 : vector<16xi32> to vector<16xi32>
      %swap3A_238 = arith.constant 0 : index
      %swap3A_239 = tpu.vector_load %arg12[%swap3A_238] {strides = array<i32>} : memref<80xi32, #tpu.memory_space<vmem>>, vector<16xi32>,
      %swap3A_240 = vector.shape_cast %swap3A_239 : vector<16xi32> to vector<16xi32>
      %swap3A_241 = vector.shape_cast %get3A_237 : vector<16xi32> to vector<16xi32>
      tpu.vector_store %arg12[%swap3A_238], %swap3A_241 {strides = array<i32>} : memref<80xi32, #tpu.memory_space<vmem>>, vector<16xi32>,
      %get3A_242 = arith.constant 96 : index
      %get3A_243 = tpu.vector_load %arg10[%get3A_242] {strides = array<i32>} : memref<160xi32, #tpu.memory_space<vmem>>, vector<16xi32>,
      %get3A_244 = vector.shape_cast %get3A_243 : vector<16xi32> to vector<16xi32>
      %swap3A_245 = arith.constant 16 : index
      %swap3A_246 = tpu.vector_load %arg12[%swap3A_245] {strides = array<i32>} : memref<80xi32, #tpu.memory_space<vmem>>, vector<16xi32>,
      %swap3A_247 = vector.shape_cast %swap3A_246 : vector<16xi32> to vector<16xi32>
      %swap3A_248 = vector.shape_cast %get3A_244 : vector<16xi32> to vector<16xi32>
      tpu.vector_store %arg12[%swap3A_245], %swap3A_248 {strides = array<i32>} : memref<80xi32, #tpu.memory_space<vmem>>, vector<16xi32>,
      %get3A_249 = arith.constant 112 : index
      %get3A_250 = tpu.vector_load %arg10[%get3A_249] {strides = array<i32>} : memref<160xi32, #tpu.memory_space<vmem>>, vector<16xi32>,
      %get3A_251 = vector.shape_cast %get3A_250 : vector<16xi32> to vector<16xi32>
      %swap3A_252 = arith.constant 32 : index
      %swap3A_253 = tpu.vector_load %arg12[%swap3A_252] {strides = array<i32>} : memref<80xi32, #tpu.memory_space<vmem>>, vector<16xi32>,
      %swap3A_254 = vector.shape_cast %swap3A_253 : vector<16xi32> to vector<16xi32>
      %swap3A_255 = vector.shape_cast %get3A_251 : vector<16xi32> to vector<16xi32>
      tpu.vector_store %arg12[%swap3A_252], %swap3A_255 {strides = array<i32>} : memref<80xi32, #tpu.memory_space<vmem>>, vector<16xi32>,
      %get3A_256 = arith.constant 128 : index
      %get3A_257 = tpu.vector_load %arg10[%get3A_256] {strides = array<i32>} : memref<160xi32, #tpu.memory_space<vmem>>, vector<16xi32>,
      %get3A_258 = vector.shape_cast %get3A_257 : vector<16xi32> to vector<16xi32>
      %swap3A_259 = arith.constant 48 : index
      %swap3A_260 = tpu.vector_load %arg12[%swap3A_259] {strides = array<i32>} : memref<80xi32, #tpu.memory_space<vmem>>, vector<16xi32>,
      %swap3A_261 = vector.shape_cast %swap3A_260 : vector<16xi32> to vector<16xi32>
      %swap3A_262 = vector.shape_cast %get3A_258 : vector<16xi32> to vector<16xi32>
      tpu.vector_store %arg12[%swap3A_259], %swap3A_262 {strides = array<i32>} : memref<80xi32, #tpu.memory_space<vmem>>, vector<16xi32>,
      %get3A_263 = arith.constant 144 : index
      %get3A_264 = tpu.vector_load %arg10[%get3A_263] {strides = array<i32>} : memref<160xi32, #tpu.memory_space<vmem>>, vector<16xi32>,
      %get3A_265 = vector.shape_cast %get3A_264 : vector<16xi32> to vector<16xi32>
      %swap3A_266 = arith.constant 64 : index
      %swap3A_267 = tpu.vector_load %arg12[%swap3A_266] {strides = array<i32>} : memref<80xi32, #tpu.memory_space<vmem>>, vector<16xi32>,
      %swap3A_268 = vector.shape_cast %swap3A_267 : vector<16xi32> to vector<16xi32>
      %swap3A_269 = vector.shape_cast %get3A_265 : vector<16xi32> to vector<16xi32>
      tpu.vector_store %arg12[%swap3A_266], %swap3A_269 {strides = array<i32>} : memref<80xi32, #tpu.memory_space<vmem>>, vector<16xi32>,
      %dma_wait3A_270 = arith.constant 0 : i32
      %dma_wait3A_271 = tpu.memref_slice %arg8[%dma_wait3A_270] : memref<160xi32, #tpu.memory_space<vmem>> -> memref<80xi32, #tpu.memory_space<vmem>>
      %dma_wait3A_272 = arith.constant 0 : i32
      %dma_wait3A_273 = arith.constant 0 : i32
      %dma_wait3A_274 = tpu.memref_slice %arg2[%dma_wait3A_272, %dma_wait3A_273] : memref<10000x128xf32, #tpu.memory_space<hbm>> -> memref<10000x128xf32, #tpu.memory_space<hbm>>
      tpu.wait_indirect_dma semaphore(%arg16 : memref<!tpu.dma_semaphore, #tpu.memory_space<semaphore_mem>>) src(%dma_wait3A_274 : memref<10000x128xf32, #tpu.memory_space<hbm>>) dst(%arg13 : memref<80x128xf32, #tpu.memory_space<vmem>>)
      "tpu.region"() ({
        %run_scoped3A = tpu.sem_alloc : memref<!tpu.dma_semaphore, #tpu.memory_space<semaphore_mem>>
        %dma_start3A_285 = arith.constant 0 : i32
        %dma_start3A_286 = arith.constant 0 : i32
        %dma_start3A_287 = tpu.memref_slice %arg6[%dma_start3A_285, %dma_start3A_286] : memref<10000x128xf32, #tpu.memory_space<vmem_shared>> -> memref<10000x128xf32, #tpu.memory_space<vmem_shared>>
        tpu.enqueue_indirect_dma source(%arg13 : memref<80x128xf32, #tpu.memory_space<vmem>>) target(%dma_start3A_287 : memref<10000x128xf32, #tpu.memory_space<vmem_shared>>) offsets(%arg11 : memref<80xi32, #tpu.memory_space<vmem>>) semaphore(%run_scoped3A : memref<!tpu.dma_semaphore, #tpu.memory_space<semaphore_mem>>) {add = true}
        %dma_wait3A_288 = arith.constant 0 : i32
        %dma_wait3A_289 = arith.constant 0 : i32
        %dma_wait3A_290 = tpu.memref_slice %arg6[%dma_wait3A_288, %dma_wait3A_289] : memref<10000x128xf32, #tpu.memory_space<vmem_shared>> -> memref<10000x128xf32, #tpu.memory_space<vmem_shared>>
        tpu.wait_indirect_dma semaphore(%run_scoped3A : memref<!tpu.dma_semaphore, #tpu.memory_space<semaphore_mem>>) src(%arg13 : memref<80x128xf32, #tpu.memory_space<vmem>>) dst(%dma_wait3A_290 : memref<10000x128xf32, #tpu.memory_space<vmem_shared>>)
        tpu.yield
      }) : () -> ()
      %dma_wait3A_275 = arith.constant 80 : i32
      %dma_wait3A_276 = tpu.memref_slice %arg8[%dma_wait3A_275] : memref<160xi32, #tpu.memory_space<vmem>> -> memref<80xi32, #tpu.memory_space<vmem>>
      %dma_wait3A_277 = arith.constant 0 : i32
      %dma_wait3A_278 = arith.constant 0 : i32
      %dma_wait3A_279 = tpu.memref_slice %arg2[%dma_wait3A_277, %dma_wait3A_278] : memref<10000x128xf32, #tpu.memory_space<hbm>> -> memref<10000x128xf32, #tpu.memory_space<hbm>>
      tpu.wait_indirect_dma semaphore(%arg17 : memref<!tpu.dma_semaphore, #tpu.memory_space<semaphore_mem>>) src(%dma_wait3A_279 : memref<10000x128xf32, #tpu.memory_space<hbm>>) dst(%arg14 : memref<80x128xf32, #tpu.memory_space<vmem>>)
      "tpu.region"() ({
        %run_scoped3A = tpu.sem_alloc : memref<!tpu.dma_semaphore, #tpu.memory_space<semaphore_mem>>
        %dma_start3A_285 = arith.constant 0 : i32
        %dma_start3A_286 = arith.constant 0 : i32
        %dma_start3A_287 = tpu.memref_slice %arg6[%dma_start3A_285, %dma_start3A_286] : memref<10000x128xf32, #tpu.memory_space<vmem_shared>> -> memref<10000x128xf32, #tpu.memory_space<vmem_shared>>
        tpu.enqueue_indirect_dma source(%arg14 : memref<80x128xf32, #tpu.memory_space<vmem>>) target(%dma_start3A_287 : memref<10000x128xf32, #tpu.memory_space<vmem_shared>>) offsets(%arg12 : memref<80xi32, #tpu.memory_space<vmem>>) semaphore(%run_scoped3A : memref<!tpu.dma_semaphore, #tpu.memory_space<semaphore_mem>>) {add = true}
        %dma_wait3A_288 = arith.constant 0 : i32
        %dma_wait3A_289 = arith.constant 0 : i32
        %dma_wait3A_290 = tpu.memref_slice %arg6[%dma_wait3A_288, %dma_wait3A_289] : memref<10000x128xf32, #tpu.memory_space<vmem_shared>> -> memref<10000x128xf32, #tpu.memory_space<vmem_shared>>
        tpu.wait_indirect_dma semaphore(%run_scoped3A : memref<!tpu.dma_semaphore, #tpu.memory_space<semaphore_mem>>) src(%arg14 : memref<80x128xf32, #tpu.memory_space<vmem>>) dst(%dma_wait3A_290 : memref<10000x128xf32, #tpu.memory_space<vmem_shared>>)
        tpu.yield
      }) : () -> ()
      %lt3A_280 = arith.constant 30 : i32
      %lt3A_281 = arith.cmpi slt, %scan3A_73, %lt3A_280 : i32
      %convert_element_type3A_282 = arith.extui %lt3A_281 : i1 to i32
      %cond3A_283 = arith.constant 0 : i32
      %cond3A_284 = arith.cmpi ne, %convert_element_type3A_282, %cond3A_283 : i32
      scf.if %cond3A_284 {
        %mul3A_285 = arith.constant 2 : i32
        %mul3A_286 = arith.muli %mul3A_285, %scan3A_73 : i32
        %add3A_287 = arith.constant 3 : i32
        %add3A_288 = arith.addi %mul3A_286, %add3A_287 : i32
        %mul3A_289 = arith.constant 2 : i32
        %mul3A_290 = arith.muli %add3A_288, %mul3A_289 : i32
        %mul3A_291 = arith.constant 80 : i32
        %mul3A_292 = arith.muli %mul3A_290, %mul3A_291 : i32
        %add3A_293 = arith.addi %mul3A_38, %mul3A_292 : i32
        %dma_start3A_294 = tpu.memref_slice %arg3[%add3A_293] : memref<320000xi32, #tpu.memory_space<hbm>> -> memref<160xi32, #tpu.memory_space<hbm>>
        %dma_start3A_295 = tpu.memref_slice %arg3[%add3A_293] : memref<320000xi32, #tpu.memory_space<hbm>> -> memref<160xi32, #tpu.memory_space<hbm>>
        tpu.enqueue_dma source(%dma_start3A_295 : memref<160xi32, #tpu.memory_space<hbm>>) target(%arg8 : memref<160xi32, #tpu.memory_space<vmem>>) target_semaphore(%arg19 : memref<!tpu.dma_semaphore, #tpu.memory_space<semaphore_mem>>)
        %dma_start3A_296 = tpu.memref_slice %arg4[%add3A_293] : memref<320000xi32, #tpu.memory_space<hbm>> -> memref<160xi32, #tpu.memory_space<hbm>>
        %dma_start3A_297 = tpu.memref_slice %arg4[%add3A_293] : memref<320000xi32, #tpu.memory_space<hbm>> -> memref<160xi32, #tpu.memory_space<hbm>>
        tpu.enqueue_dma source(%dma_start3A_297 : memref<160xi32, #tpu.memory_space<hbm>>) target(%arg10 : memref<160xi32, #tpu.memory_space<vmem>>) target_semaphore(%arg19 : memref<!tpu.dma_semaphore, #tpu.memory_space<semaphore_mem>>)
      } else {
      }
    }
    %scan3A_55 = arith.constant 31 : i32
    %add3A_56 = arith.constant 9920 : i32
    %add3A_57 = arith.addi %mul3A_38, %add3A_56 : i32
    "tpu.region"() ({
      %run_scoped3A = tpu.sem_alloc : memref<!tpu.dma_semaphore, #tpu.memory_space<semaphore_mem>>
      %dma_start3A_73 = arith.constant 0 : i32
      %dma_start3A_74 = tpu.memref_slice %arg7[%dma_start3A_73] : memref<160xi32, #tpu.memory_space<vmem>> -> memref<80xi32, #tpu.memory_space<vmem>>
      %dma_start3A_75 = tpu.memref_slice %arg3[%add3A_57] : memref<320000xi32, #tpu.memory_space<hbm>> -> memref<80xi32, #tpu.memory_space<hbm>>
      %dma_start3A_76 = arith.constant 0 : i32
      %dma_start3A_77 = tpu.memref_slice %arg7[%dma_start3A_76] : memref<160xi32, #tpu.memory_space<vmem>> -> memref<80xi32, #tpu.memory_space<vmem>>
      %dma_start3A_78 = tpu.memref_slice %arg3[%add3A_57] : memref<320000xi32, #tpu.memory_space<hbm>> -> memref<80xi32, #tpu.memory_space<hbm>>
      tpu.enqueue_dma source(%dma_start3A_78 : memref<80xi32, #tpu.memory_space<hbm>>) target(%dma_start3A_77 : memref<80xi32, #tpu.memory_space<vmem>>) target_semaphore(%run_scoped3A : memref<!tpu.dma_semaphore, #tpu.memory_space<semaphore_mem>>)
      %dma_wait3A_79 = arith.constant 0 : i32
      %dma_wait3A_80 = tpu.memref_slice %arg7[%dma_wait3A_79] : memref<160xi32, #tpu.memory_space<vmem>> -> memref<80xi32, #tpu.memory_space<vmem>>
      %dma_wait3A_81 = tpu.memref_slice %arg3[%add3A_57] : memref<320000xi32, #tpu.memory_space<hbm>> -> memref<80xi32, #tpu.memory_space<hbm>>
      %dma_wait3A_82 = arith.constant 0 : i32
      %dma_wait3A_83 = tpu.memref_slice %arg7[%dma_wait3A_82] : memref<160xi32, #tpu.memory_space<vmem>> -> memref<80xi32, #tpu.memory_space<vmem>>
      %dma_wait3A_84 = tpu.memref_slice %arg3[%add3A_57] : memref<320000xi32, #tpu.memory_space<hbm>> -> memref<80xi32, #tpu.memory_space<hbm>>
      tpu.wait_dma2 semaphore(%run_scoped3A : memref<!tpu.dma_semaphore, #tpu.memory_space<semaphore_mem>>) src(%dma_wait3A_84 : memref<80xi32, #tpu.memory_space<hbm>>) dst(%dma_wait3A_83 : memref<80xi32, #tpu.memory_space<vmem>>)
      tpu.yield
    }) : () -> ()
    "tpu.region"() ({
      %run_scoped3A = tpu.sem_alloc : memref<!tpu.dma_semaphore, #tpu.memory_space<semaphore_mem>>
      %dma_start3A_73 = tpu.memref_slice %arg4[%add3A_57] : memref<320000xi32, #tpu.memory_space<hbm>> -> memref<80xi32, #tpu.memory_space<hbm>>
      %dma_start3A_74 = tpu.memref_slice %arg4[%add3A_57] : memref<320000xi32, #tpu.memory_space<hbm>> -> memref<80xi32, #tpu.memory_space<hbm>>
      tpu.enqueue_dma source(%dma_start3A_74 : memref<80xi32, #tpu.memory_space<hbm>>) target(%arg11 : memref<80xi32, #tpu.memory_space<vmem>>) target_semaphore(%run_scoped3A : memref<!tpu.dma_semaphore, #tpu.memory_space<semaphore_mem>>)
      %dma_wait3A_75 = tpu.memref_slice %arg4[%add3A_57] : memref<320000xi32, #tpu.memory_space<hbm>> -> memref<80xi32, #tpu.memory_space<hbm>>
      %dma_wait3A_76 = tpu.memref_slice %arg4[%add3A_57] : memref<320000xi32, #tpu.memory_space<hbm>> -> memref<80xi32, #tpu.memory_space<hbm>>
      tpu.wait_dma2 semaphore(%run_scoped3A : memref<!tpu.dma_semaphore, #tpu.memory_space<semaphore_mem>>) src(%dma_wait3A_76 : memref<80xi32, #tpu.memory_space<hbm>>) dst(%arg11 : memref<80xi32, #tpu.memory_space<vmem>>)
      tpu.yield
    }) : () -> ()
    %dma_start3A_58 = arith.constant 0 : i32
    %dma_start3A_59 = tpu.memref_slice %arg7[%dma_start3A_58] : memref<160xi32, #tpu.memory_space<vmem>> -> memref<80xi32, #tpu.memory_space<vmem>>
    %dma_start3A_60 = arith.constant 0 : i32
    %dma_start3A_61 = arith.constant 0 : i32
    %dma_start3A_62 = tpu.memref_slice %arg2[%dma_start3A_60, %dma_start3A_61] : memref<10000x128xf32, #tpu.memory_space<hbm>> -> memref<10000x128xf32, #tpu.memory_space<hbm>>
    tpu.enqueue_indirect_dma source(%dma_start3A_62 : memref<10000x128xf32, #tpu.memory_space<hbm>>) target(%arg13 : memref<80x128xf32, #tpu.memory_space<vmem>>) offsets(%dma_start3A_59 : memref<80xi32, #tpu.memory_space<vmem>>) semaphore(%arg16 : memref<!tpu.dma_semaphore, #tpu.memory_space<semaphore_mem>>)
    %dma_wait3A = arith.constant 0 : i32
    %dma_wait3A_63 = tpu.memref_slice %arg7[%dma_wait3A] : memref<160xi32, #tpu.memory_space<vmem>> -> memref<80xi32, #tpu.memory_space<vmem>>
    %dma_wait3A_64 = arith.constant 0 : i32
    %dma_wait3A_65 = arith.constant 0 : i32
    %dma_wait3A_66 = tpu.memref_slice %arg2[%dma_wait3A_64, %dma_wait3A_65] : memref<10000x128xf32, #tpu.memory_space<hbm>> -> memref<10000x128xf32, #tpu.memory_space<hbm>>
    tpu.wait_indirect_dma semaphore(%arg16 : memref<!tpu.dma_semaphore, #tpu.memory_space<semaphore_mem>>) src(%dma_wait3A_66 : memref<10000x128xf32, #tpu.memory_space<hbm>>) dst(%arg13 : memref<80x128xf32, #tpu.memory_space<vmem>>)
    "tpu.region"() ({
      %run_scoped3A = tpu.sem_alloc : memref<!tpu.dma_semaphore, #tpu.memory_space<semaphore_mem>>
      %dma_start3A_73 = arith.constant 0 : i32
      %dma_start3A_74 = arith.constant 0 : i32
      %dma_start3A_75 = tpu.memref_slice %arg6[%dma_start3A_73, %dma_start3A_74] : memref<10000x128xf32, #tpu.memory_space<vmem_shared>> -> memref<10000x128xf32, #tpu.memory_space<vmem_shared>>
      tpu.enqueue_indirect_dma source(%arg13 : memref<80x128xf32, #tpu.memory_space<vmem>>) target(%dma_start3A_75 : memref<10000x128xf32, #tpu.memory_space<vmem_shared>>) offsets(%arg11 : memref<80xi32, #tpu.memory_space<vmem>>) semaphore(%run_scoped3A : memref<!tpu.dma_semaphore, #tpu.memory_space<semaphore_mem>>) {add = true}
      %dma_wait3A_76 = arith.constant 0 : i32
      %dma_wait3A_77 = arith.constant 0 : i32
      %dma_wait3A_78 = tpu.memref_slice %arg6[%dma_wait3A_76, %dma_wait3A_77] : memref<10000x128xf32, #tpu.memory_space<vmem_shared>> -> memref<10000x128xf32, #tpu.memory_space<vmem_shared>>
      tpu.wait_indirect_dma semaphore(%run_scoped3A : memref<!tpu.dma_semaphore, #tpu.memory_space<semaphore_mem>>) src(%arg13 : memref<80x128xf32, #tpu.memory_space<vmem>>) dst(%dma_wait3A_78 : memref<10000x128xf32, #tpu.memory_space<vmem_shared>>)
      tpu.yield
    }) : () -> ()
    %barrier3A_67 = arith.constant 0 : index
    tpu.barrier barrier_id(%barrier3A_67)
    "tpu.region"() ({
      %run_scoped3A = tpu.sem_alloc : memref<!tpu.dma_semaphore, #tpu.memory_space<semaphore_mem>>
      %dma_start3A_73 = arith.constant 0 : i32
      %dma_start3A_74 = tpu.memref_slice %arg5[%arg0, %mul3A_8, %dma_start3A_73] : memref<2x10000x128xf32, #tpu.memory_space<hbm>> -> memref<1x624x128xf32, #tpu.memory_space<hbm>>
      %dma_start3A_75 = tpu.memref_squeeze %dma_start3A_74 : memref<1x624x128xf32, #tpu.memory_space<hbm>> -> memref<624x128xf32, #tpu.memory_space<hbm>>
      %dma_start3A_76 = arith.constant 0 : i32
      %dma_start3A_77 = tpu.memref_slice %arg6[%mul3A_8, %dma_start3A_76] : memref<10000x128xf32, #tpu.memory_space<vmem_shared>> -> memref<624x128xf32, #tpu.memory_space<vmem_shared>>
      tpu.enqueue_dma source(%dma_start3A_77 : memref<624x128xf32, #tpu.memory_space<vmem_shared>>) target(%dma_start3A_75 : memref<624x128xf32, #tpu.memory_space<hbm>>) target_semaphore(%run_scoped3A : memref<!tpu.dma_semaphore, #tpu.memory_space<semaphore_mem>>)
      %dma_wait3A_78 = arith.constant 0 : i32
      %dma_wait3A_79 = tpu.memref_slice %arg5[%arg0, %mul3A_8, %dma_wait3A_78] : memref<2x10000x128xf32, #tpu.memory_space<hbm>> -> memref<1x624x128xf32, #tpu.memory_space<hbm>>
      %dma_wait3A_80 = tpu.memref_squeeze %dma_wait3A_79 : memref<1x624x128xf32, #tpu.memory_space<hbm>> -> memref<624x128xf32, #tpu.memory_space<hbm>>
      %dma_wait3A_81 = arith.constant 0 : i32
      %dma_wait3A_82 = tpu.memref_slice %arg6[%mul3A_8, %dma_wait3A_81] : memref<10000x128xf32, #tpu.memory_space<vmem_shared>> -> memref<624x128xf32, #tpu.memory_space<vmem_shared>>
      tpu.wait_dma2 semaphore(%run_scoped3A : memref<!tpu.dma_semaphore, #tpu.memory_space<semaphore_mem>>) src(%dma_wait3A_82 : memref<624x128xf32, #tpu.memory_space<vmem_shared>>) dst(%dma_wait3A_80 : memref<624x128xf32, #tpu.memory_space<hbm>>)
      tpu.yield
    }) : () -> ()
    %eq3A_68 = arith.constant 15 : i32
    %eq3A_69 = arith.cmpi eq, %arg1, %eq3A_68 : i32
    %convert_element_type3A_70 = arith.extui %eq3A_69 : i1 to i32
    %cond3A_71 = arith.constant 0 : i32
    %cond3A_72 = arith.cmpi ne, %convert_element_type3A_70, %cond3A_71 : i32
    scf.if %cond3A_72 {
      "tpu.region"() ({
        %run_scoped3A = tpu.sem_alloc : memref<!tpu.dma_semaphore, #tpu.memory_space<semaphore_mem>>
        %dma_start3A_73 = arith.constant 9984 : i32
        %dma_start3A_74 = arith.constant 0 : i32
        %dma_start3A_75 = tpu.memref_slice %arg5[%arg0, %dma_start3A_73, %dma_start3A_74] : memref<2x10000x128xf32, #tpu.memory_space<hbm>> -> memref<1x16x128xf32, #tpu.memory_space<hbm>>
        %dma_start3A_76 = tpu.memref_squeeze %dma_start3A_75 : memref<1x16x128xf32, #tpu.memory_space<hbm>> -> memref<16x128xf32, #tpu.memory_space<hbm>>
        %dma_start3A_77 = arith.constant 9984 : i32
        %dma_start3A_78 = arith.constant 0 : i32
        %dma_start3A_79 = tpu.memref_slice %arg6[%dma_start3A_77, %dma_start3A_78] : memref<10000x128xf32, #tpu.memory_space<vmem_shared>> -> memref<16x128xf32, #tpu.memory_space<vmem_shared>>
        tpu.enqueue_dma source(%dma_start3A_79 : memref<16x128xf32, #tpu.memory_space<vmem_shared>>) target(%dma_start3A_76 : memref<16x128xf32, #tpu.memory_space<hbm>>) target_semaphore(%run_scoped3A : memref<!tpu.dma_semaphore, #tpu.memory_space<semaphore_mem>>)
        %dma_wait3A_80 = arith.constant 9984 : i32
        %dma_wait3A_81 = arith.constant 0 : i32
        %dma_wait3A_82 = tpu.memref_slice %arg5[%arg0, %dma_wait3A_80, %dma_wait3A_81] : memref<2x10000x128xf32, #tpu.memory_space<hbm>> -> memref<1x16x128xf32, #tpu.memory_space<hbm>>
        %dma_wait3A_83 = tpu.memref_squeeze %dma_wait3A_82 : memref<1x16x128xf32, #tpu.memory_space<hbm>> -> memref<16x128xf32, #tpu.memory_space<hbm>>
        %dma_wait3A_84 = arith.constant 9984 : i32
        %dma_wait3A_85 = arith.constant 0 : i32
        %dma_wait3A_86 = tpu.memref_slice %arg6[%dma_wait3A_84, %dma_wait3A_85] : memref<10000x128xf32, #tpu.memory_space<vmem_shared>> -> memref<16x128xf32, #tpu.memory_space<vmem_shared>>
        tpu.wait_dma2 semaphore(%run_scoped3A : memref<!tpu.dma_semaphore, #tpu.memory_space<semaphore_mem>>) src(%dma_wait3A_86 : memref<16x128xf32, #tpu.memory_space<vmem_shared>>) dst(%dma_wait3A_83 : memref<16x128xf32, #tpu.memory_space<hbm>>)
        tpu.yield
      }) : () -> ()
    } else {
    }
    return
  }
}

#map = affine_map<(d0, d1) -> (0, 0)>
#map1 = affine_map<(d0, d1) -> (0)>
#map2 = affine_map<(d0, d1) -> (0, 0, 0)>
module attributes {stable_mosaic.version = 14 : i64} {
  func.func @agg(%arg0: i32, %arg1: i32, %arg2: memref<10000x128xf32, #tpu.memory_space<hbm>>, %arg3: memref<320000xi32, #tpu.memory_space<hbm>>, %arg4: memref<320000xi32, #tpu.memory_space<hbm>>, %arg5: memref<2x10000x128xf32, #tpu.memory_space<hbm>>, %arg6: memref<10000x128xf32, #tpu.memory_space<vmem_shared>>, %arg7: memref<160xi32, #tpu.memory_space<vmem>>, %arg8: memref<160xi32, #tpu.memory_space<vmem>>, %arg9: memref<160xi32, #tpu.memory_space<vmem>>, %arg10: memref<160xi32, #tpu.memory_space<vmem>>, %arg11: memref<80xi32, #tpu.memory_space<vmem>>, %arg12: memref<80xi32, #tpu.memory_space<vmem>>, %arg13: memref<80x128xf32, #tpu.memory_space<vmem>>, %arg14: memref<80x128xf32, #tpu.memory_space<vmem>>, %arg15: memref<48x128xf32, #tpu.memory_space<vmem>>, %arg16: memref<!tpu.dma_semaphore, #tpu.memory_space<semaphore_mem>>, %arg17: memref<!tpu.dma_semaphore, #tpu.memory_space<semaphore_mem>>, %arg18: memref<!tpu.dma_semaphore, #tpu.memory_space<semaphore_mem>>, %arg19: memref<!tpu.dma_semaphore, #tpu.memory_space<semaphore_mem>>) attributes {dimension_semantics = [#tpu.dimension_semantics<core_parallel>, #tpu.dimension_semantics<subcore_parallel>], iteration_bounds = array<i64: 2, 16>, scalar_prefetch = 0 : i64, scratch_operands = 14 : i64, tpu.core_type = #tpu.core_type<sc_vector_subcore>, window_params = [{transform_indices = #map}, {transform_indices = #map1}, {transform_indices = #map1}, {transform_indices = #map2}]} {
    %mul3A = arith.constant 2 : i32
    %mul3A_0 = arith.muli %arg1, %mul3A : i32
    %add3A = arith.addi %mul3A_0, %arg0 : i32
    %broadcast_in_dim3A = arith.constant 0.000000e+00 : f32
    %broadcast_in_dim3A_1 = vector.broadcast %broadcast_in_dim3A : f32 to vector<16xf32>
    %scan3A = arith.constant 0 : i32
    %scan3A_2 = arith.constant 0 : i32
    %scan3A_3 = arith.constant 384 : i32
    %scan3A_4 = arith.addi %scan3A_2, %scan3A_3 : i32
    %scan3A_5 = arith.constant 1 : i32
    scf.for %scan3A_73 = %scan3A_2 to %scan3A_4 step %scan3A_5  : i32 {
      %jit3A = arith.constant 8 : i32
      %div3A = arith.divsi %scan3A_73, %jit3A : i32
      %sign3A = arith.constant 0 : i32
      %sign3A_74 = arith.cmpi sgt, %scan3A_73, %sign3A : i32
      %sign3A_75 = arith.extui %sign3A_74 : i1 to i32
      %sign3A_76 = arith.constant 0 : i32
      %sign3A_77 = arith.cmpi slt, %scan3A_73, %sign3A_76 : i32
      %sign3A_78 = arith.extui %sign3A_77 : i1 to i32
      %sign3A_79 = arith.subi %sign3A_75, %sign3A_78 : i32
      %sign3A_80 = arith.constant 0 : i32
      %sign3A_81 = arith.cmpi sgt, %jit3A, %sign3A_80 : i32
      %sign3A_82 = arith.extui %sign3A_81 : i1 to i32
      %sign3A_83 = arith.constant 0 : i32
      %sign3A_84 = arith.cmpi slt, %jit3A, %sign3A_83 : i32
      %sign3A_85 = arith.extui %sign3A_84 : i1 to i32
      %sign3A_86 = arith.subi %sign3A_82, %sign3A_85 : i32
      %ne3A = arith.cmpi ne, %sign3A_79, %sign3A_86 : i32
      %rem3A = arith.remsi %scan3A_73, %jit3A : i32
      %ne3A_87 = arith.constant 0 : i32
      %ne3A_88 = arith.cmpi ne, %rem3A, %ne3A_87 : i32
      %and3A = arith.andi %ne3A, %ne3A_88 : i1
      %sub3A = arith.constant 1 : i32
      %sub3A_89 = arith.subi %div3A, %sub3A : i32
      %select_n3A = arith.select %and3A, %sub3A_89, %div3A : i32
      %jit3A_90 = arith.constant 8 : i32
      %eq3A_91 = arith.constant 0 : i32
      %eq3A_92 = arith.cmpi eq, %jit3A_90, %eq3A_91 : i32
      %jit3A_93 = arith.constant 1 : i32
      %select_n3A_94 = arith.select %eq3A_92, %jit3A_93, %jit3A_90 : i32
      %rem3A_95 = arith.remsi %scan3A_73, %select_n3A_94 : i32
      %ne3A_96 = arith.constant 0 : i32
      %ne3A_97 = arith.cmpi ne, %rem3A_95, %ne3A_96 : i32
      %lt3A = arith.constant 0 : i32
      %lt3A_98 = arith.cmpi slt, %rem3A_95, %lt3A : i32
      %lt3A_99 = arith.constant 0 : i32
      %lt3A_100 = arith.cmpi slt, %select_n3A_94, %lt3A_99 : i32
      %ne3A_101 = arith.xori %lt3A_98, %lt3A_100 : i1
      %and3A_102 = arith.andi %ne3A_101, %ne3A_97 : i1
      %add3A_103 = arith.addi %rem3A_95, %select_n3A_94 : i32
      %select_n3A_104 = arith.select %and3A_102, %add3A_103, %rem3A_95 : i32
      %mul3A_105 = arith.constant 16 : i32
      %mul3A_106 = arith.muli %select_n3A_104, %mul3A_105 : i32
      %swap3A = arith.index_cast %select_n3A : i32 to index
      %swap3A_107 = arith.index_cast %mul3A_106 : i32 to index
      %swap3A_108 = tpu.vector_load %arg15[%swap3A, %swap3A_107] {strides = array<i32>} : memref<48x128xf32, #tpu.memory_space<vmem>>, vector<1x16xf32>,
      %swap3A_109 = vector.shape_cast %swap3A_108 : vector<1x16xf32> to vector<16xf32>
      %swap3A_110 = vector.shape_cast %broadcast_in_dim3A_1 : vector<16xf32> to vector<1x16xf32>
      tpu.vector_store %arg15[%swap3A, %swap3A_107], %swap3A_110 {strides = array<i32>} : memref<48x128xf32, #tpu.memory_space<vmem>>, vector<1x16xf32>,
    }
    %scan3A_6 = arith.constant 384 : i32
    %mul3A_7 = arith.constant 624 : i32
    %mul3A_8 = arith.muli %arg1, %mul3A_7 : i32
    %add3A_9 = arith.constant 0 : i32
    %add3A_10 = arith.addi %mul3A_8, %add3A_9 : i32
    "tpu.region"() ({
      %run_scoped3A = tpu.sem_alloc : memref<!tpu.dma_semaphore, #tpu.memory_space<semaphore_mem>>
      %dma_start3A_73 = arith.constant 0 : i32
      %dma_start3A_74 = tpu.memref_slice %arg6[%add3A_10, %dma_start3A_73] : memref<10000x128xf32, #tpu.memory_space<vmem_shared>> -> memref<48x128xf32, #tpu.memory_space<vmem_shared>>
      %dma_start3A_75 = arith.constant 0 : i32
      %dma_start3A_76 = tpu.memref_slice %arg6[%add3A_10, %dma_start3A_75] : memref<10000x128xf32, #tpu.memory_space<vmem_shared>> -> memref<48x128xf32, #tpu.memory_space<vmem_shared>>
      tpu.enqueue_dma source(%arg15 : memref<48x128xf32, #tpu.memory_space<vmem>>) target(%dma_start3A_76 : memref<48x128xf32, #tpu.memory_space<vmem_shared>>) target_semaphore(%run_scoped3A : memref<!tpu.dma_semaphore, #tpu.memory_space<semaphore_mem>>)
      %dma_wait3A_77 = arith.constant 0 : i32
      %dma_wait3A_78 = tpu.memref_slice %arg6[%add3A_10, %dma_wait3A_77] : memref<10000x128xf32, #tpu.memory_space<vmem_shared>> -> memref<48x128xf32, #tpu.memory_space<vmem_shared>>
      %dma_wait3A_79 = arith.constant 0 : i32
      %dma_wait3A_80 = tpu.memref_slice %arg6[%add3A_10, %dma_wait3A_79] : memref<10000x128xf32, #tpu.memory_space<vmem_shared>> -> memref<48x128xf32, #tpu.memory_space<vmem_shared>>
      tpu.wait_dma2 semaphore(%run_scoped3A : memref<!tpu.dma_semaphore, #tpu.memory_space<semaphore_mem>>) src(%arg15 : memref<48x128xf32, #tpu.memory_space<vmem>>) dst(%dma_wait3A_80 : memref<48x128xf32, #tpu.memory_space<vmem_shared>>)
      tpu.yield
    }) : () -> ()
    %add3A_11 = arith.constant 48 : i32
    %add3A_12 = arith.addi %mul3A_8, %add3A_11 : i32
    "tpu.region"() ({
      %run_scoped3A = tpu.sem_alloc : memref<!tpu.dma_semaphore, #tpu.memory_space<semaphore_mem>>
      %dma_start3A_73 = arith.constant 0 : i32
      %dma_start3A_74 = tpu.memref_slice %arg6[%add3A_12, %dma_start3A_73] : memref<10000x128xf32, #tpu.memory_space<vmem_shared>> -> memref<48x128xf32, #tpu.memory_space<vmem_shared>>
      %dma_start3A_75 = arith.constant 0 : i32
      %dma_start3A_76 = tpu.memref_slice %arg6[%add3A_12, %dma_start3A_75] : memref<10000x128xf32, #tpu.memory_space<vmem_shared>> -> memref<48x128xf32, #tpu.memory_space<vmem_shared>>
      tpu.enqueue_dma source(%arg15 : memref<48x128xf32, #tpu.memory_space<vmem>>) target(%dma_start3A_76 : memref<48x128xf32, #tpu.memory_space<vmem_shared>>) target_semaphore(%run_scoped3A : memref<!tpu.dma_semaphore, #tpu.memory_space<semaphore_mem>>)
      %dma_wait3A_77 = arith.constant 0 : i32
      %dma_wait3A_78 = tpu.memref_slice %arg6[%add3A_12, %dma_wait3A_77] : memref<10000x128xf32, #tpu.memory_space<vmem_shared>> -> memref<48x128xf32, #tpu.memory_space<vmem_shared>>
      %dma_wait3A_79 = arith.constant 0 : i32
      %dma_wait3A_80 = tpu.memref_slice %arg6[%add3A_12, %dma_wait3A_79] : memref<10000x128xf32, #tpu.memory_space<vmem_shared>> -> memref<48x128xf32, #tpu.memory_space<vmem_shared>>
      tpu.wait_dma2 semaphore(%run_scoped3A : memref<!tpu.dma_semaphore, #tpu.memory_space<semaphore_mem>>) src(%arg15 : memref<48x128xf32, #tpu.memory_space<vmem>>) dst(%dma_wait3A_80 : memref<48x128xf32, #tpu.memory_space<vmem_shared>>)
      tpu.yield
    }) : () -> ()
    %add3A_13 = arith.constant 96 : i32
    %add3A_14 = arith.addi %mul3A_8, %add3A_13 : i32
    "tpu.region"() ({
      %run_scoped3A = tpu.sem_alloc : memref<!tpu.dma_semaphore, #tpu.memory_space<semaphore_mem>>
      %dma_start3A_73 = arith.constant 0 : i32
      %dma_start3A_74 = tpu.memref_slice %arg6[%add3A_14, %dma_start3A_73] : memref<10000x128xf32, #tpu.memory_space<vmem_shared>> -> memref<48x128xf32, #tpu.memory_space<vmem_shared>>
      %dma_start3A_75 = arith.constant 0 : i32
      %dma_start3A_76 = tpu.memref_slice %arg6[%add3A_14, %dma_start3A_75] : memref<10000x128xf32, #tpu.memory_space<vmem_shared>> -> memref<48x128xf32, #tpu.memory_space<vmem_shared>>
      tpu.enqueue_dma source(%arg15 : memref<48x128xf32, #tpu.memory_space<vmem>>) target(%dma_start3A_76 : memref<48x128xf32, #tpu.memory_space<vmem_shared>>) target_semaphore(%run_scoped3A : memref<!tpu.dma_semaphore, #tpu.memory_space<semaphore_mem>>)
      %dma_wait3A_77 = arith.constant 0 : i32
      %dma_wait3A_78 = tpu.memref_slice %arg6[%add3A_14, %dma_wait3A_77] : memref<10000x128xf32, #tpu.memory_space<vmem_shared>> -> memref<48x128xf32, #tpu.memory_space<vmem_shared>>
      %dma_wait3A_79 = arith.constant 0 : i32
      %dma_wait3A_80 = tpu.memref_slice %arg6[%add3A_14, %dma_wait3A_79] : memref<10000x128xf32, #tpu.memory_space<vmem_shared>> -> memref<48x128xf32, #tpu.memory_space<vmem_shared>>
      tpu.wait_dma2 semaphore(%run_scoped3A : memref<!tpu.dma_semaphore, #tpu.memory_space<semaphore_mem>>) src(%arg15 : memref<48x128xf32, #tpu.memory_space<vmem>>) dst(%dma_wait3A_80 : memref<48x128xf32, #tpu.memory_space<vmem_shared>>)
      tpu.yield
    }) : () -> ()
    %add3A_15 = arith.constant 144 : i32
    %add3A_16 = arith.addi %mul3A_8, %add3A_15 : i32
    "tpu.region"() ({
      %run_scoped3A = tpu.sem_alloc : memref<!tpu.dma_semaphore, #tpu.memory_space<semaphore_mem>>
      %dma_start3A_73 = arith.constant 0 : i32
      %dma_start3A_74 = tpu.memref_slice %arg6[%add3A_16, %dma_start3A_73] : memref<10000x128xf32, #tpu.memory_space<vmem_shared>> -> memref<48x128xf32, #tpu.memory_space<vmem_shared>>
      %dma_start3A_75 = arith.constant 0 : i32
      %dma_start3A_76 = tpu.memref_slice %arg6[%add3A_16, %dma_start3A_75] : memref<10000x128xf32, #tpu.memory_space<vmem_shared>> -> memref<48x128xf32, #tpu.memory_space<vmem_shared>>
      tpu.enqueue_dma source(%arg15 : memref<48x128xf32, #tpu.memory_space<vmem>>) target(%dma_start3A_76 : memref<48x128xf32, #tpu.memory_space<vmem_shared>>) target_semaphore(%run_scoped3A : memref<!tpu.dma_semaphore, #tpu.memory_space<semaphore_mem>>)
      %dma_wait3A_77 = arith.constant 0 : i32
      %dma_wait3A_78 = tpu.memref_slice %arg6[%add3A_16, %dma_wait3A_77] : memref<10000x128xf32, #tpu.memory_space<vmem_shared>> -> memref<48x128xf32, #tpu.memory_space<vmem_shared>>
      %dma_wait3A_79 = arith.constant 0 : i32
      %dma_wait3A_80 = tpu.memref_slice %arg6[%add3A_16, %dma_wait3A_79] : memref<10000x128xf32, #tpu.memory_space<vmem_shared>> -> memref<48x128xf32, #tpu.memory_space<vmem_shared>>
      tpu.wait_dma2 semaphore(%run_scoped3A : memref<!tpu.dma_semaphore, #tpu.memory_space<semaphore_mem>>) src(%arg15 : memref<48x128xf32, #tpu.memory_space<vmem>>) dst(%dma_wait3A_80 : memref<48x128xf32, #tpu.memory_space<vmem_shared>>)
      tpu.yield
    }) : () -> ()
    %add3A_17 = arith.constant 192 : i32
    %add3A_18 = arith.addi %mul3A_8, %add3A_17 : i32
    "tpu.region"() ({
      %run_scoped3A = tpu.sem_alloc : memref<!tpu.dma_semaphore, #tpu.memory_space<semaphore_mem>>
      %dma_start3A_73 = arith.constant 0 : i32
      %dma_start3A_74 = tpu.memref_slice %arg6[%add3A_18, %dma_start3A_73] : memref<10000x128xf32, #tpu.memory_space<vmem_shared>> -> memref<48x128xf32, #tpu.memory_space<vmem_shared>>
      %dma_start3A_75 = arith.constant 0 : i32
      %dma_start3A_76 = tpu.memref_slice %arg6[%add3A_18, %dma_start3A_75] : memref<10000x128xf32, #tpu.memory_space<vmem_shared>> -> memref<48x128xf32, #tpu.memory_space<vmem_shared>>
      tpu.enqueue_dma source(%arg15 : memref<48x128xf32, #tpu.memory_space<vmem>>) target(%dma_start3A_76 : memref<48x128xf32, #tpu.memory_space<vmem_shared>>) target_semaphore(%run_scoped3A : memref<!tpu.dma_semaphore, #tpu.memory_space<semaphore_mem>>)
      %dma_wait3A_77 = arith.constant 0 : i32
      %dma_wait3A_78 = tpu.memref_slice %arg6[%add3A_18, %dma_wait3A_77] : memref<10000x128xf32, #tpu.memory_space<vmem_shared>> -> memref<48x128xf32, #tpu.memory_space<vmem_shared>>
      %dma_wait3A_79 = arith.constant 0 : i32
      %dma_wait3A_80 = tpu.memref_slice %arg6[%add3A_18, %dma_wait3A_79] : memref<10000x128xf32, #tpu.memory_space<vmem_shared>> -> memref<48x128xf32, #tpu.memory_space<vmem_shared>>
      tpu.wait_dma2 semaphore(%run_scoped3A : memref<!tpu.dma_semaphore, #tpu.memory_space<semaphore_mem>>) src(%arg15 : memref<48x128xf32, #tpu.memory_space<vmem>>) dst(%dma_wait3A_80 : memref<48x128xf32, #tpu.memory_space<vmem_shared>>)
      tpu.yield
    }) : () -> ()
    %add3A_19 = arith.constant 240 : i32
    %add3A_20 = arith.addi %mul3A_8, %add3A_19 : i32
    "tpu.region"() ({
      %run_scoped3A = tpu.sem_alloc : memref<!tpu.dma_semaphore, #tpu.memory_space<semaphore_mem>>
      %dma_start3A_73 = arith.constant 0 : i32
      %dma_start3A_74 = tpu.memref_slice %arg6[%add3A_20, %dma_start3A_73] : memref<10000x128xf32, #tpu.memory_space<vmem_shared>> -> memref<48x128xf32, #tpu.memory_space<vmem_shared>>
      %dma_start3A_75 = arith.constant 0 : i32
      %dma_start3A_76 = tpu.memref_slice %arg6[%add3A_20, %dma_start3A_75] : memref<10000x128xf32, #tpu.memory_space<vmem_shared>> -> memref<48x128xf32, #tpu.memory_space<vmem_shared>>
      tpu.enqueue_dma source(%arg15 : memref<48x128xf32, #tpu.memory_space<vmem>>) target(%dma_start3A_76 : memref<48x128xf32, #tpu.memory_space<vmem_shared>>) target_semaphore(%run_scoped3A : memref<!tpu.dma_semaphore, #tpu.memory_space<semaphore_mem>>)
      %dma_wait3A_77 = arith.constant 0 : i32
      %dma_wait3A_78 = tpu.memref_slice %arg6[%add3A_20, %dma_wait3A_77] : memref<10000x128xf32, #tpu.memory_space<vmem_shared>> -> memref<48x128xf32, #tpu.memory_space<vmem_shared>>
      %dma_wait3A_79 = arith.constant 0 : i32
      %dma_wait3A_80 = tpu.memref_slice %arg6[%add3A_20, %dma_wait3A_79] : memref<10000x128xf32, #tpu.memory_space<vmem_shared>> -> memref<48x128xf32, #tpu.memory_space<vmem_shared>>
      tpu.wait_dma2 semaphore(%run_scoped3A : memref<!tpu.dma_semaphore, #tpu.memory_space<semaphore_mem>>) src(%arg15 : memref<48x128xf32, #tpu.memory_space<vmem>>) dst(%dma_wait3A_80 : memref<48x128xf32, #tpu.memory_space<vmem_shared>>)
      tpu.yield
    }) : () -> ()
    %add3A_21 = arith.constant 288 : i32
    %add3A_22 = arith.addi %mul3A_8, %add3A_21 : i32
    "tpu.region"() ({
      %run_scoped3A = tpu.sem_alloc : memref<!tpu.dma_semaphore, #tpu.memory_space<semaphore_mem>>
      %dma_start3A_73 = arith.constant 0 : i32
      %dma_start3A_74 = tpu.memref_slice %arg6[%add3A_22, %dma_start3A_73] : memref<10000x128xf32, #tpu.memory_space<vmem_shared>> -> memref<48x128xf32, #tpu.memory_space<vmem_shared>>
      %dma_start3A_75 = arith.constant 0 : i32
      %dma_start3A_76 = tpu.memref_slice %arg6[%add3A_22, %dma_start3A_75] : memref<10000x128xf32, #tpu.memory_space<vmem_shared>> -> memref<48x128xf32, #tpu.memory_space<vmem_shared>>
      tpu.enqueue_dma source(%arg15 : memref<48x128xf32, #tpu.memory_space<vmem>>) target(%dma_start3A_76 : memref<48x128xf32, #tpu.memory_space<vmem_shared>>) target_semaphore(%run_scoped3A : memref<!tpu.dma_semaphore, #tpu.memory_space<semaphore_mem>>)
      %dma_wait3A_77 = arith.constant 0 : i32
      %dma_wait3A_78 = tpu.memref_slice %arg6[%add3A_22, %dma_wait3A_77] : memref<10000x128xf32, #tpu.memory_space<vmem_shared>> -> memref<48x128xf32, #tpu.memory_space<vmem_shared>>
      %dma_wait3A_79 = arith.constant 0 : i32
      %dma_wait3A_80 = tpu.memref_slice %arg6[%add3A_22, %dma_wait3A_79] : memref<10000x128xf32, #tpu.memory_space<vmem_shared>> -> memref<48x128xf32, #tpu.memory_space<vmem_shared>>
      tpu.wait_dma2 semaphore(%run_scoped3A : memref<!tpu.dma_semaphore, #tpu.memory_space<semaphore_mem>>) src(%arg15 : memref<48x128xf32, #tpu.memory_space<vmem>>) dst(%dma_wait3A_80 : memref<48x128xf32, #tpu.memory_space<vmem_shared>>)
      tpu.yield
    }) : () -> ()
    %add3A_23 = arith.constant 336 : i32
    %add3A_24 = arith.addi %mul3A_8, %add3A_23 : i32
    "tpu.region"() ({
      %run_scoped3A = tpu.sem_alloc : memref<!tpu.dma_semaphore, #tpu.memory_space<semaphore_mem>>
      %dma_start3A_73 = arith.constant 0 : i32
      %dma_start3A_74 = tpu.memref_slice %arg6[%add3A_24, %dma_start3A_73] : memref<10000x128xf32, #tpu.memory_space<vmem_shared>> -> memref<48x128xf32, #tpu.memory_space<vmem_shared>>
      %dma_start3A_75 = arith.constant 0 : i32
      %dma_start3A_76 = tpu.memref_slice %arg6[%add3A_24, %dma_start3A_75] : memref<10000x128xf32, #tpu.memory_space<vmem_shared>> -> memref<48x128xf32, #tpu.memory_space<vmem_shared>>
      tpu.enqueue_dma source(%arg15 : memref<48x128xf32, #tpu.memory_space<vmem>>) target(%dma_start3A_76 : memref<48x128xf32, #tpu.memory_space<vmem_shared>>) target_semaphore(%run_scoped3A : memref<!tpu.dma_semaphore, #tpu.memory_space<semaphore_mem>>)
      %dma_wait3A_77 = arith.constant 0 : i32
      %dma_wait3A_78 = tpu.memref_slice %arg6[%add3A_24, %dma_wait3A_77] : memref<10000x128xf32, #tpu.memory_space<vmem_shared>> -> memref<48x128xf32, #tpu.memory_space<vmem_shared>>
      %dma_wait3A_79 = arith.constant 0 : i32
      %dma_wait3A_80 = tpu.memref_slice %arg6[%add3A_24, %dma_wait3A_79] : memref<10000x128xf32, #tpu.memory_space<vmem_shared>> -> memref<48x128xf32, #tpu.memory_space<vmem_shared>>
      tpu.wait_dma2 semaphore(%run_scoped3A : memref<!tpu.dma_semaphore, #tpu.memory_space<semaphore_mem>>) src(%arg15 : memref<48x128xf32, #tpu.memory_space<vmem>>) dst(%dma_wait3A_80 : memref<48x128xf32, #tpu.memory_space<vmem_shared>>)
      tpu.yield
    }) : () -> ()
    %add3A_25 = arith.constant 384 : i32
    %add3A_26 = arith.addi %mul3A_8, %add3A_25 : i32
    "tpu.region"() ({
      %run_scoped3A = tpu.sem_alloc : memref<!tpu.dma_semaphore, #tpu.memory_space<semaphore_mem>>
      %dma_start3A_73 = arith.constant 0 : i32
      %dma_start3A_74 = tpu.memref_slice %arg6[%add3A_26, %dma_start3A_73] : memref<10000x128xf32, #tpu.memory_space<vmem_shared>> -> memref<48x128xf32, #tpu.memory_space<vmem_shared>>
      %dma_start3A_75 = arith.constant 0 : i32
      %dma_start3A_76 = tpu.memref_slice %arg6[%add3A_26, %dma_start3A_75] : memref<10000x128xf32, #tpu.memory_space<vmem_shared>> -> memref<48x128xf32, #tpu.memory_space<vmem_shared>>
      tpu.enqueue_dma source(%arg15 : memref<48x128xf32, #tpu.memory_space<vmem>>) target(%dma_start3A_76 : memref<48x128xf32, #tpu.memory_space<vmem_shared>>) target_semaphore(%run_scoped3A : memref<!tpu.dma_semaphore, #tpu.memory_space<semaphore_mem>>)
      %dma_wait3A_77 = arith.constant 0 : i32
      %dma_wait3A_78 = tpu.memref_slice %arg6[%add3A_26, %dma_wait3A_77] : memref<10000x128xf32, #tpu.memory_space<vmem_shared>> -> memref<48x128xf32, #tpu.memory_space<vmem_shared>>
      %dma_wait3A_79 = arith.constant 0 : i32
      %dma_wait3A_80 = tpu.memref_slice %arg6[%add3A_26, %dma_wait3A_79] : memref<10000x128xf32, #tpu.memory_space<vmem_shared>> -> memref<48x128xf32, #tpu.memory_space<vmem_shared>>
      tpu.wait_dma2 semaphore(%run_scoped3A : memref<!tpu.dma_semaphore, #tpu.memory_space<semaphore_mem>>) src(%arg15 : memref<48x128xf32, #tpu.memory_space<vmem>>) dst(%dma_wait3A_80 : memref<48x128xf32, #tpu.memory_space<vmem_shared>>)
      tpu.yield
    }) : () -> ()
    %add3A_27 = arith.constant 432 : i32
    %add3A_28 = arith.addi %mul3A_8, %add3A_27 : i32
    "tpu.region"() ({
      %run_scoped3A = tpu.sem_alloc : memref<!tpu.dma_semaphore, #tpu.memory_space<semaphore_mem>>
      %dma_start3A_73 = arith.constant 0 : i32
      %dma_start3A_74 = tpu.memref_slice %arg6[%add3A_28, %dma_start3A_73] : memref<10000x128xf32, #tpu.memory_space<vmem_shared>> -> memref<48x128xf32, #tpu.memory_space<vmem_shared>>
      %dma_start3A_75 = arith.constant 0 : i32
      %dma_start3A_76 = tpu.memref_slice %arg6[%add3A_28, %dma_start3A_75] : memref<10000x128xf32, #tpu.memory_space<vmem_shared>> -> memref<48x128xf32, #tpu.memory_space<vmem_shared>>
      tpu.enqueue_dma source(%arg15 : memref<48x128xf32, #tpu.memory_space<vmem>>) target(%dma_start3A_76 : memref<48x128xf32, #tpu.memory_space<vmem_shared>>) target_semaphore(%run_scoped3A : memref<!tpu.dma_semaphore, #tpu.memory_space<semaphore_mem>>)
      %dma_wait3A_77 = arith.constant 0 : i32
      %dma_wait3A_78 = tpu.memref_slice %arg6[%add3A_28, %dma_wait3A_77] : memref<10000x128xf32, #tpu.memory_space<vmem_shared>> -> memref<48x128xf32, #tpu.memory_space<vmem_shared>>
      %dma_wait3A_79 = arith.constant 0 : i32
      %dma_wait3A_80 = tpu.memref_slice %arg6[%add3A_28, %dma_wait3A_79] : memref<10000x128xf32, #tpu.memory_space<vmem_shared>> -> memref<48x128xf32, #tpu.memory_space<vmem_shared>>
      tpu.wait_dma2 semaphore(%run_scoped3A : memref<!tpu.dma_semaphore, #tpu.memory_space<semaphore_mem>>) src(%arg15 : memref<48x128xf32, #tpu.memory_space<vmem>>) dst(%dma_wait3A_80 : memref<48x128xf32, #tpu.memory_space<vmem_shared>>)
      tpu.yield
    }) : () -> ()
    %add3A_29 = arith.constant 480 : i32
    %add3A_30 = arith.addi %mul3A_8, %add3A_29 : i32
    "tpu.region"() ({
      %run_scoped3A = tpu.sem_alloc : memref<!tpu.dma_semaphore, #tpu.memory_space<semaphore_mem>>
      %dma_start3A_73 = arith.constant 0 : i32
      %dma_start3A_74 = tpu.memref_slice %arg6[%add3A_30, %dma_start3A_73] : memref<10000x128xf32, #tpu.memory_space<vmem_shared>> -> memref<48x128xf32, #tpu.memory_space<vmem_shared>>
      %dma_start3A_75 = arith.constant 0 : i32
      %dma_start3A_76 = tpu.memref_slice %arg6[%add3A_30, %dma_start3A_75] : memref<10000x128xf32, #tpu.memory_space<vmem_shared>> -> memref<48x128xf32, #tpu.memory_space<vmem_shared>>
      tpu.enqueue_dma source(%arg15 : memref<48x128xf32, #tpu.memory_space<vmem>>) target(%dma_start3A_76 : memref<48x128xf32, #tpu.memory_space<vmem_shared>>) target_semaphore(%run_scoped3A : memref<!tpu.dma_semaphore, #tpu.memory_space<semaphore_mem>>)
      %dma_wait3A_77 = arith.constant 0 : i32
      %dma_wait3A_78 = tpu.memref_slice %arg6[%add3A_30, %dma_wait3A_77] : memref<10000x128xf32, #tpu.memory_space<vmem_shared>> -> memref<48x128xf32, #tpu.memory_space<vmem_shared>>
      %dma_wait3A_79 = arith.constant 0 : i32
      %dma_wait3A_80 = tpu.memref_slice %arg6[%add3A_30, %dma_wait3A_79] : memref<10000x128xf32, #tpu.memory_space<vmem_shared>> -> memref<48x128xf32, #tpu.memory_space<vmem_shared>>
      tpu.wait_dma2 semaphore(%run_scoped3A : memref<!tpu.dma_semaphore, #tpu.memory_space<semaphore_mem>>) src(%arg15 : memref<48x128xf32, #tpu.memory_space<vmem>>) dst(%dma_wait3A_80 : memref<48x128xf32, #tpu.memory_space<vmem_shared>>)
      tpu.yield
    }) : () -> ()
    %add3A_31 = arith.constant 528 : i32
    %add3A_32 = arith.addi %mul3A_8, %add3A_31 : i32
    "tpu.region"() ({
      %run_scoped3A = tpu.sem_alloc : memref<!tpu.dma_semaphore, #tpu.memory_space<semaphore_mem>>
      %dma_start3A_73 = arith.constant 0 : i32
      %dma_start3A_74 = tpu.memref_slice %arg6[%add3A_32, %dma_start3A_73] : memref<10000x128xf32, #tpu.memory_space<vmem_shared>> -> memref<48x128xf32, #tpu.memory_space<vmem_shared>>
      %dma_start3A_75 = arith.constant 0 : i32
      %dma_start3A_76 = tpu.memref_slice %arg6[%add3A_32, %dma_start3A_75] : memref<10000x128xf32, #tpu.memory_space<vmem_shared>> -> memref<48x128xf32, #tpu.memory_space<vmem_shared>>
      tpu.enqueue_dma source(%arg15 : memref<48x128xf32, #tpu.memory_space<vmem>>) target(%dma_start3A_76 : memref<48x128xf32, #tpu.memory_space<vmem_shared>>) target_semaphore(%run_scoped3A : memref<!tpu.dma_semaphore, #tpu.memory_space<semaphore_mem>>)
      %dma_wait3A_77 = arith.constant 0 : i32
      %dma_wait3A_78 = tpu.memref_slice %arg6[%add3A_32, %dma_wait3A_77] : memref<10000x128xf32, #tpu.memory_space<vmem_shared>> -> memref<48x128xf32, #tpu.memory_space<vmem_shared>>
      %dma_wait3A_79 = arith.constant 0 : i32
      %dma_wait3A_80 = tpu.memref_slice %arg6[%add3A_32, %dma_wait3A_79] : memref<10000x128xf32, #tpu.memory_space<vmem_shared>> -> memref<48x128xf32, #tpu.memory_space<vmem_shared>>
      tpu.wait_dma2 semaphore(%run_scoped3A : memref<!tpu.dma_semaphore, #tpu.memory_space<semaphore_mem>>) src(%arg15 : memref<48x128xf32, #tpu.memory_space<vmem>>) dst(%dma_wait3A_80 : memref<48x128xf32, #tpu.memory_space<vmem_shared>>)
      tpu.yield
    }) : () -> ()
    %add3A_33 = arith.constant 576 : i32
    %add3A_34 = arith.addi %mul3A_8, %add3A_33 : i32
    "tpu.region"() ({
      %run_scoped3A = tpu.sem_alloc : memref<!tpu.dma_semaphore, #tpu.memory_space<semaphore_mem>>
      %dma_start3A_73 = arith.constant 0 : i32
      %dma_start3A_74 = tpu.memref_slice %arg6[%add3A_34, %dma_start3A_73] : memref<10000x128xf32, #tpu.memory_space<vmem_shared>> -> memref<48x128xf32, #tpu.memory_space<vmem_shared>>
      %dma_start3A_75 = arith.constant 0 : i32
      %dma_start3A_76 = tpu.memref_slice %arg6[%add3A_34, %dma_start3A_75] : memref<10000x128xf32, #tpu.memory_space<vmem_shared>> -> memref<48x128xf32, #tpu.memory_space<vmem_shared>>
      tpu.enqueue_dma source(%arg15 : memref<48x128xf32, #tpu.memory_space<vmem>>) target(%dma_start3A_76 : memref<48x128xf32, #tpu.memory_space<vmem_shared>>) target_semaphore(%run_scoped3A : memref<!tpu.dma_semaphore, #tpu.memory_space<semaphore_mem>>)
      %dma_wait3A_77 = arith.constant 0 : i32
      %dma_wait3A_78 = tpu.memref_slice %arg6[%add3A_34, %dma_wait3A_77] : memref<10000x128xf32, #tpu.memory_space<vmem_shared>> -> memref<48x128xf32, #tpu.memory_space<vmem_shared>>
      %dma_wait3A_79 = arith.constant 0 : i32
      %dma_wait3A_80 = tpu.memref_slice %arg6[%add3A_34, %dma_wait3A_79] : memref<10000x128xf32, #tpu.memory_space<vmem_shared>> -> memref<48x128xf32, #tpu.memory_space<vmem_shared>>
      tpu.wait_dma2 semaphore(%run_scoped3A : memref<!tpu.dma_semaphore, #tpu.memory_space<semaphore_mem>>) src(%arg15 : memref<48x128xf32, #tpu.memory_space<vmem>>) dst(%dma_wait3A_80 : memref<48x128xf32, #tpu.memory_space<vmem_shared>>)
      tpu.yield
    }) : () -> ()
    %eq3A = arith.constant 15 : i32
    %eq3A_35 = arith.cmpi eq, %arg1, %eq3A : i32
    %convert_element_type3A = arith.extui %eq3A_35 : i1 to i32
    %cond3A = arith.constant 0 : i32
    %cond3A_36 = arith.cmpi ne, %convert_element_type3A, %cond3A : i32
    scf.if %cond3A_36 {
      "tpu.region"() ({
        %run_scoped3A = tpu.sem_alloc : memref<!tpu.dma_semaphore, #tpu.memory_space<semaphore_mem>>
        %dma_start3A_73 = arith.constant 0 : i32
        %dma_start3A_74 = arith.constant 0 : i32
        %dma_start3A_75 = tpu.memref_slice %arg15[%dma_start3A_73, %dma_start3A_74] : memref<48x128xf32, #tpu.memory_space<vmem>> -> memref<16x128xf32, #tpu.memory_space<vmem>>
        %dma_start3A_76 = arith.constant 9984 : i32
        %dma_start3A_77 = arith.constant 0 : i32
        %dma_start3A_78 = tpu.memref_slice %arg6[%dma_start3A_76, %dma_start3A_77] : memref<10000x128xf32, #tpu.memory_space<vmem_shared>> -> memref<16x128xf32, #tpu.memory_space<vmem_shared>>
        %dma_start3A_79 = arith.constant 9984 : i32
        %dma_start3A_80 = arith.constant 0 : i32
        %dma_start3A_81 = tpu.memref_slice %arg6[%dma_start3A_79, %dma_start3A_80] : memref<10000x128xf32, #tpu.memory_space<vmem_shared>> -> memref<16x128xf32, #tpu.memory_space<vmem_shared>>
        %dma_start3A_82 = arith.constant 0 : i32
        %dma_start3A_83 = arith.constant 0 : i32
        %dma_start3A_84 = tpu.memref_slice %arg15[%dma_start3A_82, %dma_start3A_83] : memref<48x128xf32, #tpu.memory_space<vmem>> -> memref<16x128xf32, #tpu.memory_space<vmem>>
        tpu.enqueue_dma source(%dma_start3A_84 : memref<16x128xf32, #tpu.memory_space<vmem>>) target(%dma_start3A_81 : memref<16x128xf32, #tpu.memory_space<vmem_shared>>) target_semaphore(%run_scoped3A : memref<!tpu.dma_semaphore, #tpu.memory_space<semaphore_mem>>)
        %dma_wait3A_85 = arith.constant 0 : i32
        %dma_wait3A_86 = arith.constant 0 : i32
        %dma_wait3A_87 = tpu.memref_slice %arg15[%dma_wait3A_85, %dma_wait3A_86] : memref<48x128xf32, #tpu.memory_space<vmem>> -> memref<16x128xf32, #tpu.memory_space<vmem>>
        %dma_wait3A_88 = arith.constant 9984 : i32
        %dma_wait3A_89 = arith.constant 0 : i32
        %dma_wait3A_90 = tpu.memref_slice %arg6[%dma_wait3A_88, %dma_wait3A_89] : memref<10000x128xf32, #tpu.memory_space<vmem_shared>> -> memref<16x128xf32, #tpu.memory_space<vmem_shared>>
        %dma_wait3A_91 = arith.constant 9984 : i32
        %dma_wait3A_92 = arith.constant 0 : i32
        %dma_wait3A_93 = tpu.memref_slice %arg6[%dma_wait3A_91, %dma_wait3A_92] : memref<10000x128xf32, #tpu.memory_space<vmem_shared>> -> memref<16x128xf32, #tpu.memory_space<vmem_shared>>
        %dma_wait3A_94 = arith.constant 0 : i32
        %dma_wait3A_95 = arith.constant 0 : i32
        %dma_wait3A_96 = tpu.memref_slice %arg15[%dma_wait3A_94, %dma_wait3A_95] : memref<48x128xf32, #tpu.memory_space<vmem>> -> memref<16x128xf32, #tpu.memory_space<vmem>>
        tpu.wait_dma2 semaphore(%run_scoped3A : memref<!tpu.dma_semaphore, #tpu.memory_space<semaphore_mem>>) src(%dma_wait3A_96 : memref<16x128xf32, #tpu.memory_space<vmem>>) dst(%dma_wait3A_93 : memref<16x128xf32, #tpu.memory_space<vmem_shared>>)
        tpu.yield
      }) : () -> ()
    } else {
    }
    %barrier3A = arith.constant 0 : index
    tpu.barrier barrier_id(%barrier3A)
    %mul3A_37 = arith.constant 10000 : i32
    %mul3A_38 = arith.muli %add3A, %mul3A_37 : i32
    %add3A_39 = arith.constant 0 : i32
    %add3A_40 = arith.addi %mul3A_38, %add3A_39 : i32
    %dma_start3A = tpu.memref_slice %arg3[%add3A_40] : memref<320000xi32, #tpu.memory_space<hbm>> -> memref<160xi32, #tpu.memory_space<hbm>>
    %dma_start3A_41 = tpu.memref_slice %arg3[%add3A_40] : memref<320000xi32, #tpu.memory_space<hbm>> -> memref<160xi32, #tpu.memory_space<hbm>>
    tpu.enqueue_dma source(%dma_start3A_41 : memref<160xi32, #tpu.memory_space<hbm>>) target(%arg7 : memref<160xi32, #tpu.memory_space<vmem>>) target_semaphore(%arg18 : memref<!tpu.dma_semaphore, #tpu.memory_space<semaphore_mem>>)
    %dma_start3A_42 = tpu.memref_slice %arg4[%add3A_40] : memref<320000xi32, #tpu.memory_space<hbm>> -> memref<160xi32, #tpu.memory_space<hbm>>
    %dma_start3A_43 = tpu.memref_slice %arg4[%add3A_40] : memref<320000xi32, #tpu.memory_space<hbm>> -> memref<160xi32, #tpu.memory_space<hbm>>
    tpu.enqueue_dma source(%dma_start3A_43 : memref<160xi32, #tpu.memory_space<hbm>>) target(%arg9 : memref<160xi32, #tpu.memory_space<vmem>>) target_semaphore(%arg18 : memref<!tpu.dma_semaphore, #tpu.memory_space<semaphore_mem>>)
    %add3A_44 = arith.constant 160 : i32
    %add3A_45 = arith.addi %mul3A_38, %add3A_44 : i32
    %dma_start3A_46 = tpu.memref_slice %arg3[%add3A_45] : memref<320000xi32, #tpu.memory_space<hbm>> -> memref<160xi32, #tpu.memory_space<hbm>>
    %dma_start3A_47 = tpu.memref_slice %arg3[%add3A_45] : memref<320000xi32, #tpu.memory_space<hbm>> -> memref<160xi32, #tpu.memory_space<hbm>>
    tpu.enqueue_dma source(%dma_start3A_47 : memref<160xi32, #tpu.memory_space<hbm>>) target(%arg8 : memref<160xi32, #tpu.memory_space<vmem>>) target_semaphore(%arg19 : memref<!tpu.dma_semaphore, #tpu.memory_space<semaphore_mem>>)
    %dma_start3A_48 = tpu.memref_slice %arg4[%add3A_45] : memref<320000xi32, #tpu.memory_space<hbm>> -> memref<160xi32, #tpu.memory_space<hbm>>
    %dma_start3A_49 = tpu.memref_slice %arg4[%add3A_45] : memref<320000xi32, #tpu.memory_space<hbm>> -> memref<160xi32, #tpu.memory_space<hbm>>
    tpu.enqueue_dma source(%dma_start3A_49 : memref<160xi32, #tpu.memory_space<hbm>>) target(%arg10 : memref<160xi32, #tpu.memory_space<vmem>>) target_semaphore(%arg19 : memref<!tpu.dma_semaphore, #tpu.memory_space<semaphore_mem>>)
    %scan3A_50 = arith.constant 0 : i32
    %scan3A_51 = arith.constant 0 : i32
    %scan3A_52 = arith.constant 31 : i32
    %scan3A_53 = arith.addi %scan3A_51, %scan3A_52 : i32
    %scan3A_54 = arith.constant 1 : i32
    scf.for %scan3A_73 = %scan3A_51 to %scan3A_53 step %scan3A_54  : i32 {
      %mul3A_74 = arith.constant 2 : i32
      %mul3A_75 = arith.muli %mul3A_74, %scan3A_73 : i32
      %mul3A_76 = arith.constant 2 : i32
      %mul3A_77 = arith.muli %mul3A_75, %mul3A_76 : i32
      %mul3A_78 = arith.constant 80 : i32
      %mul3A_79 = arith.muli %mul3A_77, %mul3A_78 : i32
      %add3A_80 = arith.addi %mul3A_38, %mul3A_79 : i32
      %dma_wait3A_81 = tpu.memref_slice %arg3[%add3A_80] : memref<320000xi32, #tpu.memory_space<hbm>> -> memref<160xi32, #tpu.memory_space<hbm>>
      %dma_wait3A_82 = tpu.memref_slice %arg3[%add3A_80] : memref<320000xi32, #tpu.memory_space<hbm>> -> memref<160xi32, #tpu.memory_space<hbm>>
      tpu.wait_dma2 semaphore(%arg18 : memref<!tpu.dma_semaphore, #tpu.memory_space<semaphore_mem>>) src(%dma_wait3A_82 : memref<160xi32, #tpu.memory_space<hbm>>) dst(%arg7 : memref<160xi32, #tpu.memory_space<vmem>>)
      %dma_wait3A_83 = tpu.memref_slice %arg4[%add3A_80] : memref<320000xi32, #tpu.memory_space<hbm>> -> memref<160xi32, #tpu.memory_space<hbm>>
      %dma_wait3A_84 = tpu.memref_slice %arg4[%add3A_80] : memref<320000xi32, #tpu.memory_space<hbm>> -> memref<160xi32, #tpu.memory_space<hbm>>
      tpu.wait_dma2 semaphore(%arg18 : memref<!tpu.dma_semaphore, #tpu.memory_space<semaphore_mem>>) src(%dma_wait3A_84 : memref<160xi32, #tpu.memory_space<hbm>>) dst(%arg9 : memref<160xi32, #tpu.memory_space<vmem>>)
      %dma_start3A_85 = arith.constant 0 : i32
      %dma_start3A_86 = tpu.memref_slice %arg7[%dma_start3A_85] : memref<160xi32, #tpu.memory_space<vmem>> -> memref<80xi32, #tpu.memory_space<vmem>>
      %dma_start3A_87 = arith.constant 0 : i32
      %dma_start3A_88 = arith.constant 0 : i32
      %dma_start3A_89 = tpu.memref_slice %arg2[%dma_start3A_87, %dma_start3A_88] : memref<10000x128xf32, #tpu.memory_space<hbm>> -> memref<10000x128xf32, #tpu.memory_space<hbm>>
      tpu.enqueue_indirect_dma source(%dma_start3A_89 : memref<10000x128xf32, #tpu.memory_space<hbm>>) target(%arg13 : memref<80x128xf32, #tpu.memory_space<vmem>>) offsets(%dma_start3A_86 : memref<80xi32, #tpu.memory_space<vmem>>) semaphore(%arg16 : memref<!tpu.dma_semaphore, #tpu.memory_space<semaphore_mem>>)
      %get3A = arith.constant 0 : index
      %get3A_90 = tpu.vector_load %arg9[%get3A] {strides = array<i32>} : memref<160xi32, #tpu.memory_space<vmem>>, vector<16xi32>,
      %get3A_91 = vector.shape_cast %get3A_90 : vector<16xi32> to vector<16xi32>
      %swap3A = arith.constant 0 : index
      %swap3A_92 = tpu.vector_load %arg11[%swap3A] {strides = array<i32>} : memref<80xi32, #tpu.memory_space<vmem>>, vector<16xi32>,
      %swap3A_93 = vector.shape_cast %swap3A_92 : vector<16xi32> to vector<16xi32>
      %swap3A_94 = vector.shape_cast %get3A_91 : vector<16xi32> to vector<16xi32>
      tpu.vector_store %arg11[%swap3A], %swap3A_94 {strides = array<i32>} : memref<80xi32, #tpu.memory_space<vmem>>, vector<16xi32>,
      %get3A_95 = arith.constant 16 : index
      %get3A_96 = tpu.vector_load %arg9[%get3A_95] {strides = array<i32>} : memref<160xi32, #tpu.memory_space<vmem>>, vector<16xi32>,
      %get3A_97 = vector.shape_cast %get3A_96 : vector<16xi32> to vector<16xi32>
      %swap3A_98 = arith.constant 16 : index
      %swap3A_99 = tpu.vector_load %arg11[%swap3A_98] {strides = array<i32>} : memref<80xi32, #tpu.memory_space<vmem>>, vector<16xi32>,
      %swap3A_100 = vector.shape_cast %swap3A_99 : vector<16xi32> to vector<16xi32>
      %swap3A_101 = vector.shape_cast %get3A_97 : vector<16xi32> to vector<16xi32>
      tpu.vector_store %arg11[%swap3A_98], %swap3A_101 {strides = array<i32>} : memref<80xi32, #tpu.memory_space<vmem>>, vector<16xi32>,
      %get3A_102 = arith.constant 32 : index
      %get3A_103 = tpu.vector_load %arg9[%get3A_102] {strides = array<i32>} : memref<160xi32, #tpu.memory_space<vmem>>, vector<16xi32>,
      %get3A_104 = vector.shape_cast %get3A_103 : vector<16xi32> to vector<16xi32>
      %swap3A_105 = arith.constant 32 : index
      %swap3A_106 = tpu.vector_load %arg11[%swap3A_105] {strides = array<i32>} : memref<80xi32, #tpu.memory_space<vmem>>, vector<16xi32>,
      %swap3A_107 = vector.shape_cast %swap3A_106 : vector<16xi32> to vector<16xi32>
      %swap3A_108 = vector.shape_cast %get3A_104 : vector<16xi32> to vector<16xi32>
      tpu.vector_store %arg11[%swap3A_105], %swap3A_108 {strides = array<i32>} : memref<80xi32, #tpu.memory_space<vmem>>, vector<16xi32>,
      %get3A_109 = arith.constant 48 : index
      %get3A_110 = tpu.vector_load %arg9[%get3A_109] {strides = array<i32>} : memref<160xi32, #tpu.memory_space<vmem>>, vector<16xi32>,
      %get3A_111 = vector.shape_cast %get3A_110 : vector<16xi32> to vector<16xi32>
      %swap3A_112 = arith.constant 48 : index
      %swap3A_113 = tpu.vector_load %arg11[%swap3A_112] {strides = array<i32>} : memref<80xi32, #tpu.memory_space<vmem>>, vector<16xi32>,
      %swap3A_114 = vector.shape_cast %swap3A_113 : vector<16xi32> to vector<16xi32>
      %swap3A_115 = vector.shape_cast %get3A_111 : vector<16xi32> to vector<16xi32>
      tpu.vector_store %arg11[%swap3A_112], %swap3A_115 {strides = array<i32>} : memref<80xi32, #tpu.memory_space<vmem>>, vector<16xi32>,
      %get3A_116 = arith.constant 64 : index
      %get3A_117 = tpu.vector_load %arg9[%get3A_116] {strides = array<i32>} : memref<160xi32, #tpu.memory_space<vmem>>, vector<16xi32>,
      %get3A_118 = vector.shape_cast %get3A_117 : vector<16xi32> to vector<16xi32>
      %swap3A_119 = arith.constant 64 : index
      %swap3A_120 = tpu.vector_load %arg11[%swap3A_119] {strides = array<i32>} : memref<80xi32, #tpu.memory_space<vmem>>, vector<16xi32>,
      %swap3A_121 = vector.shape_cast %swap3A_120 : vector<16xi32> to vector<16xi32>
      %swap3A_122 = vector.shape_cast %get3A_118 : vector<16xi32> to vector<16xi32>
      tpu.vector_store %arg11[%swap3A_119], %swap3A_122 {strides = array<i32>} : memref<80xi32, #tpu.memory_space<vmem>>, vector<16xi32>,
      %dma_start3A_123 = arith.constant 80 : i32
      %dma_start3A_124 = tpu.memref_slice %arg7[%dma_start3A_123] : memref<160xi32, #tpu.memory_space<vmem>> -> memref<80xi32, #tpu.memory_space<vmem>>
      %dma_start3A_125 = arith.constant 0 : i32
      %dma_start3A_126 = arith.constant 0 : i32
      %dma_start3A_127 = tpu.memref_slice %arg2[%dma_start3A_125, %dma_start3A_126] : memref<10000x128xf32, #tpu.memory_space<hbm>> -> memref<10000x128xf32, #tpu.memory_space<hbm>>
      tpu.enqueue_indirect_dma source(%dma_start3A_127 : memref<10000x128xf32, #tpu.memory_space<hbm>>) target(%arg14 : memref<80x128xf32, #tpu.memory_space<vmem>>) offsets(%dma_start3A_124 : memref<80xi32, #tpu.memory_space<vmem>>) semaphore(%arg17 : memref<!tpu.dma_semaphore, #tpu.memory_space<semaphore_mem>>)
      %get3A_128 = arith.constant 80 : index
      %get3A_129 = tpu.vector_load %arg9[%get3A_128] {strides = array<i32>} : memref<160xi32, #tpu.memory_space<vmem>>, vector<16xi32>,
      %get3A_130 = vector.shape_cast %get3A_129 : vector<16xi32> to vector<16xi32>
      %swap3A_131 = arith.constant 0 : index
      %swap3A_132 = tpu.vector_load %arg12[%swap3A_131] {strides = array<i32>} : memref<80xi32, #tpu.memory_space<vmem>>, vector<16xi32>,
      %swap3A_133 = vector.shape_cast %swap3A_132 : vector<16xi32> to vector<16xi32>
      %swap3A_134 = vector.shape_cast %get3A_130 : vector<16xi32> to vector<16xi32>
      tpu.vector_store %arg12[%swap3A_131], %swap3A_134 {strides = array<i32>} : memref<80xi32, #tpu.memory_space<vmem>>, vector<16xi32>,
      %get3A_135 = arith.constant 96 : index
      %get3A_136 = tpu.vector_load %arg9[%get3A_135] {strides = array<i32>} : memref<160xi32, #tpu.memory_space<vmem>>, vector<16xi32>,
      %get3A_137 = vector.shape_cast %get3A_136 : vector<16xi32> to vector<16xi32>
      %swap3A_138 = arith.constant 16 : index
      %swap3A_139 = tpu.vector_load %arg12[%swap3A_138] {strides = array<i32>} : memref<80xi32, #tpu.memory_space<vmem>>, vector<16xi32>,
      %swap3A_140 = vector.shape_cast %swap3A_139 : vector<16xi32> to vector<16xi32>
      %swap3A_141 = vector.shape_cast %get3A_137 : vector<16xi32> to vector<16xi32>
      tpu.vector_store %arg12[%swap3A_138], %swap3A_141 {strides = array<i32>} : memref<80xi32, #tpu.memory_space<vmem>>, vector<16xi32>,
      %get3A_142 = arith.constant 112 : index
      %get3A_143 = tpu.vector_load %arg9[%get3A_142] {strides = array<i32>} : memref<160xi32, #tpu.memory_space<vmem>>, vector<16xi32>,
      %get3A_144 = vector.shape_cast %get3A_143 : vector<16xi32> to vector<16xi32>
      %swap3A_145 = arith.constant 32 : index
      %swap3A_146 = tpu.vector_load %arg12[%swap3A_145] {strides = array<i32>} : memref<80xi32, #tpu.memory_space<vmem>>, vector<16xi32>,
      %swap3A_147 = vector.shape_cast %swap3A_146 : vector<16xi32> to vector<16xi32>
      %swap3A_148 = vector.shape_cast %get3A_144 : vector<16xi32> to vector<16xi32>
      tpu.vector_store %arg12[%swap3A_145], %swap3A_148 {strides = array<i32>} : memref<80xi32, #tpu.memory_space<vmem>>, vector<16xi32>,
      %get3A_149 = arith.constant 128 : index
      %get3A_150 = tpu.vector_load %arg9[%get3A_149] {strides = array<i32>} : memref<160xi32, #tpu.memory_space<vmem>>, vector<16xi32>,
      %get3A_151 = vector.shape_cast %get3A_150 : vector<16xi32> to vector<16xi32>
      %swap3A_152 = arith.constant 48 : index
      %swap3A_153 = tpu.vector_load %arg12[%swap3A_152] {strides = array<i32>} : memref<80xi32, #tpu.memory_space<vmem>>, vector<16xi32>,
      %swap3A_154 = vector.shape_cast %swap3A_153 : vector<16xi32> to vector<16xi32>
      %swap3A_155 = vector.shape_cast %get3A_151 : vector<16xi32> to vector<16xi32>
      tpu.vector_store %arg12[%swap3A_152], %swap3A_155 {strides = array<i32>} : memref<80xi32, #tpu.memory_space<vmem>>, vector<16xi32>,
      %get3A_156 = arith.constant 144 : index
      %get3A_157 = tpu.vector_load %arg9[%get3A_156] {strides = array<i32>} : memref<160xi32, #tpu.memory_space<vmem>>, vector<16xi32>,
      %get3A_158 = vector.shape_cast %get3A_157 : vector<16xi32> to vector<16xi32>
      %swap3A_159 = arith.constant 64 : index
      %swap3A_160 = tpu.vector_load %arg12[%swap3A_159] {strides = array<i32>} : memref<80xi32, #tpu.memory_space<vmem>>, vector<16xi32>,
      %swap3A_161 = vector.shape_cast %swap3A_160 : vector<16xi32> to vector<16xi32>
      %swap3A_162 = vector.shape_cast %get3A_158 : vector<16xi32> to vector<16xi32>
      tpu.vector_store %arg12[%swap3A_159], %swap3A_162 {strides = array<i32>} : memref<80xi32, #tpu.memory_space<vmem>>, vector<16xi32>,
      %dma_wait3A_163 = arith.constant 0 : i32
      %dma_wait3A_164 = tpu.memref_slice %arg7[%dma_wait3A_163] : memref<160xi32, #tpu.memory_space<vmem>> -> memref<80xi32, #tpu.memory_space<vmem>>
      %dma_wait3A_165 = arith.constant 0 : i32
      %dma_wait3A_166 = arith.constant 0 : i32
      %dma_wait3A_167 = tpu.memref_slice %arg2[%dma_wait3A_165, %dma_wait3A_166] : memref<10000x128xf32, #tpu.memory_space<hbm>> -> memref<10000x128xf32, #tpu.memory_space<hbm>>
      tpu.wait_indirect_dma semaphore(%arg16 : memref<!tpu.dma_semaphore, #tpu.memory_space<semaphore_mem>>) src(%dma_wait3A_167 : memref<10000x128xf32, #tpu.memory_space<hbm>>) dst(%arg13 : memref<80x128xf32, #tpu.memory_space<vmem>>)
      "tpu.region"() ({
        %run_scoped3A = tpu.sem_alloc : memref<!tpu.dma_semaphore, #tpu.memory_space<semaphore_mem>>
        %dma_start3A_285 = arith.constant 0 : i32
        %dma_start3A_286 = arith.constant 0 : i32
        %dma_start3A_287 = tpu.memref_slice %arg6[%dma_start3A_285, %dma_start3A_286] : memref<10000x128xf32, #tpu.memory_space<vmem_shared>> -> memref<10000x128xf32, #tpu.memory_space<vmem_shared>>
        tpu.enqueue_indirect_dma source(%arg13 : memref<80x128xf32, #tpu.memory_space<vmem>>) target(%dma_start3A_287 : memref<10000x128xf32, #tpu.memory_space<vmem_shared>>) offsets(%arg11 : memref<80xi32, #tpu.memory_space<vmem>>) semaphore(%run_scoped3A : memref<!tpu.dma_semaphore, #tpu.memory_space<semaphore_mem>>) {add = true}
        %dma_wait3A_288 = arith.constant 0 : i32
        %dma_wait3A_289 = arith.constant 0 : i32
        %dma_wait3A_290 = tpu.memref_slice %arg6[%dma_wait3A_288, %dma_wait3A_289] : memref<10000x128xf32, #tpu.memory_space<vmem_shared>> -> memref<10000x128xf32, #tpu.memory_space<vmem_shared>>
        tpu.wait_indirect_dma semaphore(%run_scoped3A : memref<!tpu.dma_semaphore, #tpu.memory_space<semaphore_mem>>) src(%arg13 : memref<80x128xf32, #tpu.memory_space<vmem>>) dst(%dma_wait3A_290 : memref<10000x128xf32, #tpu.memory_space<vmem_shared>>)
        tpu.yield
      }) : () -> ()
      %dma_wait3A_168 = arith.constant 80 : i32
      %dma_wait3A_169 = tpu.memref_slice %arg7[%dma_wait3A_168] : memref<160xi32, #tpu.memory_space<vmem>> -> memref<80xi32, #tpu.memory_space<vmem>>
      %dma_wait3A_170 = arith.constant 0 : i32
      %dma_wait3A_171 = arith.constant 0 : i32
      %dma_wait3A_172 = tpu.memref_slice %arg2[%dma_wait3A_170, %dma_wait3A_171] : memref<10000x128xf32, #tpu.memory_space<hbm>> -> memref<10000x128xf32, #tpu.memory_space<hbm>>
      tpu.wait_indirect_dma semaphore(%arg17 : memref<!tpu.dma_semaphore, #tpu.memory_space<semaphore_mem>>) src(%dma_wait3A_172 : memref<10000x128xf32, #tpu.memory_space<hbm>>) dst(%arg14 : memref<80x128xf32, #tpu.memory_space<vmem>>)
      "tpu.region"() ({
        %run_scoped3A = tpu.sem_alloc : memref<!tpu.dma_semaphore, #tpu.memory_space<semaphore_mem>>
        %dma_start3A_285 = arith.constant 0 : i32
        %dma_start3A_286 = arith.constant 0 : i32
        %dma_start3A_287 = tpu.memref_slice %arg6[%dma_start3A_285, %dma_start3A_286] : memref<10000x128xf32, #tpu.memory_space<vmem_shared>> -> memref<10000x128xf32, #tpu.memory_space<vmem_shared>>
        tpu.enqueue_indirect_dma source(%arg14 : memref<80x128xf32, #tpu.memory_space<vmem>>) target(%dma_start3A_287 : memref<10000x128xf32, #tpu.memory_space<vmem_shared>>) offsets(%arg12 : memref<80xi32, #tpu.memory_space<vmem>>) semaphore(%run_scoped3A : memref<!tpu.dma_semaphore, #tpu.memory_space<semaphore_mem>>) {add = true}
        %dma_wait3A_288 = arith.constant 0 : i32
        %dma_wait3A_289 = arith.constant 0 : i32
        %dma_wait3A_290 = tpu.memref_slice %arg6[%dma_wait3A_288, %dma_wait3A_289] : memref<10000x128xf32, #tpu.memory_space<vmem_shared>> -> memref<10000x128xf32, #tpu.memory_space<vmem_shared>>
        tpu.wait_indirect_dma semaphore(%run_scoped3A : memref<!tpu.dma_semaphore, #tpu.memory_space<semaphore_mem>>) src(%arg14 : memref<80x128xf32, #tpu.memory_space<vmem>>) dst(%dma_wait3A_290 : memref<10000x128xf32, #tpu.memory_space<vmem_shared>>)
        tpu.yield
      }) : () -> ()
      %lt3A = arith.constant 30 : i32
      %lt3A_173 = arith.cmpi slt, %scan3A_73, %lt3A : i32
      %convert_element_type3A_174 = arith.extui %lt3A_173 : i1 to i32
      %cond3A_175 = arith.constant 0 : i32
      %cond3A_176 = arith.cmpi ne, %convert_element_type3A_174, %cond3A_175 : i32
      scf.if %cond3A_176 {
        %mul3A_285 = arith.constant 2 : i32
        %mul3A_286 = arith.muli %mul3A_285, %scan3A_73 : i32
        %add3A_287 = arith.constant 2 : i32
        %add3A_288 = arith.addi %mul3A_286, %add3A_287 : i32
        %mul3A_289 = arith.constant 2 : i32
        %mul3A_290 = arith.muli %add3A_288, %mul3A_289 : i32
        %mul3A_291 = arith.constant 80 : i32
        %mul3A_292 = arith.muli %mul3A_290, %mul3A_291 : i32
        %add3A_293 = arith.addi %mul3A_38, %mul3A_292 : i32
        %dma_start3A_294 = tpu.memref_slice %arg3[%add3A_293] : memref<320000xi32, #tpu.memory_space<hbm>> -> memref<160xi32, #tpu.memory_space<hbm>>
        %dma_start3A_295 = tpu.memref_slice %arg3[%add3A_293] : memref<320000xi32, #tpu.memory_space<hbm>> -> memref<160xi32, #tpu.memory_space<hbm>>
        tpu.enqueue_dma source(%dma_start3A_295 : memref<160xi32, #tpu.memory_space<hbm>>) target(%arg7 : memref<160xi32, #tpu.memory_space<vmem>>) target_semaphore(%arg18 : memref<!tpu.dma_semaphore, #tpu.memory_space<semaphore_mem>>)
        %dma_start3A_296 = tpu.memref_slice %arg4[%add3A_293] : memref<320000xi32, #tpu.memory_space<hbm>> -> memref<160xi32, #tpu.memory_space<hbm>>
        %dma_start3A_297 = tpu.memref_slice %arg4[%add3A_293] : memref<320000xi32, #tpu.memory_space<hbm>> -> memref<160xi32, #tpu.memory_space<hbm>>
        tpu.enqueue_dma source(%dma_start3A_297 : memref<160xi32, #tpu.memory_space<hbm>>) target(%arg9 : memref<160xi32, #tpu.memory_space<vmem>>) target_semaphore(%arg18 : memref<!tpu.dma_semaphore, #tpu.memory_space<semaphore_mem>>)
      } else {
      }
      %mul3A_177 = arith.constant 2 : i32
      %mul3A_178 = arith.muli %mul3A_177, %scan3A_73 : i32
      %add3A_179 = arith.constant 1 : i32
      %add3A_180 = arith.addi %mul3A_178, %add3A_179 : i32
      %mul3A_181 = arith.constant 2 : i32
      %mul3A_182 = arith.muli %add3A_180, %mul3A_181 : i32
      %mul3A_183 = arith.constant 80 : i32
      %mul3A_184 = arith.muli %mul3A_182, %mul3A_183 : i32
      %add3A_185 = arith.addi %mul3A_38, %mul3A_184 : i32
      %dma_wait3A_186 = tpu.memref_slice %arg3[%add3A_185] : memref<320000xi32, #tpu.memory_space<hbm>> -> memref<160xi32, #tpu.memory_space<hbm>>
      %dma_wait3A_187 = tpu.memref_slice %arg3[%add3A_185] : memref<320000xi32, #tpu.memory_space<hbm>> -> memref<160xi32, #tpu.memory_space<hbm>>
      tpu.wait_dma2 semaphore(%arg19 : memref<!tpu.dma_semaphore, #tpu.memory_space<semaphore_mem>>) src(%dma_wait3A_187 : memref<160xi32, #tpu.memory_space<hbm>>) dst(%arg8 : memref<160xi32, #tpu.memory_space<vmem>>)
      %dma_wait3A_188 = tpu.memref_slice %arg4[%add3A_185] : memref<320000xi32, #tpu.memory_space<hbm>> -> memref<160xi32, #tpu.memory_space<hbm>>
      %dma_wait3A_189 = tpu.memref_slice %arg4[%add3A_185] : memref<320000xi32, #tpu.memory_space<hbm>> -> memref<160xi32, #tpu.memory_space<hbm>>
      tpu.wait_dma2 semaphore(%arg19 : memref<!tpu.dma_semaphore, #tpu.memory_space<semaphore_mem>>) src(%dma_wait3A_189 : memref<160xi32, #tpu.memory_space<hbm>>) dst(%arg10 : memref<160xi32, #tpu.memory_space<vmem>>)
      %dma_start3A_190 = arith.constant 0 : i32
      %dma_start3A_191 = tpu.memref_slice %arg8[%dma_start3A_190] : memref<160xi32, #tpu.memory_space<vmem>> -> memref<80xi32, #tpu.memory_space<vmem>>
      %dma_start3A_192 = arith.constant 0 : i32
      %dma_start3A_193 = arith.constant 0 : i32
      %dma_start3A_194 = tpu.memref_slice %arg2[%dma_start3A_192, %dma_start3A_193] : memref<10000x128xf32, #tpu.memory_space<hbm>> -> memref<10000x128xf32, #tpu.memory_space<hbm>>
      tpu.enqueue_indirect_dma source(%dma_start3A_194 : memref<10000x128xf32, #tpu.memory_space<hbm>>) target(%arg13 : memref<80x128xf32, #tpu.memory_space<vmem>>) offsets(%dma_start3A_191 : memref<80xi32, #tpu.memory_space<vmem>>) semaphore(%arg16 : memref<!tpu.dma_semaphore, #tpu.memory_space<semaphore_mem>>)
      %get3A_195 = arith.constant 0 : index
      %get3A_196 = tpu.vector_load %arg10[%get3A_195] {strides = array<i32>} : memref<160xi32, #tpu.memory_space<vmem>>, vector<16xi32>,
      %get3A_197 = vector.shape_cast %get3A_196 : vector<16xi32> to vector<16xi32>
      %swap3A_198 = arith.constant 0 : index
      %swap3A_199 = tpu.vector_load %arg11[%swap3A_198] {strides = array<i32>} : memref<80xi32, #tpu.memory_space<vmem>>, vector<16xi32>,
      %swap3A_200 = vector.shape_cast %swap3A_199 : vector<16xi32> to vector<16xi32>
      %swap3A_201 = vector.shape_cast %get3A_197 : vector<16xi32> to vector<16xi32>
      tpu.vector_store %arg11[%swap3A_198], %swap3A_201 {strides = array<i32>} : memref<80xi32, #tpu.memory_space<vmem>>, vector<16xi32>,
      %get3A_202 = arith.constant 16 : index
      %get3A_203 = tpu.vector_load %arg10[%get3A_202] {strides = array<i32>} : memref<160xi32, #tpu.memory_space<vmem>>, vector<16xi32>,
      %get3A_204 = vector.shape_cast %get3A_203 : vector<16xi32> to vector<16xi32>
      %swap3A_205 = arith.constant 16 : index
      %swap3A_206 = tpu.vector_load %arg11[%swap3A_205] {strides = array<i32>} : memref<80xi32, #tpu.memory_space<vmem>>, vector<16xi32>,
      %swap3A_207 = vector.shape_cast %swap3A_206 : vector<16xi32> to vector<16xi32>
      %swap3A_208 = vector.shape_cast %get3A_204 : vector<16xi32> to vector<16xi32>
      tpu.vector_store %arg11[%swap3A_205], %swap3A_208 {strides = array<i32>} : memref<80xi32, #tpu.memory_space<vmem>>, vector<16xi32>,
      %get3A_209 = arith.constant 32 : index
      %get3A_210 = tpu.vector_load %arg10[%get3A_209] {strides = array<i32>} : memref<160xi32, #tpu.memory_space<vmem>>, vector<16xi32>,
      %get3A_211 = vector.shape_cast %get3A_210 : vector<16xi32> to vector<16xi32>
      %swap3A_212 = arith.constant 32 : index
      %swap3A_213 = tpu.vector_load %arg11[%swap3A_212] {strides = array<i32>} : memref<80xi32, #tpu.memory_space<vmem>>, vector<16xi32>,
      %swap3A_214 = vector.shape_cast %swap3A_213 : vector<16xi32> to vector<16xi32>
      %swap3A_215 = vector.shape_cast %get3A_211 : vector<16xi32> to vector<16xi32>
      tpu.vector_store %arg11[%swap3A_212], %swap3A_215 {strides = array<i32>} : memref<80xi32, #tpu.memory_space<vmem>>, vector<16xi32>,
      %get3A_216 = arith.constant 48 : index
      %get3A_217 = tpu.vector_load %arg10[%get3A_216] {strides = array<i32>} : memref<160xi32, #tpu.memory_space<vmem>>, vector<16xi32>,
      %get3A_218 = vector.shape_cast %get3A_217 : vector<16xi32> to vector<16xi32>
      %swap3A_219 = arith.constant 48 : index
      %swap3A_220 = tpu.vector_load %arg11[%swap3A_219] {strides = array<i32>} : memref<80xi32, #tpu.memory_space<vmem>>, vector<16xi32>,
      %swap3A_221 = vector.shape_cast %swap3A_220 : vector<16xi32> to vector<16xi32>
      %swap3A_222 = vector.shape_cast %get3A_218 : vector<16xi32> to vector<16xi32>
      tpu.vector_store %arg11[%swap3A_219], %swap3A_222 {strides = array<i32>} : memref<80xi32, #tpu.memory_space<vmem>>, vector<16xi32>,
      %get3A_223 = arith.constant 64 : index
      %get3A_224 = tpu.vector_load %arg10[%get3A_223] {strides = array<i32>} : memref<160xi32, #tpu.memory_space<vmem>>, vector<16xi32>,
      %get3A_225 = vector.shape_cast %get3A_224 : vector<16xi32> to vector<16xi32>
      %swap3A_226 = arith.constant 64 : index
      %swap3A_227 = tpu.vector_load %arg11[%swap3A_226] {strides = array<i32>} : memref<80xi32, #tpu.memory_space<vmem>>, vector<16xi32>,
      %swap3A_228 = vector.shape_cast %swap3A_227 : vector<16xi32> to vector<16xi32>
      %swap3A_229 = vector.shape_cast %get3A_225 : vector<16xi32> to vector<16xi32>
      tpu.vector_store %arg11[%swap3A_226], %swap3A_229 {strides = array<i32>} : memref<80xi32, #tpu.memory_space<vmem>>, vector<16xi32>,
      %dma_start3A_230 = arith.constant 80 : i32
      %dma_start3A_231 = tpu.memref_slice %arg8[%dma_start3A_230] : memref<160xi32, #tpu.memory_space<vmem>> -> memref<80xi32, #tpu.memory_space<vmem>>
      %dma_start3A_232 = arith.constant 0 : i32
      %dma_start3A_233 = arith.constant 0 : i32
      %dma_start3A_234 = tpu.memref_slice %arg2[%dma_start3A_232, %dma_start3A_233] : memref<10000x128xf32, #tpu.memory_space<hbm>> -> memref<10000x128xf32, #tpu.memory_space<hbm>>
      tpu.enqueue_indirect_dma source(%dma_start3A_234 : memref<10000x128xf32, #tpu.memory_space<hbm>>) target(%arg14 : memref<80x128xf32, #tpu.memory_space<vmem>>) offsets(%dma_start3A_231 : memref<80xi32, #tpu.memory_space<vmem>>) semaphore(%arg17 : memref<!tpu.dma_semaphore, #tpu.memory_space<semaphore_mem>>)
      %get3A_235 = arith.constant 80 : index
      %get3A_236 = tpu.vector_load %arg10[%get3A_235] {strides = array<i32>} : memref<160xi32, #tpu.memory_space<vmem>>, vector<16xi32>,
      %get3A_237 = vector.shape_cast %get3A_236 : vector<16xi32> to vector<16xi32>
      %swap3A_238 = arith.constant 0 : index
      %swap3A_239 = tpu.vector_load %arg12[%swap3A_238] {strides = array<i32>} : memref<80xi32, #tpu.memory_space<vmem>>, vector<16xi32>,
      %swap3A_240 = vector.shape_cast %swap3A_239 : vector<16xi32> to vector<16xi32>
      %swap3A_241 = vector.shape_cast %get3A_237 : vector<16xi32> to vector<16xi32>
      tpu.vector_store %arg12[%swap3A_238], %swap3A_241 {strides = array<i32>} : memref<80xi32, #tpu.memory_space<vmem>>, vector<16xi32>,
      %get3A_242 = arith.constant 96 : index
      %get3A_243 = tpu.vector_load %arg10[%get3A_242] {strides = array<i32>} : memref<160xi32, #tpu.memory_space<vmem>>, vector<16xi32>,
      %get3A_244 = vector.shape_cast %get3A_243 : vector<16xi32> to vector<16xi32>
      %swap3A_245 = arith.constant 16 : index
      %swap3A_246 = tpu.vector_load %arg12[%swap3A_245] {strides = array<i32>} : memref<80xi32, #tpu.memory_space<vmem>>, vector<16xi32>,
      %swap3A_247 = vector.shape_cast %swap3A_246 : vector<16xi32> to vector<16xi32>
      %swap3A_248 = vector.shape_cast %get3A_244 : vector<16xi32> to vector<16xi32>
      tpu.vector_store %arg12[%swap3A_245], %swap3A_248 {strides = array<i32>} : memref<80xi32, #tpu.memory_space<vmem>>, vector<16xi32>,
      %get3A_249 = arith.constant 112 : index
      %get3A_250 = tpu.vector_load %arg10[%get3A_249] {strides = array<i32>} : memref<160xi32, #tpu.memory_space<vmem>>, vector<16xi32>,
      %get3A_251 = vector.shape_cast %get3A_250 : vector<16xi32> to vector<16xi32>
      %swap3A_252 = arith.constant 32 : index
      %swap3A_253 = tpu.vector_load %arg12[%swap3A_252] {strides = array<i32>} : memref<80xi32, #tpu.memory_space<vmem>>, vector<16xi32>,
      %swap3A_254 = vector.shape_cast %swap3A_253 : vector<16xi32> to vector<16xi32>
      %swap3A_255 = vector.shape_cast %get3A_251 : vector<16xi32> to vector<16xi32>
      tpu.vector_store %arg12[%swap3A_252], %swap3A_255 {strides = array<i32>} : memref<80xi32, #tpu.memory_space<vmem>>, vector<16xi32>,
      %get3A_256 = arith.constant 128 : index
      %get3A_257 = tpu.vector_load %arg10[%get3A_256] {strides = array<i32>} : memref<160xi32, #tpu.memory_space<vmem>>, vector<16xi32>,
      %get3A_258 = vector.shape_cast %get3A_257 : vector<16xi32> to vector<16xi32>
      %swap3A_259 = arith.constant 48 : index
      %swap3A_260 = tpu.vector_load %arg12[%swap3A_259] {strides = array<i32>} : memref<80xi32, #tpu.memory_space<vmem>>, vector<16xi32>,
      %swap3A_261 = vector.shape_cast %swap3A_260 : vector<16xi32> to vector<16xi32>
      %swap3A_262 = vector.shape_cast %get3A_258 : vector<16xi32> to vector<16xi32>
      tpu.vector_store %arg12[%swap3A_259], %swap3A_262 {strides = array<i32>} : memref<80xi32, #tpu.memory_space<vmem>>, vector<16xi32>,
      %get3A_263 = arith.constant 144 : index
      %get3A_264 = tpu.vector_load %arg10[%get3A_263] {strides = array<i32>} : memref<160xi32, #tpu.memory_space<vmem>>, vector<16xi32>,
      %get3A_265 = vector.shape_cast %get3A_264 : vector<16xi32> to vector<16xi32>
      %swap3A_266 = arith.constant 64 : index
      %swap3A_267 = tpu.vector_load %arg12[%swap3A_266] {strides = array<i32>} : memref<80xi32, #tpu.memory_space<vmem>>, vector<16xi32>,
      %swap3A_268 = vector.shape_cast %swap3A_267 : vector<16xi32> to vector<16xi32>
      %swap3A_269 = vector.shape_cast %get3A_265 : vector<16xi32> to vector<16xi32>
      tpu.vector_store %arg12[%swap3A_266], %swap3A_269 {strides = array<i32>} : memref<80xi32, #tpu.memory_space<vmem>>, vector<16xi32>,
      %dma_wait3A_270 = arith.constant 0 : i32
      %dma_wait3A_271 = tpu.memref_slice %arg8[%dma_wait3A_270] : memref<160xi32, #tpu.memory_space<vmem>> -> memref<80xi32, #tpu.memory_space<vmem>>
      %dma_wait3A_272 = arith.constant 0 : i32
      %dma_wait3A_273 = arith.constant 0 : i32
      %dma_wait3A_274 = tpu.memref_slice %arg2[%dma_wait3A_272, %dma_wait3A_273] : memref<10000x128xf32, #tpu.memory_space<hbm>> -> memref<10000x128xf32, #tpu.memory_space<hbm>>
      tpu.wait_indirect_dma semaphore(%arg16 : memref<!tpu.dma_semaphore, #tpu.memory_space<semaphore_mem>>) src(%dma_wait3A_274 : memref<10000x128xf32, #tpu.memory_space<hbm>>) dst(%arg13 : memref<80x128xf32, #tpu.memory_space<vmem>>)
      "tpu.region"() ({
        %run_scoped3A = tpu.sem_alloc : memref<!tpu.dma_semaphore, #tpu.memory_space<semaphore_mem>>
        %dma_start3A_285 = arith.constant 0 : i32
        %dma_start3A_286 = arith.constant 0 : i32
        %dma_start3A_287 = tpu.memref_slice %arg6[%dma_start3A_285, %dma_start3A_286] : memref<10000x128xf32, #tpu.memory_space<vmem_shared>> -> memref<10000x128xf32, #tpu.memory_space<vmem_shared>>
        tpu.enqueue_indirect_dma source(%arg13 : memref<80x128xf32, #tpu.memory_space<vmem>>) target(%dma_start3A_287 : memref<10000x128xf32, #tpu.memory_space<vmem_shared>>) offsets(%arg11 : memref<80xi32, #tpu.memory_space<vmem>>) semaphore(%run_scoped3A : memref<!tpu.dma_semaphore, #tpu.memory_space<semaphore_mem>>) {add = true}
        %dma_wait3A_288 = arith.constant 0 : i32
        %dma_wait3A_289 = arith.constant 0 : i32
        %dma_wait3A_290 = tpu.memref_slice %arg6[%dma_wait3A_288, %dma_wait3A_289] : memref<10000x128xf32, #tpu.memory_space<vmem_shared>> -> memref<10000x128xf32, #tpu.memory_space<vmem_shared>>
        tpu.wait_indirect_dma semaphore(%run_scoped3A : memref<!tpu.dma_semaphore, #tpu.memory_space<semaphore_mem>>) src(%arg13 : memref<80x128xf32, #tpu.memory_space<vmem>>) dst(%dma_wait3A_290 : memref<10000x128xf32, #tpu.memory_space<vmem_shared>>)
        tpu.yield
      }) : () -> ()
      %dma_wait3A_275 = arith.constant 80 : i32
      %dma_wait3A_276 = tpu.memref_slice %arg8[%dma_wait3A_275] : memref<160xi32, #tpu.memory_space<vmem>> -> memref<80xi32, #tpu.memory_space<vmem>>
      %dma_wait3A_277 = arith.constant 0 : i32
      %dma_wait3A_278 = arith.constant 0 : i32
      %dma_wait3A_279 = tpu.memref_slice %arg2[%dma_wait3A_277, %dma_wait3A_278] : memref<10000x128xf32, #tpu.memory_space<hbm>> -> memref<10000x128xf32, #tpu.memory_space<hbm>>
      tpu.wait_indirect_dma semaphore(%arg17 : memref<!tpu.dma_semaphore, #tpu.memory_space<semaphore_mem>>) src(%dma_wait3A_279 : memref<10000x128xf32, #tpu.memory_space<hbm>>) dst(%arg14 : memref<80x128xf32, #tpu.memory_space<vmem>>)
      "tpu.region"() ({
        %run_scoped3A = tpu.sem_alloc : memref<!tpu.dma_semaphore, #tpu.memory_space<semaphore_mem>>
        %dma_start3A_285 = arith.constant 0 : i32
        %dma_start3A_286 = arith.constant 0 : i32
        %dma_start3A_287 = tpu.memref_slice %arg6[%dma_start3A_285, %dma_start3A_286] : memref<10000x128xf32, #tpu.memory_space<vmem_shared>> -> memref<10000x128xf32, #tpu.memory_space<vmem_shared>>
        tpu.enqueue_indirect_dma source(%arg14 : memref<80x128xf32, #tpu.memory_space<vmem>>) target(%dma_start3A_287 : memref<10000x128xf32, #tpu.memory_space<vmem_shared>>) offsets(%arg12 : memref<80xi32, #tpu.memory_space<vmem>>) semaphore(%run_scoped3A : memref<!tpu.dma_semaphore, #tpu.memory_space<semaphore_mem>>) {add = true}
        %dma_wait3A_288 = arith.constant 0 : i32
        %dma_wait3A_289 = arith.constant 0 : i32
        %dma_wait3A_290 = tpu.memref_slice %arg6[%dma_wait3A_288, %dma_wait3A_289] : memref<10000x128xf32, #tpu.memory_space<vmem_shared>> -> memref<10000x128xf32, #tpu.memory_space<vmem_shared>>
        tpu.wait_indirect_dma semaphore(%run_scoped3A : memref<!tpu.dma_semaphore, #tpu.memory_space<semaphore_mem>>) src(%arg14 : memref<80x128xf32, #tpu.memory_space<vmem>>) dst(%dma_wait3A_290 : memref<10000x128xf32, #tpu.memory_space<vmem_shared>>)
        tpu.yield
      }) : () -> ()
      %lt3A_280 = arith.constant 30 : i32
      %lt3A_281 = arith.cmpi slt, %scan3A_73, %lt3A_280 : i32
      %convert_element_type3A_282 = arith.extui %lt3A_281 : i1 to i32
      %cond3A_283 = arith.constant 0 : i32
      %cond3A_284 = arith.cmpi ne, %convert_element_type3A_282, %cond3A_283 : i32
      scf.if %cond3A_284 {
        %mul3A_285 = arith.constant 2 : i32
        %mul3A_286 = arith.muli %mul3A_285, %scan3A_73 : i32
        %add3A_287 = arith.constant 3 : i32
        %add3A_288 = arith.addi %mul3A_286, %add3A_287 : i32
        %mul3A_289 = arith.constant 2 : i32
        %mul3A_290 = arith.muli %add3A_288, %mul3A_289 : i32
        %mul3A_291 = arith.constant 80 : i32
        %mul3A_292 = arith.muli %mul3A_290, %mul3A_291 : i32
        %add3A_293 = arith.addi %mul3A_38, %mul3A_292 : i32
        %dma_start3A_294 = tpu.memref_slice %arg3[%add3A_293] : memref<320000xi32, #tpu.memory_space<hbm>> -> memref<160xi32, #tpu.memory_space<hbm>>
        %dma_start3A_295 = tpu.memref_slice %arg3[%add3A_293] : memref<320000xi32, #tpu.memory_space<hbm>> -> memref<160xi32, #tpu.memory_space<hbm>>
        tpu.enqueue_dma source(%dma_start3A_295 : memref<160xi32, #tpu.memory_space<hbm>>) target(%arg8 : memref<160xi32, #tpu.memory_space<vmem>>) target_semaphore(%arg19 : memref<!tpu.dma_semaphore, #tpu.memory_space<semaphore_mem>>)
        %dma_start3A_296 = tpu.memref_slice %arg4[%add3A_293] : memref<320000xi32, #tpu.memory_space<hbm>> -> memref<160xi32, #tpu.memory_space<hbm>>
        %dma_start3A_297 = tpu.memref_slice %arg4[%add3A_293] : memref<320000xi32, #tpu.memory_space<hbm>> -> memref<160xi32, #tpu.memory_space<hbm>>
        tpu.enqueue_dma source(%dma_start3A_297 : memref<160xi32, #tpu.memory_space<hbm>>) target(%arg10 : memref<160xi32, #tpu.memory_space<vmem>>) target_semaphore(%arg19 : memref<!tpu.dma_semaphore, #tpu.memory_space<semaphore_mem>>)
      } else {
      }
    }
    %scan3A_55 = arith.constant 31 : i32
    %add3A_56 = arith.constant 9920 : i32
    %add3A_57 = arith.addi %mul3A_38, %add3A_56 : i32
    "tpu.region"() ({
      %run_scoped3A = tpu.sem_alloc : memref<!tpu.dma_semaphore, #tpu.memory_space<semaphore_mem>>
      %dma_start3A_73 = arith.constant 0 : i32
      %dma_start3A_74 = tpu.memref_slice %arg7[%dma_start3A_73] : memref<160xi32, #tpu.memory_space<vmem>> -> memref<80xi32, #tpu.memory_space<vmem>>
      %dma_start3A_75 = tpu.memref_slice %arg3[%add3A_57] : memref<320000xi32, #tpu.memory_space<hbm>> -> memref<80xi32, #tpu.memory_space<hbm>>
      %dma_start3A_76 = arith.constant 0 : i32
      %dma_start3A_77 = tpu.memref_slice %arg7[%dma_start3A_76] : memref<160xi32, #tpu.memory_space<vmem>> -> memref<80xi32, #tpu.memory_space<vmem>>
      %dma_start3A_78 = tpu.memref_slice %arg3[%add3A_57] : memref<320000xi32, #tpu.memory_space<hbm>> -> memref<80xi32, #tpu.memory_space<hbm>>
      tpu.enqueue_dma source(%dma_start3A_78 : memref<80xi32, #tpu.memory_space<hbm>>) target(%dma_start3A_77 : memref<80xi32, #tpu.memory_space<vmem>>) target_semaphore(%run_scoped3A : memref<!tpu.dma_semaphore, #tpu.memory_space<semaphore_mem>>)
      %dma_wait3A_79 = arith.constant 0 : i32
      %dma_wait3A_80 = tpu.memref_slice %arg7[%dma_wait3A_79] : memref<160xi32, #tpu.memory_space<vmem>> -> memref<80xi32, #tpu.memory_space<vmem>>
      %dma_wait3A_81 = tpu.memref_slice %arg3[%add3A_57] : memref<320000xi32, #tpu.memory_space<hbm>> -> memref<80xi32, #tpu.memory_space<hbm>>
      %dma_wait3A_82 = arith.constant 0 : i32
      %dma_wait3A_83 = tpu.memref_slice %arg7[%dma_wait3A_82] : memref<160xi32, #tpu.memory_space<vmem>> -> memref<80xi32, #tpu.memory_space<vmem>>
      %dma_wait3A_84 = tpu.memref_slice %arg3[%add3A_57] : memref<320000xi32, #tpu.memory_space<hbm>> -> memref<80xi32, #tpu.memory_space<hbm>>
      tpu.wait_dma2 semaphore(%run_scoped3A : memref<!tpu.dma_semaphore, #tpu.memory_space<semaphore_mem>>) src(%dma_wait3A_84 : memref<80xi32, #tpu.memory_space<hbm>>) dst(%dma_wait3A_83 : memref<80xi32, #tpu.memory_space<vmem>>)
      tpu.yield
    }) : () -> ()
    "tpu.region"() ({
      %run_scoped3A = tpu.sem_alloc : memref<!tpu.dma_semaphore, #tpu.memory_space<semaphore_mem>>
      %dma_start3A_73 = tpu.memref_slice %arg4[%add3A_57] : memref<320000xi32, #tpu.memory_space<hbm>> -> memref<80xi32, #tpu.memory_space<hbm>>
      %dma_start3A_74 = tpu.memref_slice %arg4[%add3A_57] : memref<320000xi32, #tpu.memory_space<hbm>> -> memref<80xi32, #tpu.memory_space<hbm>>
      tpu.enqueue_dma source(%dma_start3A_74 : memref<80xi32, #tpu.memory_space<hbm>>) target(%arg11 : memref<80xi32, #tpu.memory_space<vmem>>) target_semaphore(%run_scoped3A : memref<!tpu.dma_semaphore, #tpu.memory_space<semaphore_mem>>)
      %dma_wait3A_75 = tpu.memref_slice %arg4[%add3A_57] : memref<320000xi32, #tpu.memory_space<hbm>> -> memref<80xi32, #tpu.memory_space<hbm>>
      %dma_wait3A_76 = tpu.memref_slice %arg4[%add3A_57] : memref<320000xi32, #tpu.memory_space<hbm>> -> memref<80xi32, #tpu.memory_space<hbm>>
      tpu.wait_dma2 semaphore(%run_scoped3A : memref<!tpu.dma_semaphore, #tpu.memory_space<semaphore_mem>>) src(%dma_wait3A_76 : memref<80xi32, #tpu.memory_space<hbm>>) dst(%arg11 : memref<80xi32, #tpu.memory_space<vmem>>)
      tpu.yield
    }) : () -> ()
    %dma_start3A_58 = arith.constant 0 : i32
    %dma_start3A_59 = tpu.memref_slice %arg7[%dma_start3A_58] : memref<160xi32, #tpu.memory_space<vmem>> -> memref<80xi32, #tpu.memory_space<vmem>>
    %dma_start3A_60 = arith.constant 0 : i32
    %dma_start3A_61 = arith.constant 0 : i32
    %dma_start3A_62 = tpu.memref_slice %arg2[%dma_start3A_60, %dma_start3A_61] : memref<10000x128xf32, #tpu.memory_space<hbm>> -> memref<10000x128xf32, #tpu.memory_space<hbm>>
    tpu.enqueue_indirect_dma source(%dma_start3A_62 : memref<10000x128xf32, #tpu.memory_space<hbm>>) target(%arg13 : memref<80x128xf32, #tpu.memory_space<vmem>>) offsets(%dma_start3A_59 : memref<80xi32, #tpu.memory_space<vmem>>) semaphore(%arg16 : memref<!tpu.dma_semaphore, #tpu.memory_space<semaphore_mem>>)
    %dma_wait3A = arith.constant 0 : i32
    %dma_wait3A_63 = tpu.memref_slice %arg7[%dma_wait3A] : memref<160xi32, #tpu.memory_space<vmem>> -> memref<80xi32, #tpu.memory_space<vmem>>
    %dma_wait3A_64 = arith.constant 0 : i32
    %dma_wait3A_65 = arith.constant 0 : i32
    %dma_wait3A_66 = tpu.memref_slice %arg2[%dma_wait3A_64, %dma_wait3A_65] : memref<10000x128xf32, #tpu.memory_space<hbm>> -> memref<10000x128xf32, #tpu.memory_space<hbm>>
    tpu.wait_indirect_dma semaphore(%arg16 : memref<!tpu.dma_semaphore, #tpu.memory_space<semaphore_mem>>) src(%dma_wait3A_66 : memref<10000x128xf32, #tpu.memory_space<hbm>>) dst(%arg13 : memref<80x128xf32, #tpu.memory_space<vmem>>)
    "tpu.region"() ({
      %run_scoped3A = tpu.sem_alloc : memref<!tpu.dma_semaphore, #tpu.memory_space<semaphore_mem>>
      %dma_start3A_73 = arith.constant 0 : i32
      %dma_start3A_74 = arith.constant 0 : i32
      %dma_start3A_75 = tpu.memref_slice %arg6[%dma_start3A_73, %dma_start3A_74] : memref<10000x128xf32, #tpu.memory_space<vmem_shared>> -> memref<10000x128xf32, #tpu.memory_space<vmem_shared>>
      tpu.enqueue_indirect_dma source(%arg13 : memref<80x128xf32, #tpu.memory_space<vmem>>) target(%dma_start3A_75 : memref<10000x128xf32, #tpu.memory_space<vmem_shared>>) offsets(%arg11 : memref<80xi32, #tpu.memory_space<vmem>>) semaphore(%run_scoped3A : memref<!tpu.dma_semaphore, #tpu.memory_space<semaphore_mem>>) {add = true}
      %dma_wait3A_76 = arith.constant 0 : i32
      %dma_wait3A_77 = arith.constant 0 : i32
      %dma_wait3A_78 = tpu.memref_slice %arg6[%dma_wait3A_76, %dma_wait3A_77] : memref<10000x128xf32, #tpu.memory_space<vmem_shared>> -> memref<10000x128xf32, #tpu.memory_space<vmem_shared>>
      tpu.wait_indirect_dma semaphore(%run_scoped3A : memref<!tpu.dma_semaphore, #tpu.memory_space<semaphore_mem>>) src(%arg13 : memref<80x128xf32, #tpu.memory_space<vmem>>) dst(%dma_wait3A_78 : memref<10000x128xf32, #tpu.memory_space<vmem_shared>>)
      tpu.yield
    }) : () -> ()
    %barrier3A_67 = arith.constant 0 : index
    tpu.barrier barrier_id(%barrier3A_67)
    "tpu.region"() ({
      %run_scoped3A = tpu.sem_alloc : memref<!tpu.dma_semaphore, #tpu.memory_space<semaphore_mem>>
      %dma_start3A_73 = arith.constant 0 : i32
      %dma_start3A_74 = tpu.memref_slice %arg5[%arg0, %mul3A_8, %dma_start3A_73] : memref<2x10000x128xf32, #tpu.memory_space<hbm>> -> memref<1x624x128xf32, #tpu.memory_space<hbm>>
      %dma_start3A_75 = tpu.memref_squeeze %dma_start3A_74 : memref<1x624x128xf32, #tpu.memory_space<hbm>> -> memref<624x128xf32, #tpu.memory_space<hbm>>
      %dma_start3A_76 = arith.constant 0 : i32
      %dma_start3A_77 = tpu.memref_slice %arg6[%mul3A_8, %dma_start3A_76] : memref<10000x128xf32, #tpu.memory_space<vmem_shared>> -> memref<624x128xf32, #tpu.memory_space<vmem_shared>>
      tpu.enqueue_dma source(%dma_start3A_77 : memref<624x128xf32, #tpu.memory_space<vmem_shared>>) target(%dma_start3A_75 : memref<624x128xf32, #tpu.memory_space<hbm>>) target_semaphore(%run_scoped3A : memref<!tpu.dma_semaphore, #tpu.memory_space<semaphore_mem>>)
      %dma_wait3A_78 = arith.constant 0 : i32
      %dma_wait3A_79 = tpu.memref_slice %arg5[%arg0, %mul3A_8, %dma_wait3A_78] : memref<2x10000x128xf32, #tpu.memory_space<hbm>> -> memref<1x624x128xf32, #tpu.memory_space<hbm>>
      %dma_wait3A_80 = tpu.memref_squeeze %dma_wait3A_79 : memref<1x624x128xf32, #tpu.memory_space<hbm>> -> memref<624x128xf32, #tpu.memory_space<hbm>>
      %dma_wait3A_81 = arith.constant 0 : i32
      %dma_wait3A_82 = tpu.memref_slice %arg6[%mul3A_8, %dma_wait3A_81] : memref<10000x128xf32, #tpu.memory_space<vmem_shared>> -> memref<624x128xf32, #tpu.memory_space<vmem_shared>>
      tpu.wait_dma2 semaphore(%run_scoped3A : memref<!tpu.dma_semaphore, #tpu.memory_space<semaphore_mem>>) src(%dma_wait3A_82 : memref<624x128xf32, #tpu.memory_space<vmem_shared>>) dst(%dma_wait3A_80 : memref<624x128xf32, #tpu.memory_space<hbm>>)
      tpu.yield
    }) : () -> ()
    %eq3A_68 = arith.constant 15 : i32
    %eq3A_69 = arith.cmpi eq, %arg1, %eq3A_68 : i32
    %convert_element_type3A_70 = arith.extui %eq3A_69 : i1 to i32
    %cond3A_71 = arith.constant 0 : i32
    %cond3A_72 = arith.cmpi ne, %convert_element_type3A_70, %cond3A_71 : i32
    scf.if %cond3A_72 {
      "tpu.region"() ({
        %run_scoped3A = tpu.sem_alloc : memref<!tpu.dma_semaphore, #tpu.memory_space<semaphore_mem>>
        %dma_start3A_73 = arith.constant 9984 : i32
        %dma_start3A_74 = arith.constant 0 : i32
        %dma_start3A_75 = tpu.memref_slice %arg5[%arg0, %dma_start3A_73, %dma_start3A_74] : memref<2x10000x128xf32, #tpu.memory_space<hbm>> -> memref<1x16x128xf32, #tpu.memory_space<hbm>>
        %dma_start3A_76 = tpu.memref_squeeze %dma_start3A_75 : memref<1x16x128xf32, #tpu.memory_space<hbm>> -> memref<16x128xf32, #tpu.memory_space<hbm>>
        %dma_start3A_77 = arith.constant 9984 : i32
        %dma_start3A_78 = arith.constant 0 : i32
        %dma_start3A_79 = tpu.memref_slice %arg6[%dma_start3A_77, %dma_start3A_78] : memref<10000x128xf32, #tpu.memory_space<vmem_shared>> -> memref<16x128xf32, #tpu.memory_space<vmem_shared>>
        tpu.enqueue_dma source(%dma_start3A_79 : memref<16x128xf32, #tpu.memory_space<vmem_shared>>) target(%dma_start3A_76 : memref<16x128xf32, #tpu.memory_space<hbm>>) target_semaphore(%run_scoped3A : memref<!tpu.dma_semaphore, #tpu.memory_space<semaphore_mem>>)
        %dma_wait3A_80 = arith.constant 9984 : i32
        %dma_wait3A_81 = arith.constant 0 : i32
        %dma_wait3A_82 = tpu.memref_slice %arg5[%arg0, %dma_wait3A_80, %dma_wait3A_81] : memref<2x10000x128xf32, #tpu.memory_space<hbm>> -> memref<1x16x128xf32, #tpu.memory_space<hbm>>
        %dma_wait3A_83 = tpu.memref_squeeze %dma_wait3A_82 : memref<1x16x128xf32, #tpu.memory_space<hbm>> -> memref<16x128xf32, #tpu.memory_space<hbm>>
        %dma_wait3A_84 = arith.constant 9984 : i32
        %dma_wait3A_85 = arith.constant 0 : i32
        %dma_wait3A_86 = tpu.memref_slice %arg6[%dma_wait3A_84, %dma_wait3A_85] : memref<10000x128xf32, #tpu.memory_space<vmem_shared>> -> memref<16x128xf32, #tpu.memory_space<vmem_shared>>
        tpu.wait_dma2 semaphore(%run_scoped3A : memref<!tpu.dma_semaphore, #tpu.memory_space<semaphore_mem>>) src(%dma_wait3A_86 : memref<16x128xf32, #tpu.memory_space<vmem_shared>>) dst(%dma_wait3A_83 : memref<16x128xf32, #tpu.memory_space<hbm>>)
        tpu.yield
      }) : () -> ()
    } else {
    }
    return
  }
}

module attributes {stable_mosaic.version = 14 : i64} {
  func.func @body(%arg0: i32, %arg1: memref<1000x128xf32, #tpu.memory_space<vmem>>, %arg2: memref<2x1000x128xf32, #tpu.memory_space<vmem>>, %arg3: memref<2x1000x128xf32, #tpu.memory_space<vmem>>, %arg4: memref<128x128xf32, #tpu.memory_space<vmem>>, %arg5: memref<128x128xf32, #tpu.memory_space<vmem>>, %arg6: memref<1x128xf32, #tpu.memory_space<vmem>>, %arg7: memref<1000x128xf32, #tpu.memory_space<vmem>>) attributes {dimension_semantics = [#tpu.dimension_semantics<arbitrary>], iteration_bounds = array<i64: 10>, scalar_prefetch = 0 : i64, scratch_operands = 0 : i64, tpu.core_type = #tpu.core_type<tc>, window_params = [{transform_indices = @transform_0, window_bounds = array<i64: 1000, 128>}, {transform_indices = @transform_1, window_bounds = array<i64: 2, 1000, 128>}, {transform_indices = @transform_2, window_bounds = array<i64: 2, 1000, 128>}, {pipeline_mode = #tpu.pipeline_mode<synchronous>, transform_indices = @transform_3, window_bounds = array<i64: 128, 128>}, {pipeline_mode = #tpu.pipeline_mode<synchronous>, transform_indices = @transform_4, window_bounds = array<i64: 128, 128>}, {pipeline_mode = #tpu.pipeline_mode<synchronous>, transform_indices = @transform_5, window_bounds = array<i64: 1, 128>}, {transform_indices = @transform_6, window_bounds = array<i64: 1000, 128>}]} {
    %get3A = arith.constant 0 : index
    %get3A_0 = arith.constant 0 : index
    %get3A_1 = arith.constant 0 : index
    %get3A_2 = vector.load %arg2[%get3A, %get3A_0, %get3A_1] : memref<2x1000x128xf32, #tpu.memory_space<vmem>>, vector<1x1000x128xf32>
    %get3A_3 = vector.shape_cast %get3A_2 : vector<1x1000x128xf32> to vector<1000x128xf32>
    %get3A_4 = arith.constant 1 : index
    %get3A_5 = arith.constant 0 : index
    %get3A_6 = arith.constant 0 : index
    %get3A_7 = vector.load %arg2[%get3A_4, %get3A_5, %get3A_6] : memref<2x1000x128xf32, #tpu.memory_space<vmem>>, vector<1x1000x128xf32>
    %get3A_8 = vector.shape_cast %get3A_7 : vector<1x1000x128xf32> to vector<1000x128xf32>
    %add3A = arith.addf %get3A_3, %get3A_8 : vector<1000x128xf32>
    %get3A_9 = arith.constant 0 : index
    %get3A_10 = arith.constant 0 : index
    %get3A_11 = arith.constant 0 : index
    %get3A_12 = vector.load %arg3[%get3A_9, %get3A_10, %get3A_11] : memref<2x1000x128xf32, #tpu.memory_space<vmem>>, vector<1x1000x128xf32>
    %get3A_13 = vector.shape_cast %get3A_12 : vector<1x1000x128xf32> to vector<1000x128xf32>
    %get3A_14 = arith.constant 1 : index
    %get3A_15 = arith.constant 0 : index
    %get3A_16 = arith.constant 0 : index
    %get3A_17 = vector.load %arg3[%get3A_14, %get3A_15, %get3A_16] : memref<2x1000x128xf32, #tpu.memory_space<vmem>>, vector<1x1000x128xf32>
    %get3A_18 = vector.shape_cast %get3A_17 : vector<1x1000x128xf32> to vector<1000x128xf32>
    %add3A_19 = arith.addf %get3A_13, %get3A_18 : vector<1000x128xf32>
    %reduce_max3A = arith.constant dense<0xFF800000> : vector<1000xf32>
    %reduce_max3A_20 = vector.multi_reduction <maximumf>, %add3A_19, %reduce_max3A [1] : vector<1000x128xf32> to vector<1000xf32>
    %broadcast_in_dim3A = vector.shape_cast %reduce_max3A_20 : vector<1000xf32> to vector<1000x1xf32>
    %max3A = arith.constant 1.000000e+00 : f32
    %max3A_21 = vector.broadcast %max3A : f32 to vector<1000x1xf32>
    %max3A_22 = arith.maximumf %broadcast_in_dim3A, %max3A_21 : vector<1000x1xf32>
    %div3A = arith.constant 1.000000e+00 : f32
    %div3A_23 = vector.broadcast %div3A : f32 to vector<1000x1xf32>
    %div3A_24 = arith.divf %div3A_23, %max3A_22 : vector<1000x1xf32>
    %get3A_25 = arith.constant 0 : index
    %get3A_26 = arith.constant 0 : index
    %get3A_27 = vector.load %arg1[%get3A_25, %get3A_26] : memref<1000x128xf32, #tpu.memory_space<vmem>>, vector<1000x128xf32>
    %get3A_28 = arith.constant 0 : index
    %get3A_29 = arith.constant 0 : index
    %get3A_30 = vector.load %arg4[%get3A_28, %get3A_29] : memref<128x128xf32, #tpu.memory_space<vmem>>, vector<128x128xf32>
    %dot_general3A = arith.constant dense<0.000000e+00> : vector<1000x128xf32>
    %dot_general3A_31 = tpu.matmul %get3A_27, %get3A_30, %dot_general3A {dimension_numbers = #tpu.dot_dimension_numbers<[1], [0], [0], [1], [0, 0, 1, 1], [], []>, transpose_lhs_hint = false} : vector<1000x128xf32>, vector<128x128xf32>, vector<1000x128xf32> -> vector<1000x128xf32>
    %mul3A = vector.broadcast %div3A_24 : vector<1000x1xf32> to vector<1000x128xf32>
    %mul3A_32 = arith.mulf %add3A, %mul3A : vector<1000x128xf32>
    %get3A_33 = arith.constant 0 : index
    %get3A_34 = arith.constant 0 : index
    %get3A_35 = vector.load %arg5[%get3A_33, %get3A_34] : memref<128x128xf32, #tpu.memory_space<vmem>>, vector<128x128xf32>
    %dot_general3A_36 = arith.constant dense<0.000000e+00> : vector<1000x128xf32>
    %dot_general3A_37 = tpu.matmul %mul3A_32, %get3A_35, %dot_general3A_36 {dimension_numbers = #tpu.dot_dimension_numbers<[1], [0], [0], [1], [0, 0, 1, 1], [], []>, transpose_lhs_hint = false} : vector<1000x128xf32>, vector<128x128xf32>, vector<1000x128xf32> -> vector<1000x128xf32>
    %add3A_38 = arith.addf %dot_general3A_31, %dot_general3A_37 : vector<1000x128xf32>
    %get3A_39 = arith.constant 0 : index
    %get3A_40 = arith.constant 0 : index
    %get3A_41 = vector.load %arg6[%get3A_39, %get3A_40] : memref<1x128xf32, #tpu.memory_space<vmem>>, vector<1x128xf32>
    %add3A_42 = vector.broadcast %get3A_41 : vector<1x128xf32> to vector<1000x128xf32>
    %add3A_43 = arith.addf %add3A_38, %add3A_42 : vector<1000x128xf32>
    %max3A_44 = arith.constant 0.000000e+00 : f32
    %max3A_45 = vector.broadcast %max3A_44 : f32 to vector<1000x128xf32>
    %max3A_46 = arith.maximumf %add3A_43, %max3A_45 : vector<1000x128xf32>
    %swap3A = arith.constant 0 : index
    %swap3A_47 = arith.constant 0 : index
    %swap3A_48 = vector.load %arg7[%swap3A, %swap3A_47] : memref<1000x128xf32, #tpu.memory_space<vmem>>, vector<1000x128xf32>
    tpu.vector_store %arg7[%swap3A, %swap3A_47], %max3A_46 {strides = array<i32>} : memref<1000x128xf32, #tpu.memory_space<vmem>>, vector<1000x128xf32>,
    return
  }
  func.func @transform_0(%arg0: i32) -> (i32, i32) {
    %c0_i32 = arith.constant 0 : i32
    %c0_i32_0 = arith.constant 0 : i32
    return %arg0, %c0_i32 : i32, i32
  }
  func.func @transform_1(%arg0: i32) -> (i32, i32, i32) {
    %c0_i32 = arith.constant 0 : i32
    %c0_i32_0 = arith.constant 0 : i32
    %c0_i32_1 = arith.constant 0 : i32
    return %c0_i32, %arg0, %c0_i32_0 : i32, i32, i32
  }
  func.func @transform_2(%arg0: i32) -> (i32, i32, i32) {
    %c0_i32 = arith.constant 0 : i32
    %c0_i32_0 = arith.constant 0 : i32
    %c0_i32_1 = arith.constant 0 : i32
    return %c0_i32, %arg0, %c0_i32_0 : i32, i32, i32
  }
  func.func @transform_3(%arg0: i32) -> (i32, i32) {
    %c0_i32 = arith.constant 0 : i32
    %c0_i32_0 = arith.constant 0 : i32
    %c0_i32_1 = arith.constant 0 : i32
    return %c0_i32, %c0_i32_0 : i32, i32
  }
  func.func @transform_4(%arg0: i32) -> (i32, i32) {
    %c0_i32 = arith.constant 0 : i32
    %c0_i32_0 = arith.constant 0 : i32
    %c0_i32_1 = arith.constant 0 : i32
    return %c0_i32, %c0_i32_0 : i32, i32
  }
  func.func @transform_5(%arg0: i32) -> (i32, i32) {
    %c0_i32 = arith.constant 0 : i32
    %c0_i32_0 = arith.constant 0 : i32
    %c0_i32_1 = arith.constant 0 : i32
    return %c0_i32, %c0_i32_0 : i32, i32
  }
  func.func @transform_6(%arg0: i32) -> (i32, i32) {
    %c0_i32 = arith.constant 0 : i32
    %c0_i32_0 = arith.constant 0 : i32
    return %arg0, %c0_i32 : i32, i32
  }
}

module attributes {stable_mosaic.version = 14 : i64} {
  func.func @body(%arg0: i32, %arg1: memref<1000x128xf32, #tpu.memory_space<vmem>>, %arg2: memref<2x1000x128xf32, #tpu.memory_space<vmem>>, %arg3: memref<2x1000x128xf32, #tpu.memory_space<vmem>>, %arg4: memref<128x128xf32, #tpu.memory_space<vmem>>, %arg5: memref<128x128xf32, #tpu.memory_space<vmem>>, %arg6: memref<1x128xf32, #tpu.memory_space<vmem>>, %arg7: memref<1000x128xf32, #tpu.memory_space<vmem>>) attributes {dimension_semantics = [#tpu.dimension_semantics<arbitrary>], iteration_bounds = array<i64: 10>, scalar_prefetch = 0 : i64, scratch_operands = 0 : i64, tpu.core_type = #tpu.core_type<tc>, window_params = [{transform_indices = @transform_0, window_bounds = array<i64: 1000, 128>}, {transform_indices = @transform_1, window_bounds = array<i64: 2, 1000, 128>}, {transform_indices = @transform_2, window_bounds = array<i64: 2, 1000, 128>}, {pipeline_mode = #tpu.pipeline_mode<synchronous>, transform_indices = @transform_3, window_bounds = array<i64: 128, 128>}, {pipeline_mode = #tpu.pipeline_mode<synchronous>, transform_indices = @transform_4, window_bounds = array<i64: 128, 128>}, {pipeline_mode = #tpu.pipeline_mode<synchronous>, transform_indices = @transform_5, window_bounds = array<i64: 1, 128>}, {transform_indices = @transform_6, window_bounds = array<i64: 1000, 128>}]} {
    %get3A = arith.constant 0 : index
    %get3A_0 = arith.constant 0 : index
    %get3A_1 = arith.constant 0 : index
    %get3A_2 = vector.load %arg2[%get3A, %get3A_0, %get3A_1] : memref<2x1000x128xf32, #tpu.memory_space<vmem>>, vector<1x1000x128xf32>
    %get3A_3 = vector.shape_cast %get3A_2 : vector<1x1000x128xf32> to vector<1000x128xf32>
    %get3A_4 = arith.constant 1 : index
    %get3A_5 = arith.constant 0 : index
    %get3A_6 = arith.constant 0 : index
    %get3A_7 = vector.load %arg2[%get3A_4, %get3A_5, %get3A_6] : memref<2x1000x128xf32, #tpu.memory_space<vmem>>, vector<1x1000x128xf32>
    %get3A_8 = vector.shape_cast %get3A_7 : vector<1x1000x128xf32> to vector<1000x128xf32>
    %add3A = arith.addf %get3A_3, %get3A_8 : vector<1000x128xf32>
    %get3A_9 = arith.constant 0 : index
    %get3A_10 = arith.constant 0 : index
    %get3A_11 = arith.constant 0 : index
    %get3A_12 = vector.load %arg3[%get3A_9, %get3A_10, %get3A_11] : memref<2x1000x128xf32, #tpu.memory_space<vmem>>, vector<1x1000x128xf32>
    %get3A_13 = vector.shape_cast %get3A_12 : vector<1x1000x128xf32> to vector<1000x128xf32>
    %get3A_14 = arith.constant 1 : index
    %get3A_15 = arith.constant 0 : index
    %get3A_16 = arith.constant 0 : index
    %get3A_17 = vector.load %arg3[%get3A_14, %get3A_15, %get3A_16] : memref<2x1000x128xf32, #tpu.memory_space<vmem>>, vector<1x1000x128xf32>
    %get3A_18 = vector.shape_cast %get3A_17 : vector<1x1000x128xf32> to vector<1000x128xf32>
    %add3A_19 = arith.addf %get3A_13, %get3A_18 : vector<1000x128xf32>
    %reduce_max3A = arith.constant dense<0xFF800000> : vector<1000xf32>
    %reduce_max3A_20 = vector.multi_reduction <maximumf>, %add3A_19, %reduce_max3A [1] : vector<1000x128xf32> to vector<1000xf32>
    %broadcast_in_dim3A = vector.shape_cast %reduce_max3A_20 : vector<1000xf32> to vector<1000x1xf32>
    %max3A = arith.constant 1.000000e+00 : f32
    %max3A_21 = vector.broadcast %max3A : f32 to vector<1000x1xf32>
    %max3A_22 = arith.maximumf %broadcast_in_dim3A, %max3A_21 : vector<1000x1xf32>
    %div3A = arith.constant 1.000000e+00 : f32
    %div3A_23 = vector.broadcast %div3A : f32 to vector<1000x1xf32>
    %div3A_24 = arith.divf %div3A_23, %max3A_22 : vector<1000x1xf32>
    %get3A_25 = arith.constant 0 : index
    %get3A_26 = arith.constant 0 : index
    %get3A_27 = vector.load %arg1[%get3A_25, %get3A_26] : memref<1000x128xf32, #tpu.memory_space<vmem>>, vector<1000x128xf32>
    %get3A_28 = arith.constant 0 : index
    %get3A_29 = arith.constant 0 : index
    %get3A_30 = vector.load %arg4[%get3A_28, %get3A_29] : memref<128x128xf32, #tpu.memory_space<vmem>>, vector<128x128xf32>
    %dot_general3A = arith.constant dense<0.000000e+00> : vector<1000x128xf32>
    %dot_general3A_31 = tpu.matmul %get3A_27, %get3A_30, %dot_general3A {dimension_numbers = #tpu.dot_dimension_numbers<[1], [0], [0], [1], [0, 0, 1, 1], [], []>, transpose_lhs_hint = false} : vector<1000x128xf32>, vector<128x128xf32>, vector<1000x128xf32> -> vector<1000x128xf32>
    %mul3A = vector.broadcast %div3A_24 : vector<1000x1xf32> to vector<1000x128xf32>
    %mul3A_32 = arith.mulf %add3A, %mul3A : vector<1000x128xf32>
    %get3A_33 = arith.constant 0 : index
    %get3A_34 = arith.constant 0 : index
    %get3A_35 = vector.load %arg5[%get3A_33, %get3A_34] : memref<128x128xf32, #tpu.memory_space<vmem>>, vector<128x128xf32>
    %dot_general3A_36 = arith.constant dense<0.000000e+00> : vector<1000x128xf32>
    %dot_general3A_37 = tpu.matmul %mul3A_32, %get3A_35, %dot_general3A_36 {dimension_numbers = #tpu.dot_dimension_numbers<[1], [0], [0], [1], [0, 0, 1, 1], [], []>, transpose_lhs_hint = false} : vector<1000x128xf32>, vector<128x128xf32>, vector<1000x128xf32> -> vector<1000x128xf32>
    %add3A_38 = arith.addf %dot_general3A_31, %dot_general3A_37 : vector<1000x128xf32>
    %get3A_39 = arith.constant 0 : index
    %get3A_40 = arith.constant 0 : index
    %get3A_41 = vector.load %arg6[%get3A_39, %get3A_40] : memref<1x128xf32, #tpu.memory_space<vmem>>, vector<1x128xf32>
    %add3A_42 = vector.broadcast %get3A_41 : vector<1x128xf32> to vector<1000x128xf32>
    %add3A_43 = arith.addf %add3A_38, %add3A_42 : vector<1000x128xf32>
    %swap3A = arith.constant 0 : index
    %swap3A_44 = arith.constant 0 : index
    %swap3A_45 = vector.load %arg7[%swap3A, %swap3A_44] : memref<1000x128xf32, #tpu.memory_space<vmem>>, vector<1000x128xf32>
    tpu.vector_store %arg7[%swap3A, %swap3A_44], %add3A_43 {strides = array<i32>} : memref<1000x128xf32, #tpu.memory_space<vmem>>, vector<1000x128xf32>,
    return
  }
  func.func @transform_0(%arg0: i32) -> (i32, i32) {
    %c0_i32 = arith.constant 0 : i32
    %c0_i32_0 = arith.constant 0 : i32
    return %arg0, %c0_i32 : i32, i32
  }
  func.func @transform_1(%arg0: i32) -> (i32, i32, i32) {
    %c0_i32 = arith.constant 0 : i32
    %c0_i32_0 = arith.constant 0 : i32
    %c0_i32_1 = arith.constant 0 : i32
    return %c0_i32, %arg0, %c0_i32_0 : i32, i32, i32
  }
  func.func @transform_2(%arg0: i32) -> (i32, i32, i32) {
    %c0_i32 = arith.constant 0 : i32
    %c0_i32_0 = arith.constant 0 : i32
    %c0_i32_1 = arith.constant 0 : i32
    return %c0_i32, %arg0, %c0_i32_0 : i32, i32, i32
  }
  func.func @transform_3(%arg0: i32) -> (i32, i32) {
    %c0_i32 = arith.constant 0 : i32
    %c0_i32_0 = arith.constant 0 : i32
    %c0_i32_1 = arith.constant 0 : i32
    return %c0_i32, %c0_i32_0 : i32, i32
  }
  func.func @transform_4(%arg0: i32) -> (i32, i32) {
    %c0_i32 = arith.constant 0 : i32
    %c0_i32_0 = arith.constant 0 : i32
    %c0_i32_1 = arith.constant 0 : i32
    return %c0_i32, %c0_i32_0 : i32, i32
  }
  func.func @transform_5(%arg0: i32) -> (i32, i32) {
    %c0_i32 = arith.constant 0 : i32
    %c0_i32_0 = arith.constant 0 : i32
    %c0_i32_1 = arith.constant 0 : i32
    return %c0_i32, %c0_i32_0 : i32, i32
  }
  func.func @transform_6(%arg0: i32) -> (i32, i32) {
    %c0_i32 = arith.constant 0 : i32
    %c0_i32_0 = arith.constant 0 : i32
    return %arg0, %c0_i32 : i32, i32
  }
}

</mosaic_0001>

<sc_bundles>
// kernel: kernel.10.cloned.1.call-start
scs
__scs_entry_jumppad:
0x0: {  	(pc) =	sbr.rel $0x88, $3  }
0x1: {  	(tag) =	ssettag $0x0;
	lr =	simm.s32 $0x1  }
0x2: {  	[smem:$0x3F99] =	sst lr;
	_ =	strace $0xD0000000  }
0x3: {  	_ = 	snop  }
0x4: {  	_ = 	snop  }
0x5: {  	_ = 	snop  }
0x6: {  	_ = 	snop  }
0x7: {  	_ = 	snop  }
__scs_overlays_trampoline_lowered:
0x8: {  	[smem:$0x3FA8] =	sst s0  }
0x9: {  	[smem:$0x3FA9] =	sst s1  }
0xa: {  	[smem:$0x3FAA] =	sst s2  }
0xb: {  	[smem:$0x3FAB] =	sst s3  }
0xc: {  	[smem:$0x3FAC] =	sst s4  }
0xd: {  	[smem:$0x3FAD] =	sst s5  }
0xe: {  	[smem:$0x3FAE] =	sst s6  }
0xf: {  	[smem:$0x3FAF] =	sst s7  }
0x10: {  	[smem:$0x3FB0] =	sst s8  }
0x11: {  	[smem:$0x3FB1] =	sst s9;
	s0 =	simm.s32 @!p0 $0x0  }
0x12: {  	s1 =	sld [smem:$0x3F97];
	s0 =	simm.s32 @p0 $0x1  }
0x13: {  	[smem:$0x3FB2] =	sst s0;
	s0 =	simm.s32 @!p1 $0x0  }
0x14: {  	s2 =	sld [smem:$0x3F96];
	s0 =	simm.s32 @p1 $0x1  }
0x15: {  	[smem:$0x3FB3] =	sst s0;
	s0 =	simm.s32 @!p2 $0x0  }
0x16: {  	s3 =	sld [smem:$0x3FDB];
	s0 =	simm.s32 @p2 $0x1  }
0x17: {  	s4 =	simm.s32 $0x1BF5;
	[smem:$0x3FB5] =	sst s0  }
0x18: {  	s0 =	sld [smem:$0x3F98];
	_ =	swait.ge [sflag:s4], $0x0  }
0x19: {  	s7 =	sld [smem:$0x3F99]  }
0x1a: {  	s8 =	sadd.s32 $0xFFFFE003, lr  }
0x1b: {  	s9 =	sadd.s32 $0xFFFFFEF7, lr;
	s5 =	simm.s32 $0xFFFFFFFF;
	p2 =	slt.u32 s8, $0xFFFFF086  }
0x1c: {  	p1 =	slt.u32 s9, $0xF7A;
	s5 =	simm.s32 @!p2 $0x0  }
0x1d: {  	s5 =	simm.s32 @p1 $0x1;
	p0 =	seq.s32 s7, s2  }
0x1e: {  	s7 =	smul.u32 @!p0 $0xF7A, s2;
	p2 =	seq.s32 @!p0 s5, $0x0  }
0x1f: {  	s9 =	smul.u32 $0xF7A, s1;
	s8 =	simm.s32 @!p0 $0x1BF5;
	p2 =	por !p2, p0  }
0x20: {  	[sflag:s8] =	ssyncset.s32 @!p0 $0xFFFFF086;
	s6 =	sadd.s32 @!p0 s3, s7;
	s7 =	simm.s32 @!p0 $0x108  }
0x21: {  	s3 =	sadd.s32 s3, s9;
	s6 =	sadd.s32 @!p0 $0x88, s6;
	s7 =	simm.s32 @p2 $0x1082  }
0x22: {  	[simem:s7], [sflag:s8] =	dma.local @!p0 [hbm:s6], $0xF7A  }
0x23: {  	s9 =	sor.u32 $0xD0000000, s2;
	s6 =	simm.s32 $0x108;
	_ =	swait.ge @!p0 [sflag:s8], $0x0  }
0x24: {  	s3 =	sadd.s32 $0x88, s3;
	s6 =	simm.s32 @!p1 $0x1082;
	[sflag:s4] =	ssyncset.s32 $0xFFFFF086  }
0x25: {  	[simem:s6], [sflag:s4] =	dma.local [hbm:s3], $0xF7A  }
0x26: {  	[smem:$0x3F99] =	sst s1;
	(tag) =	ssettag s2;
	_ =	strace s9  }
0x27: {  	s1 =	sld [smem:$0x3FA9]  }
0x28: {  	s2 =	sld [smem:$0x3FAA]  }
0x29: {  	s4 =	sld [smem:$0x3FAC]  }
0x2a: {  	p0 =	seq.s32 s5, $0x0;
	s5 =	sld [smem:$0x3FAD]  }
0x2b: {  	s6 =	sld [smem:$0x3FAE]  }
0x2c: {  	s7 =	sld [smem:$0x3FAF]  }
0x2d: {  	s3 =	simm.s32 $0x108;
	s8 =	sld [smem:$0x3FB0]  }
0x2e: {  	s3 =	simm.s32 @!p0 $0x1082;
	s9 =	sld [smem:$0x3FB1]  }
0x2f: {  	lr =	sadd.s32 s0, s3;
	s0 =	sld [smem:$0x3FA8]  }
0x30: {  	s3 =	sld [smem:$0x3FAB]  }
0x31: {  	[smem:$0x3FB4] =	sst s10  }
0x32: {  	s10 =	sld [smem:$0x3FB2];
	_ =	sdelay $0x3  }
0x33: {  	p0 =	seq.s32 s10, $0x1;
	s10 =	sld [smem:$0x3FB4];
	_ =	sdelay $0x3  }
0x34: {  	[smem:$0x3FB4] =	sst s10  }
0x35: {  	s10 =	sld [smem:$0x3FB3];
	_ =	sdelay $0x3  }
0x36: {  	p1 =	seq.s32 s10, $0x1;
	s10 =	sld [smem:$0x3FB4];
	_ =	sdelay $0x3  }
0x37: {  	[smem:$0x3FB4] =	sst s10  }
0x38: {  	s10 =	sld [smem:$0x3FB5]  }
0x39: {  	_ = 	snop;
	(pc) =	sbr.ind lr, $3  }
0x3a: {  	_ = 	snop  }
0x3b: {  	_ = 	snop  }
0x3c: {  	p2 =	seq.s32 s10, $0x1;
	s10 =	sld [smem:$0x3FB4]  }
0x3d: {  	_ =	shalt  }
0x3e: {  	_ =	shalt  }
0x3f: {  	_ =	shalt  }
0x40: {  	_ =	shalt  }
0x41: {  	_ =	shalt  }
0x42: {  	_ =	shalt  }
0x43: {  	_ =	shalt  }
0x44: {  	_ =	shalt  }
0x45: {  	_ =	shalt  }
0x46: {  	_ =	shalt  }
0x47: {  	_ =	shalt  }
0x48: {  	_ =	shalt  }
0x49: {  	_ =	shalt  }
0x4a: {  	_ =	shalt  }
0x4b: {  	_ =	shalt  }
0x4c: {  	_ =	shalt  }
0x4d: {  	_ =	shalt  }
0x4e: {  	_ =	shalt  }
0x4f: {  	_ =	shalt  }
0x50: {  	_ =	shalt  }
0x51: {  	_ =	shalt  }
0x52: {  	_ =	shalt  }
0x53: {  	_ =	shalt  }
0x54: {  	_ =	shalt  }
0x55: {  	_ =	shalt  }
0x56: {  	_ =	shalt  }
0x57: {  	_ =	shalt  }
0x58: {  	_ =	shalt  }
0x59: {  	_ =	shalt  }
0x5a: {  	_ =	shalt  }
0x5b: {  	_ =	shalt  }
0x5c: {  	_ =	shalt  }
0x5d: {  	_ =	shalt  }
0x5e: {  	_ =	shalt  }
0x5f: {  	_ =	shalt  }
0x60: {  	_ =	shalt  }
0x61: {  	_ =	shalt  }
0x62: {  	_ =	shalt  }
0x63: {  	_ =	shalt  }
0x64: {  	_ =	shalt  }
0x65: {  	_ =	shalt  }
0x66: {  	_ =	shalt  }
0x67: {  	_ =	shalt  }
0x68: {  	_ =	shalt  }
0x69: {  	_ =	shalt  }
0x6a: {  	_ =	shalt  }
0x6b: {  	_ =	shalt  }
0x6c: {  	_ =	shalt  }
0x6d: {  	_ =	shalt  }
0x6e: {  	_ =	shalt  }
0x6f: {  	_ =	shalt  }
0x70: {  	_ =	shalt  }
0x71: {  	_ =	shalt  }
0x72: {  	_ =	shalt  }
0x73: {  	_ =	shalt  }
0x74: {  	_ =	shalt  }
0x75: {  	_ =	shalt  }
0x76: {  	_ =	shalt  }
0x77: {  	_ =	shalt  }
0x78: {  	_ =	shalt  }
0x79: {  	_ =	shalt  }
0x7a: {  	_ =	shalt  }
0x7b: {  	_ =	shalt  }
0x7c: {  	_ =	shalt  }
0x7d: {  	_ =	shalt  }
0x7e: {  	_ =	shalt  }
0x7f: {  	_ =	shalt  }
0x80: {  	_ =	shalt  }
0x81: {  	_ =	shalt  }
0x82: {  	_ =	shalt  }
0x83: {  	_ =	shalt  }
0x84: {  	_ =	shalt  }
0x85: {  	_ =	shalt  }
0x86: {  	_ =	shalt  }
0x87: {  	_ =	shalt  }
.Lfunc_end0:
.L_simem_size_0:
called_computation.1_lowered:
.L_overlay_start_0:
0x88: {  	s2 =	sld [smem:$0x3FD9]  }
0x89: {  	s3 =	sld [smem:$0x3FFE];
	_ =	sdelay $0x1  }
0x8a: {  	s1 =	srdreg.scid  }
0x8b: {  	s0 =	sand.u32 $0x1, s1  }
0x8c: {  	s17 =	sshll.u32 s0, $0xA;
	s2 =	sadd.s32 s3, s2  }
0x8d: {  	s2 =	sadd.s32 s2, s17  }
0x8e: {  	[smem:$0x3FC0] =	sst s2  }
0x8f: {  	_ = 	snop  }
0x90: {  	s2 =	sld [smem:$0x3FC9];
	(tm) =	ssettm $0x1  }
0x91: {  	s18 =	sld [smem:$0x3FFB];
	_ =	sdelay $0x3  }
0x92: {  	_ =	strace s18  }
0x93: {  	s3 =	sld [smem:$0x3FFC];
	_ =	sdelay $0x3  }
0x94: {  	_ =	strace s3  }
0x95: {  	s3 =	sld [smem:$0x3FFD];
	_ =	sdelay $0x3  }
0x96: {  	_ =	strace s3  }
0x97: {  	_ =	strace $0x8FFFFFFF  }
0x98: {  	s19 =	sld [smem:$0x3FDB];
	_ =	sdelay $0x1  }
0x99: {  	s4 =	simm.s32 $_scs_section_size  }
0x9a: {  	s5 =	simm.s32 $_size__tile_overlayer_lowered;
	s6 =	simm.s32 $_tile_overlayer_lowered  }
0x9b: {  	s22 =	simm.s32 $0x1BFF;
	s21 =	sshll.u32 s6, $0x1;
	s3 =	sadd.s32 s4, s19  }
0x9c: {  	s7 =	simm.s32 $0x0;
	s20 =	sshll.u32 s5, $0x1;
	s5 =	sadd.s32 s21, s3  }
0x9d: {  	[timem:s7], [sflag:s22] =	dma.local [hbm:s5], s20  }
0x9e: {  	_ =	swait.ge [sflag:s22], s20  }
0x9f: {  	s4 =	ssub.s32 $0x0, s20;
	[sflag:s22] =	ssyncset.done $0x0  }
0xa0: {  	[sflag:s22] =	ssyncadd.s32 s4;
	_ =	sdelay $0x1  }
0xa1: {  	s23 =	simm.s32 $0x1B8B  }
0xa2: {  	_ =	swait.ge [sflag:s23], $0x1  }
0xa3: {  	[sflag:s23] =	ssyncset.done $0x0  }
0xa4: {  	s25 =	simm.s32 $0x1B8E;
	s24 =	sld [smem:$0x3FFE];
	[sflag:s23] =	ssyncadd.s32 $0xFFFFFFFF  }
0xa5: {  	s26 =	simm.s32 $execute0_lowered;
	[smem:$0x3FD2] =	sst s25  }
0xa6: {  	s5 =	sshll.u32 s26, $0x1;
	_ =	strace $0x80000046;
	[dreg:$0x1] =	wrdreg $0xFFFFFFFF  }
0xa7: {  	s28 =	simm.s32 $_size_execute0_lowered;
	s3 =	sadd.s32 s3, s5;
	[dreg:$0x0] =	wrdreg $0x0  }
0xa8: {  	s5 =	sshll.u32 s28, $0x1;
	[dreg:$0x2] =	wrdreg s3  }
0xa9: {  	[dreg:$0x3] =	wrdreg s5  }
0xaa: {  	[dreg:$0x4] =	wrdreg $0xC0  }
0xab: {  	_ =	task [dreg:s7], $0x5FFFF  }
0xac: {  	[dreg:$0x1] =	wrdreg $0xFFFFFFFF  }
0xad: {  	[dreg:$0x0] =	wrdreg $0x60  }
0xae: {  	[dreg:$0x2] =	wrdreg s2  }
0xaf: {  	[dreg:$0x3] =	wrdreg s24  }
0xb0: {  	[dreg:$0x4] =	wrdreg $0x0  }
0xb1: {  	[dreg:$0x5] =	wrdreg $0xA  }
0xb2: {  	_ =	task.clear_ibuf [dreg:s7], $0x6FFFF;
	_ =	strace $0x90000046  }
0xb3: {  	s29 =	simm.s32 $0xA;
	_ =	strace $0x80000048  }
0xb4: {  	_ =	swait.ge [sflag:s29], $0x1  }
0xb5: {  	[sflag:s29] =	ssyncadd.s32 $0xFFFFFFFF  }
0xb6: {  	_ =	strace $0x90000048  }
0xb7: {  	_ =	sfence  }
0xb8: {  	s30 =	sld [smem:$0x0];
	_ =	sdelay $0x2  }
0xb9: {  	s31 =	sshll.u32 s1, $0xD;
	s1 =	sshrl.u32 s1, $0x2  }
0xba: {  	s3 =	sand.u32 $0x4000, s31;
	s1 =	sadd.s32 s1, s30  }
0xbb: {  	s0 =	sor.u32 s3, s0;
	s1 =	sshll.u32 s1, $0x11  }
0xbc: {  	s0 =	sor.u32 s1, s0  }
0xbd: {  	s0 =	sadd.s32 $0x8F2B, s0  }
0xbe: {  	[sflag:s0] =	ssyncadd.remote.s32 $0x1  }
0xbf: {  	_ =	sfence.sel $0xFFFF  }
0xc0: {  	[dreg:$0x0] =	wrdreg $0xFFFFFFFF;
	(pc) =	sbr.abs _section_cstart, $3  }
0xc1: {  	[dreg:$0x1] =	wrdreg $0xFFFFFFFF  }
0xc2: {  	_ =	task.clear_ibuf [dreg:s7], $0x2FFFF;
	_ =	strace $0x9FFFFFFF  }
0xc3: {  	(tm) =	ssettm $0x7FFFFFFF  }
tec
execute0_lowered:
.L_overlay_start_1:
0x0: {  	(tag) =	ssettag $0x1  }
0x1: {  	s1 =	rddreg [dreg:$0x0]  }
0x2: {  	s0 =	rddreg [dreg:$0x1]  }
0x3: {  	s2 =	rddreg [dreg:$0x2]  }
0x4: {  	s4 =	simm.s32 $0x0;
	s14 =	stileid.u32;
	s3 =	srdreg.scid  }
0x5: {  	[smem:$0x7FF] =	sst s4;
	s5 =	sadd.s32 $0xBE00, s0;
	s7 =	smul.u32 $0x4E000, s14  }
0x6: {  	s6 =	sadd.s32 $0x2000, s0;
	s0 =	sadd.s32 $0x15C00, s0;
	s30 =	smul.u32 $0x13800, s14  }
0x7: {  	s3 =	sand.u32 $0x1, s3;
	s9 =	sshll.u32 s14, $0x1;
	s13 =	smul.u32 $0x4E20, s14  }
0x8: {  	p0 =	sne.s32 s14, $0xF;
	s14 =	simm.s32 $0x50;
	_ =	strace $0x80000047  }
0x9: {  	s8 =	ssub.s32 $0x2, s3;
	s9 =	sor.u32 s3, s9;
	s28 =	smul.u32 $0x138800, s3  }
0xa: {  	s3 =	smul.u32 $0x2710, s3;
	s7 =	sshrl.u32 s7, $0x2;
	s10 =	sshrl.u32 s8, $0x1  }
0xb: {  	s9 =	smul.u32 $0x2710, s9;
	s7 =	sadd.s32 s7, s2;
	s8 =	ssub.s32 s8, s10  }
0xc: {  	s17 =	sadd.s32 s30, s28;
	s10 =	sshrl.u32 s28, $0x3;
	s22 =	sadd.s32 $0x1800, s7  }
0xd: {  	s3 =	sadd.s32 s3, s13;
	s23 =	sadd.s32 $0x3000, s7;
	[dreg:$0x4] =	wrdreg s22  }
0xe: {  	s13 =	simm.s32 $0x3;
	s24 =	sadd.s32 $0x4800, s7;
	[dreg:$0x5] =	wrdreg s23  }
0xf: {  	s25 =	sadd.s32 $0x6000, s7;
	s26 =	sadd.s32 $0x7800, s7;
	[dreg:$0x6] =	wrdreg s24  }
0x10: {  	s9 =	sshrl.u32 s9, $0x3;
	s11 =	sadd.s32 $0x9000, s7;
	[dreg:$0x7] =	wrdreg s25  }
0x11: {  	s10 =	sadd.s32 s0, s10;
	s18 =	sadd.s32 $0x1E0, s3;
	[dreg:$0x8] =	wrdreg s26  }
0x12: {  	s8 =	smax.u32 s8, $0x1;
	s21 =	sadd.s32 $0x140, s3;
	[dreg:$0x9] =	wrdreg s11  }
0x13: {  	s28 =	sadd.s32 $0xF000, s7;
	s30 =	sadd.s32 $0x12000, s7;
	[dreg:$0x12] =	wrdreg s8  }
0x14: {  	s29 =	sadd.s32 s5, s9;
	s12 =	sadd.s32 s6, s9;
	[dreg:$0x13] =	wrdreg s21  }
0x15: {  	s31 =	sadd.s32 $0x14, s9;
	s9 =	sadd.s32 $0x4D8, s9;
	[dreg:$0x17] =	wrdreg s28  }
0x16: {  	s19 =	sadd.s32 $0x27000, s10;
	s20 =	sshrl.u32 s18, $0x3;
	[dreg:$0x19] =	wrdreg s30  }
0x17: {  	s22 =	sadd.s32 $0xA800, s7;
	s25 =	sadd.s32 $0xC000, s7;
	[dreg:$0xa] =	wrdreg s29  }
0x18: {  	s26 =	sadd.s32 $0xD800, s7;
	s8 =	simm.s32 $0x18D80;
	[dreg:$0xb] =	wrdreg s12  }
0x19: {  	s10 =	simm.s32 $0x13880;
	s11 =	simm.s32 $0x13980;
	[dreg:$0x11] =	wrdreg s19  }
0x1a: {  	s18 =	simm.s32 $0x1;
	s21 =	simm.s32 $0x13D00;
	[dreg:$0x14] =	wrdreg s22  }
0x1b: {  	s15 =	sadd.s32 s5, s31;
	s12 =	sadd.s32 s6, s31;
	[dreg:$0x15] =	wrdreg s25  }
0x1c: {  	s16 =	sadd.s32 s5, s9;
	s9 =	sadd.s32 s6, s9;
	[dreg:$0x16] =	wrdreg s26  }
0x1d: {  	s23 =	sadd.s32 s20, s6;
	s24 =	sadd.s32 s20, s5;
	[dreg:$0xc] =	wrdreg s15  }
0x1e: {  	s29 =	sadd.s32 $0x10800, s7;
	s31 =	sadd.s32 $0x138000, s2;
	[dreg:$0xd] =	wrdreg s12  }
0x1f: {  	s19 =	simm.s32 $0x13C80;
	s20 =	simm.s32 $0x2;
	[dreg:$0xe] =	wrdreg s16  }
.Ltmp0:
0x20: {  	s22 =	simm.s32 $0x4;
	[dreg:$0xf] =	wrdreg s9;
	(pc) =	sbr.rel .LBB2_1-.Ltmp0, $4  }
0x21: {  	s26 =	simm.s32 $0x139D0;
	s25 =	simm.s32 $0x0;
	[dreg:$0x18] =	wrdreg s29  }
0x22: {  	s9 =	sshrl.u32 s17, $0x3;
	[dreg:$0x1a] =	wrdreg s31;
	s12 =	simm.s32 $0x13B80  }
0x23: {  	s15 =	simm.s32 $0x13D80;
	s16 =	simm.s32 $0x138D0;
	s0 =	sadd.s32 s0, s9  }
0x24: {  	v0 =	vimm.f32 $0.0e+00;
	s17 =	simm.s32 $0x16580;
	s9 =	simm.s32 $0x5;
	[dreg:$0x10] =	wrdreg s0  }
.LBB2_6:
0x25: {  	s0 =	rddreg [dreg:$0xe]  }
0x26: {  	[tilespmem:s10], [sflag:$0x5] =	stream.linear.gather [hbm4b:s0+s4], $0x50, $0x38;
	[tilespmem:$0x1A580] =	vst v63  }
0x27: {  	_ =	swait.ge [sflag:s9], $0x50  }
0x28: {  	[sflag:s9] =	ssyncset.done $0x0  }
0x29: {  	s29 =	rddreg [dreg:$0xf];
	[sflag:s9] =	ssyncadd.s32 $0xFFFFFFB0  }
0x2a: {  	[tilespmem:s19], [sflag:$0x5] =	stream.linear.gather [hbm4b:s29+s4], $0x50, $0x38;
	[tilespmem:$0x1A580] =	vst v63  }
0x2b: {  	_ =	swait.ge [sflag:s9], $0x50  }
0x2c: {  	[sflag:s9] =	ssyncset.done $0x0  }
0x2d: {  	[sflag:s9] =	ssyncadd.s32 $0xFFFFFFB0  }
0x2e: {  	[tilespmem:s15], [sflag:$0x1] =	stream.indirect.gather [hbm4b:s1+s14], $0x80, s10, s14, $0xb8;
	[tilespmem:$0x1A580] =	vst v63  }
0x2f: {  	_ =	swait.ge [sflag:s18], $0x2800  }
0x30: {  	[sflag:s18] =	ssyncset.done $0x0  }
0x31: {  	[sflag:s18] =	ssyncadd.s32 $0xFFFFD800  }
0x32: {  	[spmem:s2] =	stream.indirect.scatter.add.f32 [tilespmem:s15], [sflag:$0x5], $0x80, s19, s14, $0xb8;
	[tilespmem:$0x1A580] =	vst v63  }
0x33: {  	_ =	swait.ge [sflag:s9], $0x2800  }
0x34: {  	[sflag:s9] =	ssyncset.done $0x0  }
0x35: {  	s30 =	stileid.u32;
	[sflag:s9] =	ssyncadd.s32 $0xFFFFD800  }
0x36: {  	s0 =	sshll.u32 s30, $0x6;
	[bflag:$0x0] =	sbarrier.arrive $0xFFFF  }
0x37: {  	s3 =	sshrl.u32 s7, $0x3;
	s0 =	sor.u32 $0x1C05, s0;
	s28 =	rddreg [dreg:$0x10]  }
0x38: {  	[hbm:s28], [sflag:s0] =	dma.local [spmem:s3], $0x2700  }
0x39: {  	_ =	swait.ge [sflag:s9], $0x2700  }
0x3a: {  	[sflag:s9] =	ssyncset.done $0x0;
	s3 =	rddreg [dreg:$0x1a]  }
0x3b: {  	s28 =	rddreg [dreg:$0x11];
	[sflag:s9] =	ssyncadd.s32 $0xFFFFD900;
	s3 =	sshrl.u32 @!p0 s3, $0x3  }
0x3c: {  	[hbm:s28], [sflag:s0] =	dma.local @!p0 [spmem:s3], $0x100  }
0x3d: {  	s0 =	simm.s32 @!p0 $0x5  }
0x3e: {  	_ =	swait.ge @!p0 [sflag:s0], $0x100  }
0x3f: {  	s25 =	sadd.s32 $0x1, s25;
	s31 =	rddreg [dreg:$0x12]  }
0x40: {  	p1 =	sne.s32 s25, s31  }
.Ltmp1:
0x41: {  	_ = 	snop;
	(pc) =	sbr.rel @!p1 .LBB2_7-.Ltmp1, $3  }
0x42: {  	_ =	sdelay $0x1  }
0x43: {  	[sflag:s0] =	ssyncset.done @!p0 $0x0  }
0x44: {  	[sflag:s0] =	ssyncadd.s32 @!p0 $0xFFFFFF00  }
.LBB2_1:
0x45: {  	s28 =	sand.u32 $0x7E00, s4  }
0x46: {  	s29 =	sand.u32 $0x70, s4;
	s30 =	sshrl.u32 s28, $0x2  }
0x47: {  	s28 =	simm.s32 $0x40;
	s30 =	sor.u32 s29, s30;
	s29 =	simm.s32 $0x0  }
.LBB2_2:
0x48: {  	p1 =	sne.s32 s28, $0x5FC0  }
0x49: {  	[tilespmem:s30+$0x18D80] =	vst v0;
	s29 =	sadd.s32 $0x10, s29;
	s30 =	smov.u32 s28;
	s28 =	sadd.s32 $0x40, s28  }
.Ltmp2:
0x4a: {  	(pc) =	sbr.rel @p1 .LBB2_2-.Ltmp2, $4  }
0x4b: {  	_ = 	snop  }
0x4c: {  	s30 =	sand.u32 $0x7E00, s30  }
0x4d: {  	s31 =	sand.u32 $0x70, s29;
	s30 =	sshrl.u32 s30, $0x2  }
0x4e: {  	s30 =	sor.u32 s31, s30  }
0x4f: {  	[tilespmem:s30+$0x18D80] =	vst v0  }
0x50: {  	[spmem:s7] =	stream.linear.scatter [tilespmem:s8], [sflag:$0x5], $0x1800, $0x38;
	[tilespmem:$0x1A580] =	vst v63  }
0x51: {  	_ =	swait.ge [sflag:s9], $0x1800  }
0x52: {  	[sflag:s9] =	ssyncset.done $0x0  }
0x53: {  	s0 =	rddreg [dreg:$0x4];
	[sflag:s9] =	ssyncadd.s32 $0xFFFFE800  }
0x54: {  	[spmem:s0] =	stream.linear.scatter [tilespmem:s8], [sflag:$0x5], $0x1800, $0x38;
	[tilespmem:$0x1A580] =	vst v63  }
0x55: {  	_ =	swait.ge [sflag:s9], $0x1800  }
0x56: {  	[sflag:s9] =	ssyncset.done $0x0  }
0x57: {  	s31 =	rddreg [dreg:$0x5];
	[sflag:s9] =	ssyncadd.s32 $0xFFFFE800  }
0x58: {  	[spmem:s31] =	stream.linear.scatter [tilespmem:s8], [sflag:$0x5], $0x1800, $0x38;
	[tilespmem:$0x1A580] =	vst v63  }
0x59: {  	_ =	swait.ge [sflag:s9], $0x1800  }
0x5a: {  	[sflag:s9] =	ssyncset.done $0x0  }
0x5b: {  	s3 =	rddreg [dreg:$0x6];
	[sflag:s9] =	ssyncadd.s32 $0xFFFFE800  }
0x5c: {  	[spmem:s3] =	stream.linear.scatter [tilespmem:s8], [sflag:$0x5], $0x1800, $0x38;
	[tilespmem:$0x1A580] =	vst v63  }
0x5d: {  	_ =	swait.ge [sflag:s9], $0x1800  }
0x5e: {  	[sflag:s9] =	ssyncset.done $0x0  }
0x5f: {  	s30 =	rddreg [dreg:$0x7];
	[sflag:s9] =	ssyncadd.s32 $0xFFFFE800  }
0x60: {  	[spmem:s30] =	stream.linear.scatter [tilespmem:s8], [sflag:$0x5], $0x1800, $0x38;
	[tilespmem:$0x1A580] =	vst v63  }
0x61: {  	_ =	swait.ge [sflag:s9], $0x1800  }
0x62: {  	[sflag:s9] =	ssyncset.done $0x0  }
0x63: {  	s31 =	rddreg [dreg:$0x8];
	[sflag:s9] =	ssyncadd.s32 $0xFFFFE800  }
0x64: {  	[spmem:s31] =	stream.linear.scatter [tilespmem:s8], [sflag:$0x5], $0x1800, $0x38;
	[tilespmem:$0x1A580] =	vst v63  }
0x65: {  	_ =	swait.ge [sflag:s9], $0x1800  }
0x66: {  	[sflag:s9] =	ssyncset.done $0x0  }
0x67: {  	s3 =	rddreg [dreg:$0x9];
	[sflag:s9] =	ssyncadd.s32 $0xFFFFE800  }
0x68: {  	[spmem:s3] =	stream.linear.scatter [tilespmem:s8], [sflag:$0x5], $0x1800, $0x38;
	[tilespmem:$0x1A580] =	vst v63  }
0x69: {  	_ =	swait.ge [sflag:s9], $0x1800  }
0x6a: {  	[sflag:s9] =	ssyncset.done $0x0  }
0x6b: {  	s30 =	rddreg [dreg:$0x14];
	[sflag:s9] =	ssyncadd.s32 $0xFFFFE800  }
0x6c: {  	[spmem:s30] =	stream.linear.scatter [tilespmem:s8], [sflag:$0x5], $0x1800, $0x38;
	[tilespmem:$0x1A580] =	vst v63  }
0x6d: {  	_ =	swait.ge [sflag:s9], $0x1800  }
0x6e: {  	[sflag:s9] =	ssyncset.done $0x0  }
0x6f: {  	s31 =	rddreg [dreg:$0x15];
	[sflag:s9] =	ssyncadd.s32 $0xFFFFE800  }
0x70: {  	[spmem:s31] =	stream.linear.scatter [tilespmem:s8], [sflag:$0x5], $0x1800, $0x38;
	[tilespmem:$0x1A580] =	vst v63  }
0x71: {  	_ =	swait.ge [sflag:s9], $0x1800  }
0x72: {  	[sflag:s9] =	ssyncset.done $0x0  }
0x73: {  	s3 =	rddreg [dreg:$0x16];
	[sflag:s9] =	ssyncadd.s32 $0xFFFFE800  }
0x74: {  	[spmem:s3] =	stream.linear.scatter [tilespmem:s8], [sflag:$0x5], $0x1800, $0x38;
	[tilespmem:$0x1A580] =	vst v63  }
0x75: {  	_ =	swait.ge [sflag:s9], $0x1800  }
0x76: {  	[sflag:s9] =	ssyncset.done $0x0  }
0x77: {  	s30 =	rddreg [dreg:$0x17];
	[sflag:s9] =	ssyncadd.s32 $0xFFFFE800  }
0x78: {  	[spmem:s30] =	stream.linear.scatter [tilespmem:s8], [sflag:$0x5], $0x1800, $0x38;
	[tilespmem:$0x1A580] =	vst v63  }
0x79: {  	_ =	swait.ge [sflag:s9], $0x1800  }
0x7a: {  	[sflag:s9] =	ssyncset.done $0x0  }
0x7b: {  	s31 =	rddreg [dreg:$0x18];
	[sflag:s9] =	ssyncadd.s32 $0xFFFFE800  }
0x7c: {  	[spmem:s31] =	stream.linear.scatter [tilespmem:s8], [sflag:$0x5], $0x1800, $0x38;
	[tilespmem:$0x1A580] =	vst v63  }
0x7d: {  	_ =	swait.ge [sflag:s9], $0x1800  }
0x7e: {  	[sflag:s9] =	ssyncset.done $0x0  }
0x7f: {  	s3 =	rddreg [dreg:$0x19];
	[sflag:s9] =	ssyncadd.s32 $0xFFFFE800  }
0x80: {  	[spmem:s3] =	stream.linear.scatter [tilespmem:s8], [sflag:$0x5], $0x1800, $0x38;
	[tilespmem:$0x1A580] =	vst v63  }
0x81: {  	_ =	swait.ge [sflag:s9], $0x1800  }
0x82: {  	[sflag:s9] =	ssyncset.done $0x0  }
0x83: {  	s28 =	simm.s32 @!p0 $0x18D80;
	s0 =	rddreg [dreg:$0x1a];
	[sflag:s9] =	ssyncadd.s32 $0xFFFFE800  }
0x84: {  	[spmem:s0] =	stream.linear.scatter @!p0 [tilespmem:s28], [sflag:$0x5], $0x800, $0x38;
	[tilespmem:$0x1A580] =	vst v63  }
0x85: {  	s28 =	simm.s32 @!p0 $0x5  }
0x86: {  	_ =	swait.ge @!p0 [sflag:s28], $0x800  }
0x87: {  	[sflag:s28] =	ssyncset.done @!p0 $0x0  }
0x88: {  	[sflag:s28] =	ssyncadd.s32 @!p0 $0xFFFFF800  }
0x89: {  	[bflag:$0x0] =	sbarrier.arrive $0xFFFF  }
0x8a: {  	s30 =	rddreg [dreg:$0xa]  }
0x8b: {  	s28 =	simm.s32 $0x0;
	s31 =	rddreg [dreg:$0xb]  }
0x8c: {  	[tilespmem:s10], [sflag:$0x3] =	stream.linear.gather [hbm4b:s30+s28], $0xA0, $0x38;
	[tilespmem:$0x1A580] =	vst v63  }
0x8d: {  	s3 =	simm.s32 $0x13A80;
	s29 =	rddreg [dreg:$0x13]  }
0x8e: {  	[tilespmem:s3], [sflag:$0x3] =	stream.linear.gather [hbm4b:s31+s28], $0xA0, $0x38;
	[tilespmem:$0x1A580] =	vst v63  }
0x8f: {  	s30 =	rddreg [dreg:$0xc]  }
0x90: {  	[tilespmem:s11], [sflag:$0x4] =	stream.linear.gather [hbm4b:s30+s28], $0xA0, $0x38;
	[tilespmem:$0x1A580] =	vst v63  }
0x91: {  	s31 =	rddreg [dreg:$0xd]  }
0x92: {  	[tilespmem:s12], [sflag:$0x4] =	stream.linear.gather [hbm4b:s31+s28], $0xA0, $0x38;
	[tilespmem:$0x1A580] =	vst v63  }
.LBB2_4:
0x93: {  	_ =	swait.ge [sflag:s13], $0xA0  }
0x94: {  	[sflag:s13] =	ssyncset.done $0x0  }
0x95: {  	[sflag:s13] =	ssyncadd.s32 $0xFFFFFF60  }
0x96: {  	_ =	swait.ge [sflag:s13], $0xA0  }
0x97: {  	[sflag:s13] =	ssyncset.done $0x0  }
0x98: {  	[sflag:s13] =	ssyncadd.s32 $0xFFFFFF60  }
0x99: {  	[tilespmem:s15], [sflag:$0x1] =	stream.indirect.gather [hbm4b:s1+s14], $0x80, s10, s14, $0xb8;
	[tilespmem:$0x1A580] =	vst v63  }
0x9a: {  	v1 =	vld [tilespmem:$0x13A80]  }
0x9b: {  	v2 =	vld [tilespmem:$0x13A90]  }
0x9c: {  	v3 =	vld [tilespmem:$0x13AA0]  }
0x9d: {  	v4 =	vld [tilespmem:$0x13AB0]  }
0x9e: {  	v5 =	vld [tilespmem:$0x13AC0]  }
0x9f: {  	[tilespmem:$0x13C80] =	vst v1  }
0xa0: {  	[tilespmem:$0x13C90] =	vst v2  }
0xa1: {  	[tilespmem:$0x13CA0] =	vst v3  }
0xa2: {  	[tilespmem:$0x13CB0] =	vst v4  }
0xa3: {  	[tilespmem:$0x13CC0] =	vst v5  }
0xa4: {  	[tilespmem:s17], [sflag:$0x2] =	stream.indirect.gather [hbm4b:s1+s14], $0x80, s16, s14, $0xb8;
	[tilespmem:$0x1A580] =	vst v63  }
0xa5: {  	v1 =	vld [tilespmem:$0x13AD0]  }
0xa6: {  	v2 =	vld [tilespmem:$0x13AE0]  }
0xa7: {  	v3 =	vld [tilespmem:$0x13AF0]  }
0xa8: {  	v58 =	vld [tilespmem:$0x13B00]  }
0xa9: {  	v59 =	vld [tilespmem:$0x13B10]  }
0xaa: {  	[tilespmem:$0x13D00] =	vst v1  }
0xab: {  	[tilespmem:$0x13D10] =	vst v2  }
0xac: {  	[tilespmem:$0x13D20] =	vst v3  }
0xad: {  	[tilespmem:$0x13D30] =	vst v58  }
0xae: {  	[tilespmem:$0x13D40] =	vst v59  }
0xaf: {  	_ =	swait.ge [sflag:s18], $0x2800  }
0xb0: {  	[sflag:s18] =	ssyncset.done $0x0  }
0xb1: {  	[sflag:s18] =	ssyncadd.s32 $0xFFFFD800  }
0xb2: {  	[spmem:s2] =	stream.indirect.scatter.add.f32 [tilespmem:s15], [sflag:$0x5], $0x80, s19, s14, $0xb8;
	[tilespmem:$0x1A580] =	vst v63  }
0xb3: {  	_ =	swait.ge [sflag:s9], $0x2800  }
0xb4: {  	[sflag:s9] =	ssyncset.done $0x0  }
0xb5: {  	[sflag:s9] =	ssyncadd.s32 $0xFFFFD800  }
0xb6: {  	_ =	swait.ge [sflag:s20], $0x2800  }
0xb7: {  	[sflag:s20] =	ssyncset.done $0x0  }
0xb8: {  	[sflag:s20] =	ssyncadd.s32 $0xFFFFD800  }
0xb9: {  	[spmem:s2] =	stream.indirect.scatter.add.f32 [tilespmem:s17], [sflag:$0x5], $0x80, s21, s14, $0xb8;
	[tilespmem:$0x1A580] =	vst v63  }
0xba: {  	p1 =	seq.s32 s28, $0x4B0;
	_ =	swait.ge [sflag:s9], $0x2800  }
0xbb: {  	s30 =	sshrl.u32 @!p1 s29, $0x3;
	s0 =	simm.s32 @!p1 $0x0;
	[sflag:s9] =	ssyncset.done $0x0  }
0xbc: {  	s3 =	simm.s32 @!p1 $0x13880;
	s31 =	sadd.s32 @!p1 s5, s30;
	[sflag:s9] =	ssyncadd.s32 $0xFFFFD800  }
0xbd: {  	[tilespmem:s3], [sflag:$0x3] =	stream.linear.gather @!p1 [hbm4b:s31+s0], $0xA0, $0x38;
	[tilespmem:$0x1A580] =	vst v63  }
0xbe: {  	s3 =	sadd.s32 @!p1 s6, s30;
	s30 =	simm.s32 @!p1 $0x13A80  }
0xbf: {  	[tilespmem:s30], [sflag:$0x3] =	stream.linear.gather @!p1 [hbm4b:s3+s0], $0xA0, $0x38;
	[tilespmem:$0x1A580] =	vst v63  }
0xc0: {  	_ =	swait.ge [sflag:s22], $0xA0  }
0xc1: {  	[sflag:s22] =	ssyncset.done $0x0  }
0xc2: {  	[sflag:s22] =	ssyncadd.s32 $0xFFFFFF60  }
0xc3: {  	_ =	swait.ge [sflag:s22], $0xA0  }
0xc4: {  	[sflag:s22] =	ssyncset.done $0x0  }
0xc5: {  	[sflag:s22] =	ssyncadd.s32 $0xFFFFFF60  }
0xc6: {  	[tilespmem:s15], [sflag:$0x1] =	stream.indirect.gather [hbm4b:s1+s14], $0x80, s11, s14, $0xb8;
	[tilespmem:$0x1A580] =	vst v63  }
0xc7: {  	v1 =	vld [tilespmem:$0x13B80]  }
0xc8: {  	v2 =	vld [tilespmem:$0x13B90]  }
0xc9: {  	v3 =	vld [tilespmem:$0x13BA0]  }
0xca: {  	v60 =	vld [tilespmem:$0x13BB0]  }
0xcb: {  	v61 =	vld [tilespmem:$0x13BC0]  }
0xcc: {  	[tilespmem:$0x13C80] =	vst v1  }
0xcd: {  	[tilespmem:$0x13C90] =	vst v2  }
0xce: {  	[tilespmem:$0x13CA0] =	vst v3  }
0xcf: {  	[tilespmem:$0x13CB0] =	vst v60  }
0xd0: {  	[tilespmem:$0x13CC0] =	vst v61  }
0xd1: {  	[tilespmem:s17], [sflag:$0x2] =	stream.indirect.gather [hbm4b:s1+s14], $0x80, s26, s14, $0xb8;
	[tilespmem:$0x1A580] =	vst v63  }
0xd2: {  	v1 =	vld [tilespmem:$0x13BD0]  }
0xd3: {  	v2 =	vld [tilespmem:$0x13BE0]  }
0xd4: {  	v3 =	vld [tilespmem:$0x13BF0]  }
0xd5: {  	v62 =	vld [tilespmem:$0x13C00]  }
0xd6: {  	v63 =	vld [tilespmem:$0x13C10]  }
0xd7: {  	[tilespmem:$0x13D00] =	vst v1  }
0xd8: {  	[tilespmem:$0x13D10] =	vst v2  }
0xd9: {  	[tilespmem:$0x13D20] =	vst v3  }
0xda: {  	[tilespmem:$0x13D30] =	vst v62  }
0xdb: {  	[tilespmem:$0x13D40] =	vst v63  }
0xdc: {  	_ =	swait.ge [sflag:s18], $0x2800  }
0xdd: {  	[sflag:s18] =	ssyncset.done $0x0  }
0xde: {  	[sflag:s18] =	ssyncadd.s32 $0xFFFFD800  }
0xdf: {  	[spmem:s2] =	stream.indirect.scatter.add.f32 [tilespmem:s15], [sflag:$0x5], $0x80, s19, s14, $0xb8;
	[tilespmem:$0x1A580] =	vst v63  }
0xe0: {  	_ =	swait.ge [sflag:s9], $0x2800  }
0xe1: {  	[sflag:s9] =	ssyncset.done $0x0  }
0xe2: {  	[sflag:s9] =	ssyncadd.s32 $0xFFFFD800  }
0xe3: {  	_ =	swait.ge [sflag:s20], $0x2800  }
0xe4: {  	[sflag:s20] =	ssyncset.done $0x0  }
.Ltmp3:
0xe5: {  	[sflag:s20] =	ssyncadd.s32 $0xFFFFD800;
	(pc) =	sbr.rel @p1 .LBB2_6-.Ltmp3, $4  }
0xe6: {  	[spmem:s2] =	stream.indirect.scatter.add.f32 [tilespmem:s17], [sflag:$0x5], $0x80, s21, s14, $0xb8;
	[tilespmem:$0x1A580] =	vst v63  }
0xe7: {  	_ =	swait.ge [sflag:s9], $0x2800  }
0xe8: {  	[sflag:s9] =	ssyncset.done $0x0  }
0xe9: {  	[sflag:s9] =	ssyncadd.s32 $0xFFFFD800  }
.Ltmp4:
0xea: {  	(pc) =	sbr.rel .LBB2_4-.Ltmp4, $4  }
0xeb: {  	s0 =	sadd.s32 s28, s24  }
0xec: {  	[tilespmem:s11], [sflag:$0x4] =	stream.linear.gather [hbm4b:s0+s4], $0xA0, $0x38;
	[tilespmem:$0x1A580] =	vst v63  }
0xed: {  	s31 =	sadd.s32 s28, s23;
	s28 =	sadd.s32 $0x28, s28;
	s29 =	sadd.s32 $0x140, s29  }
0xee: {  	[tilespmem:s12], [sflag:$0x4] =	stream.linear.gather [hbm4b:s31+s4], $0xA0, $0x38;
	[tilespmem:$0x1A580] =	vst v63  }
.LBB2_7:
0xef: {  	_ =	sfence.sel $0x180000  }
0xf0: {  	[bflag:$0x0] =	sbarrier.arrive $0xFFFF  }
0xf1: {  	_ =	strace $0x90000047  }
0xf2: {  	s0 =	stileid.u32;
	[bflag:$0x2] =	sbarrier.arrive $0xFFFF  }
0xf3: {  	p0 =	sne.s32 s0, $0x0;
	s0 =	rddreg [dreg:$0x3]  }
0xf4: {  	s0 =	sadd.s32 @!p0 $0x100000, s0  }
0xf5: {  	[sflag:s0] =	ssyncadd.tile.s32 @!p0 $0x1;
	_ =	shalt  }
.Lfunc_end2:
_tile_overlayer_lowered:
.L_overlay_start_2:
0xf6: {  	(tag) =	ssettag $0x2  }
0xf7: {  	s0 =	rddreg [dreg:$0x0];
	s2 =	stileid.u32  }
0xf8: {  	s1 =	rddreg [dreg:$0x1];
	p0 =	sne.s32 s2, $0x0  }
0xf9: {  	s3 =	rddreg [dreg:$0x2];
	[bflag:$0x3] =	sbarrier.arrive $0xFFFF;
	s2 =	simm.s32 @!p0 $0x1C05  }
0xfa: {  	[timem:s3], [sflag:s2] =	dma.local @!p0 [hbm:s0], s1  }
0xfb: {  	s0 =	simm.s32 @!p0 $0x5  }
0xfc: {  	_ =	swait.ge @!p0 [sflag:s0], s1  }
0xfd: {  	s1 =	ssub.s32 @!p0 $0x0, s1;
	[sflag:s0] =	ssyncset.done @!p0 $0x0  }
0xfe: {  	[sflag:s0] =	ssyncadd.s32 @!p0 s1  }
0xff: {  	[bflag:$0x3] =	sbarrier.arrive $0xFFFF  }
0x100: {  	_ =	shalt  }

// kernel: kernel.13.cloned.1.call-start
scs
__scs_entry_jumppad:
0x0: {  	(pc) =	sbr.rel $0x88, $3  }
0x1: {  	(tag) =	ssettag $0x0;
	lr =	simm.s32 $0x1  }
0x2: {  	[smem:$0x3F99] =	sst lr;
	_ =	strace $0xD0000000  }
0x3: {  	_ = 	snop  }
0x4: {  	_ = 	snop  }
0x5: {  	_ = 	snop  }
0x6: {  	_ = 	snop  }
0x7: {  	_ = 	snop  }
__scs_overlays_trampoline_lowered:
0x8: {  	[smem:$0x3FA8] =	sst s0  }
0x9: {  	[smem:$0x3FA9] =	sst s1  }
0xa: {  	[smem:$0x3FAA] =	sst s2  }
0xb: {  	[smem:$0x3FAB] =	sst s3  }
0xc: {  	[smem:$0x3FAC] =	sst s4  }
0xd: {  	[smem:$0x3FAD] =	sst s5  }
0xe: {  	[smem:$0x3FAE] =	sst s6  }
0xf: {  	[smem:$0x3FAF] =	sst s7  }
0x10: {  	[smem:$0x3FB0] =	sst s8  }
0x11: {  	[smem:$0x3FB1] =	sst s9;
	s0 =	simm.s32 @!p0 $0x0  }
0x12: {  	s1 =	sld [smem:$0x3F97];
	s0 =	simm.s32 @p0 $0x1  }
0x13: {  	[smem:$0x3FB2] =	sst s0;
	s0 =	simm.s32 @!p1 $0x0  }
0x14: {  	s2 =	sld [smem:$0x3F96];
	s0 =	simm.s32 @p1 $0x1  }
0x15: {  	[smem:$0x3FB3] =	sst s0;
	s0 =	simm.s32 @!p2 $0x0  }
0x16: {  	s3 =	sld [smem:$0x3FDB];
	s0 =	simm.s32 @p2 $0x1  }
0x17: {  	s4 =	simm.s32 $0x1BF5;
	[smem:$0x3FB5] =	sst s0  }
0x18: {  	s0 =	sld [smem:$0x3F98];
	_ =	swait.ge [sflag:s4], $0x0  }
0x19: {  	s7 =	sld [smem:$0x3F99]  }
0x1a: {  	s8 =	sadd.s32 $0xFFFFE003, lr  }
0x1b: {  	s9 =	sadd.s32 $0xFFFFFEF7, lr;
	s5 =	simm.s32 $0xFFFFFFFF;
	p2 =	slt.u32 s8, $0xFFFFF086  }
0x1c: {  	p1 =	slt.u32 s9, $0xF7A;
	s5 =	simm.s32 @!p2 $0x0  }
0x1d: {  	s5 =	simm.s32 @p1 $0x1;
	p0 =	seq.s32 s7, s2  }
0x1e: {  	s7 =	smul.u32 @!p0 $0xF7A, s2;
	p2 =	seq.s32 @!p0 s5, $0x0  }
0x1f: {  	s9 =	smul.u32 $0xF7A, s1;
	s8 =	simm.s32 @!p0 $0x1BF5;
	p2 =	por !p2, p0  }
0x20: {  	[sflag:s8] =	ssyncset.s32 @!p0 $0xFFFFF086;
	s6 =	sadd.s32 @!p0 s3, s7;
	s7 =	simm.s32 @!p0 $0x108  }
0x21: {  	s3 =	sadd.s32 s3, s9;
	s6 =	sadd.s32 @!p0 $0x88, s6;
	s7 =	simm.s32 @p2 $0x1082  }
0x22: {  	[simem:s7], [sflag:s8] =	dma.local @!p0 [hbm:s6], $0xF7A  }
0x23: {  	s9 =	sor.u32 $0xD0000000, s2;
	s6 =	simm.s32 $0x108;
	_ =	swait.ge @!p0 [sflag:s8], $0x0  }
0x24: {  	s3 =	sadd.s32 $0x88, s3;
	s6 =	simm.s32 @!p1 $0x1082;
	[sflag:s4] =	ssyncset.s32 $0xFFFFF086  }
0x25: {  	[simem:s6], [sflag:s4] =	dma.local [hbm:s3], $0xF7A  }
0x26: {  	[smem:$0x3F99] =	sst s1;
	(tag) =	ssettag s2;
	_ =	strace s9  }
0x27: {  	s1 =	sld [smem:$0x3FA9]  }
0x28: {  	s2 =	sld [smem:$0x3FAA]  }
0x29: {  	s4 =	sld [smem:$0x3FAC]  }
0x2a: {  	p0 =	seq.s32 s5, $0x0;
	s5 =	sld [smem:$0x3FAD]  }
0x2b: {  	s6 =	sld [smem:$0x3FAE]  }
0x2c: {  	s7 =	sld [smem:$0x3FAF]  }
0x2d: {  	s3 =	simm.s32 $0x108;
	s8 =	sld [smem:$0x3FB0]  }
0x2e: {  	s3 =	simm.s32 @!p0 $0x1082;
	s9 =	sld [smem:$0x3FB1]  }
0x2f: {  	lr =	sadd.s32 s0, s3;
	s0 =	sld [smem:$0x3FA8]  }
0x30: {  	s3 =	sld [smem:$0x3FAB]  }
0x31: {  	[smem:$0x3FB4] =	sst s10  }
0x32: {  	s10 =	sld [smem:$0x3FB2];
	_ =	sdelay $0x3  }
0x33: {  	p0 =	seq.s32 s10, $0x1;
	s10 =	sld [smem:$0x3FB4];
	_ =	sdelay $0x3  }
0x34: {  	[smem:$0x3FB4] =	sst s10  }
0x35: {  	s10 =	sld [smem:$0x3FB3];
	_ =	sdelay $0x3  }
0x36: {  	p1 =	seq.s32 s10, $0x1;
	s10 =	sld [smem:$0x3FB4];
	_ =	sdelay $0x3  }
0x37: {  	[smem:$0x3FB4] =	sst s10  }
0x38: {  	s10 =	sld [smem:$0x3FB5]  }
0x39: {  	_ = 	snop;
	(pc) =	sbr.ind lr, $3  }
0x3a: {  	_ = 	snop  }
0x3b: {  	_ = 	snop  }
0x3c: {  	p2 =	seq.s32 s10, $0x1;
	s10 =	sld [smem:$0x3FB4]  }
0x3d: {  	_ =	shalt  }
0x3e: {  	_ =	shalt  }
0x3f: {  	_ =	shalt  }
0x40: {  	_ =	shalt  }
0x41: {  	_ =	shalt  }
0x42: {  	_ =	shalt  }
0x43: {  	_ =	shalt  }
0x44: {  	_ =	shalt  }
0x45: {  	_ =	shalt  }
0x46: {  	_ =	shalt  }
0x47: {  	_ =	shalt  }
0x48: {  	_ =	shalt  }
0x49: {  	_ =	shalt  }
0x4a: {  	_ =	shalt  }
0x4b: {  	_ =	shalt  }
0x4c: {  	_ =	shalt  }
0x4d: {  	_ =	shalt  }
0x4e: {  	_ =	shalt  }
0x4f: {  	_ =	shalt  }
0x50: {  	_ =	shalt  }
0x51: {  	_ =	shalt  }
0x52: {  	_ =	shalt  }
0x53: {  	_ =	shalt  }
0x54: {  	_ =	shalt  }
0x55: {  	_ =	shalt  }
0x56: {  	_ =	shalt  }
0x57: {  	_ =	shalt  }
0x58: {  	_ =	shalt  }
0x59: {  	_ =	shalt  }
0x5a: {  	_ =	shalt  }
0x5b: {  	_ =	shalt  }
0x5c: {  	_ =	shalt  }
0x5d: {  	_ =	shalt  }
0x5e: {  	_ =	shalt  }
0x5f: {  	_ =	shalt  }
0x60: {  	_ =	shalt  }
0x61: {  	_ =	shalt  }
0x62: {  	_ =	shalt  }
0x63: {  	_ =	shalt  }
0x64: {  	_ =	shalt  }
0x65: {  	_ =	shalt  }
0x66: {  	_ =	shalt  }
0x67: {  	_ =	shalt  }
0x68: {  	_ =	shalt  }
0x69: {  	_ =	shalt  }
0x6a: {  	_ =	shalt  }
0x6b: {  	_ =	shalt  }
0x6c: {  	_ =	shalt  }
0x6d: {  	_ =	shalt  }
0x6e: {  	_ =	shalt  }
0x6f: {  	_ =	shalt  }
0x70: {  	_ =	shalt  }
0x71: {  	_ =	shalt  }
0x72: {  	_ =	shalt  }
0x73: {  	_ =	shalt  }
0x74: {  	_ =	shalt  }
0x75: {  	_ =	shalt  }
0x76: {  	_ =	shalt  }
0x77: {  	_ =	shalt  }
0x78: {  	_ =	shalt  }
0x79: {  	_ =	shalt  }
0x7a: {  	_ =	shalt  }
0x7b: {  	_ =	shalt  }
0x7c: {  	_ =	shalt  }
0x7d: {  	_ =	shalt  }
0x7e: {  	_ =	shalt  }
0x7f: {  	_ =	shalt  }
0x80: {  	_ =	shalt  }
0x81: {  	_ =	shalt  }
0x82: {  	_ =	shalt  }
0x83: {  	_ =	shalt  }
0x84: {  	_ =	shalt  }
0x85: {  	_ =	shalt  }
0x86: {  	_ =	shalt  }
0x87: {  	_ =	shalt  }
.Lfunc_end0:
.L_simem_size_0:
called_computation.2_lowered:
.L_overlay_start_0:
0x88: {  	s2 =	sld [smem:$0x3FD9]  }
0x89: {  	s3 =	sld [smem:$0x3FFE];
	_ =	sdelay $0x1  }
0x8a: {  	s1 =	srdreg.scid  }
0x8b: {  	s0 =	sand.u32 $0x1, s1  }
0x8c: {  	s17 =	sshll.u32 s0, $0xA;
	s2 =	sadd.s32 s3, s2  }
0x8d: {  	s2 =	sadd.s32 s2, s17  }
0x8e: {  	[smem:$0x3FC0] =	sst s2  }
0x8f: {  	_ = 	snop  }
0x90: {  	s2 =	sld [smem:$0x3FD0];
	(tm) =	ssettm $0x1  }
0x91: {  	s18 =	sld [smem:$0x3FFB];
	_ =	sdelay $0x3  }
0x92: {  	_ =	strace s18  }
0x93: {  	s3 =	sld [smem:$0x3FFC];
	_ =	sdelay $0x3  }
0x94: {  	_ =	strace s3  }
0x95: {  	s3 =	sld [smem:$0x3FFD];
	_ =	sdelay $0x3  }
0x96: {  	_ =	strace s3  }
0x97: {  	_ =	strace $0x8FFFFFFF  }
0x98: {  	s19 =	sld [smem:$0x3FDB];
	_ =	sdelay $0x1  }
0x99: {  	s4 =	simm.s32 $_scs_section_size  }
0x9a: {  	s5 =	simm.s32 $_size__tile_overlayer_lowered;
	s6 =	simm.s32 $_tile_overlayer_lowered  }
0x9b: {  	s22 =	simm.s32 $0x1BFF;
	s21 =	sshll.u32 s6, $0x1;
	s3 =	sadd.s32 s4, s19  }
0x9c: {  	s7 =	simm.s32 $0x0;
	s20 =	sshll.u32 s5, $0x1;
	s5 =	sadd.s32 s21, s3  }
0x9d: {  	[timem:s7], [sflag:s22] =	dma.local [hbm:s5], s20  }
0x9e: {  	_ =	swait.ge [sflag:s22], s20  }
0x9f: {  	s4 =	ssub.s32 $0x0, s20;
	[sflag:s22] =	ssyncset.done $0x0  }
0xa0: {  	[sflag:s22] =	ssyncadd.s32 s4;
	_ =	sdelay $0x1  }
0xa1: {  	s23 =	simm.s32 $0x1B8B  }
0xa2: {  	_ =	swait.ge [sflag:s23], $0x1  }
0xa3: {  	[sflag:s23] =	ssyncset.done $0x0  }
0xa4: {  	s25 =	simm.s32 $0x1B8E;
	s24 =	sld [smem:$0x3FFE];
	[sflag:s23] =	ssyncadd.s32 $0xFFFFFFFF  }
0xa5: {  	s26 =	simm.s32 $execute0_lowered;
	[smem:$0x3FD2] =	sst s25  }
0xa6: {  	s5 =	sshll.u32 s26, $0x1;
	_ =	strace $0x8000004C;
	[dreg:$0x1] =	wrdreg $0xFFFFFFFF  }
0xa7: {  	s28 =	simm.s32 $_size_execute0_lowered;
	s3 =	sadd.s32 s3, s5;
	[dreg:$0x0] =	wrdreg $0x0  }
0xa8: {  	s5 =	sshll.u32 s28, $0x1;
	[dreg:$0x2] =	wrdreg s3  }
0xa9: {  	[dreg:$0x3] =	wrdreg s5  }
0xaa: {  	[dreg:$0x4] =	wrdreg $0xC0  }
0xab: {  	_ =	task [dreg:s7], $0x5FFFF  }
0xac: {  	[dreg:$0x1] =	wrdreg $0xFFFFFFFF  }
0xad: {  	[dreg:$0x0] =	wrdreg $0x60  }
0xae: {  	[dreg:$0x2] =	wrdreg s2  }
0xaf: {  	[dreg:$0x3] =	wrdreg s24  }
0xb0: {  	[dreg:$0x4] =	wrdreg $0x0  }
0xb1: {  	[dreg:$0x5] =	wrdreg $0x9  }
0xb2: {  	_ =	task.clear_ibuf [dreg:s7], $0x6FFFF;
	_ =	strace $0x9000004C  }
0xb3: {  	s29 =	simm.s32 $0x9;
	_ =	strace $0x8000004E  }
0xb4: {  	_ =	swait.ge [sflag:s29], $0x1  }
0xb5: {  	[sflag:s29] =	ssyncadd.s32 $0xFFFFFFFF  }
0xb6: {  	_ =	strace $0x9000004E  }
0xb7: {  	_ =	sfence  }
0xb8: {  	s30 =	sld [smem:$0x0];
	_ =	sdelay $0x2  }
0xb9: {  	s31 =	sshll.u32 s1, $0xD;
	s1 =	sshrl.u32 s1, $0x2  }
0xba: {  	s3 =	sand.u32 $0x4000, s31;
	s1 =	sadd.s32 s1, s30  }
0xbb: {  	s0 =	sor.u32 s3, s0;
	s1 =	sshll.u32 s1, $0x11  }
0xbc: {  	s0 =	sor.u32 s1, s0  }
0xbd: {  	s0 =	sadd.s32 $0x8F2B, s0  }
0xbe: {  	[sflag:s0] =	ssyncadd.remote.s32 $0x1  }
0xbf: {  	_ =	sfence.sel $0xFFFF  }
0xc0: {  	[dreg:$0x0] =	wrdreg $0xFFFFFFFF;
	(pc) =	sbr.abs _section_cstart, $3  }
0xc1: {  	[dreg:$0x1] =	wrdreg $0xFFFFFFFF  }
0xc2: {  	_ =	task.clear_ibuf [dreg:s7], $0x2FFFF;
	_ =	strace $0x9FFFFFFF  }
0xc3: {  	(tm) =	ssettm $0x7FFFFFFF  }
tec
execute0_lowered:
.L_overlay_start_1:
0x0: {  	(tag) =	ssettag $0x1  }
0x1: {  	s1 =	rddreg [dreg:$0x0]  }
0x2: {  	s0 =	rddreg [dreg:$0x1]  }
0x3: {  	s2 =	rddreg [dreg:$0x2]  }
0x4: {  	s4 =	simm.s32 $0x0;
	s14 =	stileid.u32;
	s3 =	srdreg.scid  }
0x5: {  	[smem:$0x7FF] =	sst s4;
	s5 =	sadd.s32 $0xBE00, s0;
	s7 =	smul.u32 $0x4E000, s14  }
0x6: {  	s6 =	sadd.s32 $0x2000, s0;
	s0 =	sadd.s32 $0x15C00, s0;
	s30 =	smul.u32 $0x13800, s14  }
0x7: {  	s3 =	sand.u32 $0x1, s3;
	s9 =	sshll.u32 s14, $0x1;
	s13 =	smul.u32 $0x4E20, s14  }
0x8: {  	p0 =	sne.s32 s14, $0xF;
	s14 =	simm.s32 $0x50;
	_ =	strace $0x8000004D  }
0x9: {  	s8 =	ssub.s32 $0x2, s3;
	s9 =	sor.u32 s3, s9;
	s28 =	smul.u32 $0x138800, s3  }
0xa: {  	s3 =	smul.u32 $0x2710, s3;
	s7 =	sshrl.u32 s7, $0x2;
	s10 =	sshrl.u32 s8, $0x1  }
0xb: {  	s9 =	smul.u32 $0x2710, s9;
	s7 =	sadd.s32 s7, s2;
	s8 =	ssub.s32 s8, s10  }
0xc: {  	s17 =	sadd.s32 s30, s28;
	s10 =	sshrl.u32 s28, $0x3;
	s22 =	sadd.s32 $0x1800, s7  }
0xd: {  	s3 =	sadd.s32 s3, s13;
	s23 =	sadd.s32 $0x3000, s7;
	[dreg:$0x4] =	wrdreg s22  }
0xe: {  	s13 =	simm.s32 $0x3;
	s24 =	sadd.s32 $0x4800, s7;
	[dreg:$0x5] =	wrdreg s23  }
0xf: {  	s25 =	sadd.s32 $0x6000, s7;
	s26 =	sadd.s32 $0x7800, s7;
	[dreg:$0x6] =	wrdreg s24  }
0x10: {  	s9 =	sshrl.u32 s9, $0x3;
	s11 =	sadd.s32 $0x9000, s7;
	[dreg:$0x7] =	wrdreg s25  }
0x11: {  	s10 =	sadd.s32 s0, s10;
	s18 =	sadd.s32 $0x1E0, s3;
	[dreg:$0x8] =	wrdreg s26  }
0x12: {  	s8 =	smax.u32 s8, $0x1;
	s21 =	sadd.s32 $0x140, s3;
	[dreg:$0x9] =	wrdreg s11  }
0x13: {  	s28 =	sadd.s32 $0xF000, s7;
	s30 =	sadd.s32 $0x12000, s7;
	[dreg:$0x12] =	wrdreg s8  }
0x14: {  	s29 =	sadd.s32 s5, s9;
	s12 =	sadd.s32 s6, s9;
	[dreg:$0x13] =	wrdreg s21  }
0x15: {  	s31 =	sadd.s32 $0x14, s9;
	s9 =	sadd.s32 $0x4D8, s9;
	[dreg:$0x17] =	wrdreg s28  }
0x16: {  	s19 =	sadd.s32 $0x27000, s10;
	s20 =	sshrl.u32 s18, $0x3;
	[dreg:$0x19] =	wrdreg s30  }
0x17: {  	s22 =	sadd.s32 $0xA800, s7;
	s25 =	sadd.s32 $0xC000, s7;
	[dreg:$0xa] =	wrdreg s29  }
0x18: {  	s26 =	sadd.s32 $0xD800, s7;
	s8 =	simm.s32 $0x18D80;
	[dreg:$0xb] =	wrdreg s12  }
0x19: {  	s10 =	simm.s32 $0x13880;
	s11 =	simm.s32 $0x13980;
	[dreg:$0x11] =	wrdreg s19  }
0x1a: {  	s18 =	simm.s32 $0x1;
	s21 =	simm.s32 $0x13D00;
	[dreg:$0x14] =	wrdreg s22  }
0x1b: {  	s15 =	sadd.s32 s5, s31;
	s12 =	sadd.s32 s6, s31;
	[dreg:$0x15] =	wrdreg s25  }
0x1c: {  	s16 =	sadd.s32 s5, s9;
	s9 =	sadd.s32 s6, s9;
	[dreg:$0x16] =	wrdreg s26  }
0x1d: {  	s23 =	sadd.s32 s20, s6;
	s24 =	sadd.s32 s20, s5;
	[dreg:$0xc] =	wrdreg s15  }
0x1e: {  	s29 =	sadd.s32 $0x10800, s7;
	s31 =	sadd.s32 $0x138000, s2;
	[dreg:$0xd] =	wrdreg s12  }
0x1f: {  	s19 =	simm.s32 $0x13C80;
	s20 =	simm.s32 $0x2;
	[dreg:$0xe] =	wrdreg s16  }
.Ltmp0:
0x20: {  	s22 =	simm.s32 $0x4;
	[dreg:$0xf] =	wrdreg s9;
	(pc) =	sbr.rel .LBB2_1-.Ltmp0, $4  }
0x21: {  	s26 =	simm.s32 $0x139D0;
	s25 =	simm.s32 $0x0;
	[dreg:$0x18] =	wrdreg s29  }
0x22: {  	s9 =	sshrl.u32 s17, $0x3;
	[dreg:$0x1a] =	wrdreg s31;
	s12 =	simm.s32 $0x13B80  }
0x23: {  	s15 =	simm.s32 $0x13D80;
	s16 =	simm.s32 $0x138D0;
	s0 =	sadd.s32 s0, s9  }
0x24: {  	v0 =	vimm.f32 $0.0e+00;
	s17 =	simm.s32 $0x16580;
	s9 =	simm.s32 $0x5;
	[dreg:$0x10] =	wrdreg s0  }
.LBB2_6:
0x25: {  	s0 =	rddreg [dreg:$0xe]  }
0x26: {  	[tilespmem:s10], [sflag:$0x5] =	stream.linear.gather [hbm4b:s0+s4], $0x50, $0x38;
	[tilespmem:$0x1A580] =	vst v63  }
0x27: {  	_ =	swait.ge [sflag:s9], $0x50  }
0x28: {  	[sflag:s9] =	ssyncset.done $0x0  }
0x29: {  	s29 =	rddreg [dreg:$0xf];
	[sflag:s9] =	ssyncadd.s32 $0xFFFFFFB0  }
0x2a: {  	[tilespmem:s19], [sflag:$0x5] =	stream.linear.gather [hbm4b:s29+s4], $0x50, $0x38;
	[tilespmem:$0x1A580] =	vst v63  }
0x2b: {  	_ =	swait.ge [sflag:s9], $0x50  }
0x2c: {  	[sflag:s9] =	ssyncset.done $0x0  }
0x2d: {  	[sflag:s9] =	ssyncadd.s32 $0xFFFFFFB0  }
0x2e: {  	[tilespmem:s15], [sflag:$0x1] =	stream.indirect.gather [hbm4b:s1+s14], $0x80, s10, s14, $0xb8;
	[tilespmem:$0x1A580] =	vst v63  }
0x2f: {  	_ =	swait.ge [sflag:s18], $0x2800  }
0x30: {  	[sflag:s18] =	ssyncset.done $0x0  }
0x31: {  	[sflag:s18] =	ssyncadd.s32 $0xFFFFD800  }
0x32: {  	[spmem:s2] =	stream.indirect.scatter.add.f32 [tilespmem:s15], [sflag:$0x5], $0x80, s19, s14, $0xb8;
	[tilespmem:$0x1A580] =	vst v63  }
0x33: {  	_ =	swait.ge [sflag:s9], $0x2800  }
0x34: {  	[sflag:s9] =	ssyncset.done $0x0  }
0x35: {  	s30 =	stileid.u32;
	[sflag:s9] =	ssyncadd.s32 $0xFFFFD800  }
0x36: {  	s0 =	sshll.u32 s30, $0x6;
	[bflag:$0x0] =	sbarrier.arrive $0xFFFF  }
0x37: {  	s3 =	sshrl.u32 s7, $0x3;
	s0 =	sor.u32 $0x1C05, s0;
	s28 =	rddreg [dreg:$0x10]  }
0x38: {  	[hbm:s28], [sflag:s0] =	dma.local [spmem:s3], $0x2700  }
0x39: {  	_ =	swait.ge [sflag:s9], $0x2700  }
0x3a: {  	[sflag:s9] =	ssyncset.done $0x0;
	s3 =	rddreg [dreg:$0x1a]  }
0x3b: {  	s28 =	rddreg [dreg:$0x11];
	[sflag:s9] =	ssyncadd.s32 $0xFFFFD900;
	s3 =	sshrl.u32 @!p0 s3, $0x3  }
0x3c: {  	[hbm:s28], [sflag:s0] =	dma.local @!p0 [spmem:s3], $0x100  }
0x3d: {  	s0 =	simm.s32 @!p0 $0x5  }
0x3e: {  	_ =	swait.ge @!p0 [sflag:s0], $0x100  }
0x3f: {  	s25 =	sadd.s32 $0x1, s25;
	s31 =	rddreg [dreg:$0x12]  }
0x40: {  	p1 =	sne.s32 s25, s31  }
.Ltmp1:
0x41: {  	_ = 	snop;
	(pc) =	sbr.rel @!p1 .LBB2_7-.Ltmp1, $3  }
0x42: {  	_ =	sdelay $0x1  }
0x43: {  	[sflag:s0] =	ssyncset.done @!p0 $0x0  }
0x44: {  	[sflag:s0] =	ssyncadd.s32 @!p0 $0xFFFFFF00  }
.LBB2_1:
0x45: {  	s28 =	sand.u32 $0x7E00, s4  }
0x46: {  	s29 =	sand.u32 $0x70, s4;
	s30 =	sshrl.u32 s28, $0x2  }
0x47: {  	s28 =	simm.s32 $0x40;
	s30 =	sor.u32 s29, s30;
	s29 =	simm.s32 $0x0  }
.LBB2_2:
0x48: {  	p1 =	sne.s32 s28, $0x5FC0  }
0x49: {  	[tilespmem:s30+$0x18D80] =	vst v0;
	s29 =	sadd.s32 $0x10, s29;
	s30 =	smov.u32 s28;
	s28 =	sadd.s32 $0x40, s28  }
.Ltmp2:
0x4a: {  	(pc) =	sbr.rel @p1 .LBB2_2-.Ltmp2, $4  }
0x4b: {  	_ = 	snop  }
0x4c: {  	s30 =	sand.u32 $0x7E00, s30  }
0x4d: {  	s31 =	sand.u32 $0x70, s29;
	s30 =	sshrl.u32 s30, $0x2  }
0x4e: {  	s30 =	sor.u32 s31, s30  }
0x4f: {  	[tilespmem:s30+$0x18D80] =	vst v0  }
0x50: {  	[spmem:s7] =	stream.linear.scatter [tilespmem:s8], [sflag:$0x5], $0x1800, $0x38;
	[tilespmem:$0x1A580] =	vst v63  }
0x51: {  	_ =	swait.ge [sflag:s9], $0x1800  }
0x52: {  	[sflag:s9] =	ssyncset.done $0x0  }
0x53: {  	s0 =	rddreg [dreg:$0x4];
	[sflag:s9] =	ssyncadd.s32 $0xFFFFE800  }
0x54: {  	[spmem:s0] =	stream.linear.scatter [tilespmem:s8], [sflag:$0x5], $0x1800, $0x38;
	[tilespmem:$0x1A580] =	vst v63  }
0x55: {  	_ =	swait.ge [sflag:s9], $0x1800  }
0x56: {  	[sflag:s9] =	ssyncset.done $0x0  }
0x57: {  	s31 =	rddreg [dreg:$0x5];
	[sflag:s9] =	ssyncadd.s32 $0xFFFFE800  }
0x58: {  	[spmem:s31] =	stream.linear.scatter [tilespmem:s8], [sflag:$0x5], $0x1800, $0x38;
	[tilespmem:$0x1A580] =	vst v63  }
0x59: {  	_ =	swait.ge [sflag:s9], $0x1800  }
0x5a: {  	[sflag:s9] =	ssyncset.done $0x0  }
0x5b: {  	s3 =	rddreg [dreg:$0x6];
	[sflag:s9] =	ssyncadd.s32 $0xFFFFE800  }
0x5c: {  	[spmem:s3] =	stream.linear.scatter [tilespmem:s8], [sflag:$0x5], $0x1800, $0x38;
	[tilespmem:$0x1A580] =	vst v63  }
0x5d: {  	_ =	swait.ge [sflag:s9], $0x1800  }
0x5e: {  	[sflag:s9] =	ssyncset.done $0x0  }
0x5f: {  	s30 =	rddreg [dreg:$0x7];
	[sflag:s9] =	ssyncadd.s32 $0xFFFFE800  }
0x60: {  	[spmem:s30] =	stream.linear.scatter [tilespmem:s8], [sflag:$0x5], $0x1800, $0x38;
	[tilespmem:$0x1A580] =	vst v63  }
0x61: {  	_ =	swait.ge [sflag:s9], $0x1800  }
0x62: {  	[sflag:s9] =	ssyncset.done $0x0  }
0x63: {  	s31 =	rddreg [dreg:$0x8];
	[sflag:s9] =	ssyncadd.s32 $0xFFFFE800  }
0x64: {  	[spmem:s31] =	stream.linear.scatter [tilespmem:s8], [sflag:$0x5], $0x1800, $0x38;
	[tilespmem:$0x1A580] =	vst v63  }
0x65: {  	_ =	swait.ge [sflag:s9], $0x1800  }
0x66: {  	[sflag:s9] =	ssyncset.done $0x0  }
0x67: {  	s3 =	rddreg [dreg:$0x9];
	[sflag:s9] =	ssyncadd.s32 $0xFFFFE800  }
0x68: {  	[spmem:s3] =	stream.linear.scatter [tilespmem:s8], [sflag:$0x5], $0x1800, $0x38;
	[tilespmem:$0x1A580] =	vst v63  }
0x69: {  	_ =	swait.ge [sflag:s9], $0x1800  }
0x6a: {  	[sflag:s9] =	ssyncset.done $0x0  }
0x6b: {  	s30 =	rddreg [dreg:$0x14];
	[sflag:s9] =	ssyncadd.s32 $0xFFFFE800  }
0x6c: {  	[spmem:s30] =	stream.linear.scatter [tilespmem:s8], [sflag:$0x5], $0x1800, $0x38;
	[tilespmem:$0x1A580] =	vst v63  }
0x6d: {  	_ =	swait.ge [sflag:s9], $0x1800  }
0x6e: {  	[sflag:s9] =	ssyncset.done $0x0  }
0x6f: {  	s31 =	rddreg [dreg:$0x15];
	[sflag:s9] =	ssyncadd.s32 $0xFFFFE800  }
0x70: {  	[spmem:s31] =	stream.linear.scatter [tilespmem:s8], [sflag:$0x5], $0x1800, $0x38;
	[tilespmem:$0x1A580] =	vst v63  }
0x71: {  	_ =	swait.ge [sflag:s9], $0x1800  }
0x72: {  	[sflag:s9] =	ssyncset.done $0x0  }
0x73: {  	s3 =	rddreg [dreg:$0x16];
	[sflag:s9] =	ssyncadd.s32 $0xFFFFE800  }
0x74: {  	[spmem:s3] =	stream.linear.scatter [tilespmem:s8], [sflag:$0x5], $0x1800, $0x38;
	[tilespmem:$0x1A580] =	vst v63  }
0x75: {  	_ =	swait.ge [sflag:s9], $0x1800  }
0x76: {  	[sflag:s9] =	ssyncset.done $0x0  }
0x77: {  	s30 =	rddreg [dreg:$0x17];
	[sflag:s9] =	ssyncadd.s32 $0xFFFFE800  }
0x78: {  	[spmem:s30] =	stream.linear.scatter [tilespmem:s8], [sflag:$0x5], $0x1800, $0x38;
	[tilespmem:$0x1A580] =	vst v63  }
0x79: {  	_ =	swait.ge [sflag:s9], $0x1800  }
0x7a: {  	[sflag:s9] =	ssyncset.done $0x0  }
0x7b: {  	s31 =	rddreg [dreg:$0x18];
	[sflag:s9] =	ssyncadd.s32 $0xFFFFE800  }
0x7c: {  	[spmem:s31] =	stream.linear.scatter [tilespmem:s8], [sflag:$0x5], $0x1800, $0x38;
	[tilespmem:$0x1A580] =	vst v63  }
0x7d: {  	_ =	swait.ge [sflag:s9], $0x1800  }
0x7e: {  	[sflag:s9] =	ssyncset.done $0x0  }
0x7f: {  	s3 =	rddreg [dreg:$0x19];
	[sflag:s9] =	ssyncadd.s32 $0xFFFFE800  }
0x80: {  	[spmem:s3] =	stream.linear.scatter [tilespmem:s8], [sflag:$0x5], $0x1800, $0x38;
	[tilespmem:$0x1A580] =	vst v63  }
0x81: {  	_ =	swait.ge [sflag:s9], $0x1800  }
0x82: {  	[sflag:s9] =	ssyncset.done $0x0  }
0x83: {  	s28 =	simm.s32 @!p0 $0x18D80;
	s0 =	rddreg [dreg:$0x1a];
	[sflag:s9] =	ssyncadd.s32 $0xFFFFE800  }
0x84: {  	[spmem:s0] =	stream.linear.scatter @!p0 [tilespmem:s28], [sflag:$0x5], $0x800, $0x38;
	[tilespmem:$0x1A580] =	vst v63  }
0x85: {  	s28 =	simm.s32 @!p0 $0x5  }
0x86: {  	_ =	swait.ge @!p0 [sflag:s28], $0x800  }
0x87: {  	[sflag:s28] =	ssyncset.done @!p0 $0x0  }
0x88: {  	[sflag:s28] =	ssyncadd.s32 @!p0 $0xFFFFF800  }
0x89: {  	[bflag:$0x0] =	sbarrier.arrive $0xFFFF  }
0x8a: {  	s30 =	rddreg [dreg:$0xa]  }
0x8b: {  	s28 =	simm.s32 $0x0;
	s31 =	rddreg [dreg:$0xb]  }
0x8c: {  	[tilespmem:s10], [sflag:$0x3] =	stream.linear.gather [hbm4b:s30+s28], $0xA0, $0x38;
	[tilespmem:$0x1A580] =	vst v63  }
0x8d: {  	s3 =	simm.s32 $0x13A80;
	s29 =	rddreg [dreg:$0x13]  }
0x8e: {  	[tilespmem:s3], [sflag:$0x3] =	stream.linear.gather [hbm4b:s31+s28], $0xA0, $0x38;
	[tilespmem:$0x1A580] =	vst v63  }
0x8f: {  	s30 =	rddreg [dreg:$0xc]  }
0x90: {  	[tilespmem:s11], [sflag:$0x4] =	stream.linear.gather [hbm4b:s30+s28], $0xA0, $0x38;
	[tilespmem:$0x1A580] =	vst v63  }
0x91: {  	s31 =	rddreg [dreg:$0xd]  }
0x92: {  	[tilespmem:s12], [sflag:$0x4] =	stream.linear.gather [hbm4b:s31+s28], $0xA0, $0x38;
	[tilespmem:$0x1A580] =	vst v63  }
.LBB2_4:
0x93: {  	_ =	swait.ge [sflag:s13], $0xA0  }
0x94: {  	[sflag:s13] =	ssyncset.done $0x0  }
0x95: {  	[sflag:s13] =	ssyncadd.s32 $0xFFFFFF60  }
0x96: {  	_ =	swait.ge [sflag:s13], $0xA0  }
0x97: {  	[sflag:s13] =	ssyncset.done $0x0  }
0x98: {  	[sflag:s13] =	ssyncadd.s32 $0xFFFFFF60  }
0x99: {  	[tilespmem:s15], [sflag:$0x1] =	stream.indirect.gather [hbm4b:s1+s14], $0x80, s10, s14, $0xb8;
	[tilespmem:$0x1A580] =	vst v63  }
0x9a: {  	v1 =	vld [tilespmem:$0x13A80]  }
0x9b: {  	v2 =	vld [tilespmem:$0x13A90]  }
0x9c: {  	v3 =	vld [tilespmem:$0x13AA0]  }
0x9d: {  	v4 =	vld [tilespmem:$0x13AB0]  }
0x9e: {  	v5 =	vld [tilespmem:$0x13AC0]  }
0x9f: {  	[tilespmem:$0x13C80] =	vst v1  }
0xa0: {  	[tilespmem:$0x13C90] =	vst v2  }
0xa1: {  	[tilespmem:$0x13CA0] =	vst v3  }
0xa2: {  	[tilespmem:$0x13CB0] =	vst v4  }
0xa3: {  	[tilespmem:$0x13CC0] =	vst v5  }
0xa4: {  	[tilespmem:s17], [sflag:$0x2] =	stream.indirect.gather [hbm4b:s1+s14], $0x80, s16, s14, $0xb8;
	[tilespmem:$0x1A580] =	vst v63  }
0xa5: {  	v1 =	vld [tilespmem:$0x13AD0]  }
0xa6: {  	v2 =	vld [tilespmem:$0x13AE0]  }
0xa7: {  	v3 =	vld [tilespmem:$0x13AF0]  }
0xa8: {  	v58 =	vld [tilespmem:$0x13B00]  }
0xa9: {  	v59 =	vld [tilespmem:$0x13B10]  }
0xaa: {  	[tilespmem:$0x13D00] =	vst v1  }
0xab: {  	[tilespmem:$0x13D10] =	vst v2  }
0xac: {  	[tilespmem:$0x13D20] =	vst v3  }
0xad: {  	[tilespmem:$0x13D30] =	vst v58  }
0xae: {  	[tilespmem:$0x13D40] =	vst v59  }
0xaf: {  	_ =	swait.ge [sflag:s18], $0x2800  }
0xb0: {  	[sflag:s18] =	ssyncset.done $0x0  }
0xb1: {  	[sflag:s18] =	ssyncadd.s32 $0xFFFFD800  }
0xb2: {  	[spmem:s2] =	stream.indirect.scatter.add.f32 [tilespmem:s15], [sflag:$0x5], $0x80, s19, s14, $0xb8;
	[tilespmem:$0x1A580] =	vst v63  }
0xb3: {  	_ =	swait.ge [sflag:s9], $0x2800  }
0xb4: {  	[sflag:s9] =	ssyncset.done $0x0  }
0xb5: {  	[sflag:s9] =	ssyncadd.s32 $0xFFFFD800  }
0xb6: {  	_ =	swait.ge [sflag:s20], $0x2800  }
0xb7: {  	[sflag:s20] =	ssyncset.done $0x0  }
0xb8: {  	[sflag:s20] =	ssyncadd.s32 $0xFFFFD800  }
0xb9: {  	[spmem:s2] =	stream.indirect.scatter.add.f32 [tilespmem:s17], [sflag:$0x5], $0x80, s21, s14, $0xb8;
	[tilespmem:$0x1A580] =	vst v63  }
0xba: {  	p1 =	seq.s32 s28, $0x4B0;
	_ =	swait.ge [sflag:s9], $0x2800  }
0xbb: {  	s30 =	sshrl.u32 @!p1 s29, $0x3;
	s0 =	simm.s32 @!p1 $0x0;
	[sflag:s9] =	ssyncset.done $0x0  }
0xbc: {  	s3 =	simm.s32 @!p1 $0x13880;
	s31 =	sadd.s32 @!p1 s5, s30;
	[sflag:s9] =	ssyncadd.s32 $0xFFFFD800  }
0xbd: {  	[tilespmem:s3], [sflag:$0x3] =	stream.linear.gather @!p1 [hbm4b:s31+s0], $0xA0, $0x38;
	[tilespmem:$0x1A580] =	vst v63  }
0xbe: {  	s3 =	sadd.s32 @!p1 s6, s30;
	s30 =	simm.s32 @!p1 $0x13A80  }
0xbf: {  	[tilespmem:s30], [sflag:$0x3] =	stream.linear.gather @!p1 [hbm4b:s3+s0], $0xA0, $0x38;
	[tilespmem:$0x1A580] =	vst v63  }
0xc0: {  	_ =	swait.ge [sflag:s22], $0xA0  }
0xc1: {  	[sflag:s22] =	ssyncset.done $0x0  }
0xc2: {  	[sflag:s22] =	ssyncadd.s32 $0xFFFFFF60  }
0xc3: {  	_ =	swait.ge [sflag:s22], $0xA0  }
0xc4: {  	[sflag:s22] =	ssyncset.done $0x0  }
0xc5: {  	[sflag:s22] =	ssyncadd.s32 $0xFFFFFF60  }
0xc6: {  	[tilespmem:s15], [sflag:$0x1] =	stream.indirect.gather [hbm4b:s1+s14], $0x80, s11, s14, $0xb8;
	[tilespmem:$0x1A580] =	vst v63  }
0xc7: {  	v1 =	vld [tilespmem:$0x13B80]  }
0xc8: {  	v2 =	vld [tilespmem:$0x13B90]  }
0xc9: {  	v3 =	vld [tilespmem:$0x13BA0]  }
0xca: {  	v60 =	vld [tilespmem:$0x13BB0]  }
0xcb: {  	v61 =	vld [tilespmem:$0x13BC0]  }
0xcc: {  	[tilespmem:$0x13C80] =	vst v1  }
0xcd: {  	[tilespmem:$0x13C90] =	vst v2  }
0xce: {  	[tilespmem:$0x13CA0] =	vst v3  }
0xcf: {  	[tilespmem:$0x13CB0] =	vst v60  }
0xd0: {  	[tilespmem:$0x13CC0] =	vst v61  }
0xd1: {  	[tilespmem:s17], [sflag:$0x2] =	stream.indirect.gather [hbm4b:s1+s14], $0x80, s26, s14, $0xb8;
	[tilespmem:$0x1A580] =	vst v63  }
0xd2: {  	v1 =	vld [tilespmem:$0x13BD0]  }
0xd3: {  	v2 =	vld [tilespmem:$0x13BE0]  }
0xd4: {  	v3 =	vld [tilespmem:$0x13BF0]  }
0xd5: {  	v62 =	vld [tilespmem:$0x13C00]  }
0xd6: {  	v63 =	vld [tilespmem:$0x13C10]  }
0xd7: {  	[tilespmem:$0x13D00] =	vst v1  }
0xd8: {  	[tilespmem:$0x13D10] =	vst v2  }
0xd9: {  	[tilespmem:$0x13D20] =	vst v3  }
0xda: {  	[tilespmem:$0x13D30] =	vst v62  }
0xdb: {  	[tilespmem:$0x13D40] =	vst v63  }
0xdc: {  	_ =	swait.ge [sflag:s18], $0x2800  }
0xdd: {  	[sflag:s18] =	ssyncset.done $0x0  }
0xde: {  	[sflag:s18] =	ssyncadd.s32 $0xFFFFD800  }
0xdf: {  	[spmem:s2] =	stream.indirect.scatter.add.f32 [tilespmem:s15], [sflag:$0x5], $0x80, s19, s14, $0xb8;
	[tilespmem:$0x1A580] =	vst v63  }
0xe0: {  	_ =	swait.ge [sflag:s9], $0x2800  }
0xe1: {  	[sflag:s9] =	ssyncset.done $0x0  }
0xe2: {  	[sflag:s9] =	ssyncadd.s32 $0xFFFFD800  }
0xe3: {  	_ =	swait.ge [sflag:s20], $0x2800  }
0xe4: {  	[sflag:s20] =	ssyncset.done $0x0  }
.Ltmp3:
0xe5: {  	[sflag:s20] =	ssyncadd.s32 $0xFFFFD800;
	(pc) =	sbr.rel @p1 .LBB2_6-.Ltmp3, $4  }
0xe6: {  	[spmem:s2] =	stream.indirect.scatter.add.f32 [tilespmem:s17], [sflag:$0x5], $0x80, s21, s14, $0xb8;
	[tilespmem:$0x1A580] =	vst v63  }
0xe7: {  	_ =	swait.ge [sflag:s9], $0x2800  }
0xe8: {  	[sflag:s9] =	ssyncset.done $0x0  }
0xe9: {  	[sflag:s9] =	ssyncadd.s32 $0xFFFFD800  }
.Ltmp4:
0xea: {  	(pc) =	sbr.rel .LBB2_4-.Ltmp4, $4  }
0xeb: {  	s0 =	sadd.s32 s28, s24  }
0xec: {  	[tilespmem:s11], [sflag:$0x4] =	stream.linear.gather [hbm4b:s0+s4], $0xA0, $0x38;
	[tilespmem:$0x1A580] =	vst v63  }
0xed: {  	s31 =	sadd.s32 s28, s23;
	s28 =	sadd.s32 $0x28, s28;
	s29 =	sadd.s32 $0x140, s29  }
0xee: {  	[tilespmem:s12], [sflag:$0x4] =	stream.linear.gather [hbm4b:s31+s4], $0xA0, $0x38;
	[tilespmem:$0x1A580] =	vst v63  }
.LBB2_7:
0xef: {  	_ =	sfence.sel $0x180000  }
0xf0: {  	[bflag:$0x0] =	sbarrier.arrive $0xFFFF  }
0xf1: {  	_ =	strace $0x9000004D  }
0xf2: {  	s0 =	stileid.u32;
	[bflag:$0x2] =	sbarrier.arrive $0xFFFF  }
0xf3: {  	p0 =	sne.s32 s0, $0x0;
	s0 =	rddreg [dreg:$0x3]  }
0xf4: {  	s0 =	sadd.s32 @!p0 $0x100000, s0  }
0xf5: {  	[sflag:s0] =	ssyncadd.tile.s32 @!p0 $0x1;
	_ =	shalt  }
.Lfunc_end2:
_tile_overlayer_lowered:
.L_overlay_start_2:
0xf6: {  	(tag) =	ssettag $0x2  }
0xf7: {  	s0 =	rddreg [dreg:$0x0];
	s2 =	stileid.u32  }
0xf8: {  	s1 =	rddreg [dreg:$0x1];
	p0 =	sne.s32 s2, $0x0  }
0xf9: {  	s3 =	rddreg [dreg:$0x2];
	[bflag:$0x3] =	sbarrier.arrive $0xFFFF;
	s2 =	simm.s32 @!p0 $0x1C05  }
0xfa: {  	[timem:s3], [sflag:s2] =	dma.local @!p0 [hbm:s0], s1  }
0xfb: {  	s0 =	simm.s32 @!p0 $0x5  }
0xfc: {  	_ =	swait.ge @!p0 [sflag:s0], s1  }
0xfd: {  	s1 =	ssub.s32 @!p0 $0x0, s1;
	[sflag:s0] =	ssyncset.done @!p0 $0x0  }
0xfe: {  	[sflag:s0] =	ssyncadd.s32 @!p0 s1  }
0xff: {  	[bflag:$0x3] =	sbarrier.arrive $0xFFFF  }
0x100: {  	_ =	shalt  }

// kernel: kernel.7.cloned.1.call-start
scs
__scs_entry_jumppad:
0x0: {  	(pc) =	sbr.rel $0x88, $3  }
0x1: {  	(tag) =	ssettag $0x0;
	lr =	simm.s32 $0x1  }
0x2: {  	[smem:$0x3F99] =	sst lr;
	_ =	strace $0xD0000000  }
0x3: {  	_ = 	snop  }
0x4: {  	_ = 	snop  }
0x5: {  	_ = 	snop  }
0x6: {  	_ = 	snop  }
0x7: {  	_ = 	snop  }
__scs_overlays_trampoline_lowered:
0x8: {  	[smem:$0x3FA8] =	sst s0  }
0x9: {  	[smem:$0x3FA9] =	sst s1  }
0xa: {  	[smem:$0x3FAA] =	sst s2  }
0xb: {  	[smem:$0x3FAB] =	sst s3  }
0xc: {  	[smem:$0x3FAC] =	sst s4  }
0xd: {  	[smem:$0x3FAD] =	sst s5  }
0xe: {  	[smem:$0x3FAE] =	sst s6  }
0xf: {  	[smem:$0x3FAF] =	sst s7  }
0x10: {  	[smem:$0x3FB0] =	sst s8  }
0x11: {  	[smem:$0x3FB1] =	sst s9;
	s0 =	simm.s32 @!p0 $0x0  }
0x12: {  	s1 =	sld [smem:$0x3F97];
	s0 =	simm.s32 @p0 $0x1  }
0x13: {  	[smem:$0x3FB2] =	sst s0;
	s0 =	simm.s32 @!p1 $0x0  }
0x14: {  	s2 =	sld [smem:$0x3F96];
	s0 =	simm.s32 @p1 $0x1  }
0x15: {  	[smem:$0x3FB3] =	sst s0;
	s0 =	simm.s32 @!p2 $0x0  }
0x16: {  	s3 =	sld [smem:$0x3FDB];
	s0 =	simm.s32 @p2 $0x1  }
0x17: {  	s4 =	simm.s32 $0x1BF5;
	[smem:$0x3FB5] =	sst s0  }
0x18: {  	s0 =	sld [smem:$0x3F98];
	_ =	swait.ge [sflag:s4], $0x0  }
0x19: {  	s7 =	sld [smem:$0x3F99]  }
0x1a: {  	s8 =	sadd.s32 $0xFFFFE003, lr  }
0x1b: {  	s9 =	sadd.s32 $0xFFFFFEF7, lr;
	s5 =	simm.s32 $0xFFFFFFFF;
	p2 =	slt.u32 s8, $0xFFFFF086  }
0x1c: {  	p1 =	slt.u32 s9, $0xF7A;
	s5 =	simm.s32 @!p2 $0x0  }
0x1d: {  	s5 =	simm.s32 @p1 $0x1;
	p0 =	seq.s32 s7, s2  }
0x1e: {  	s7 =	smul.u32 @!p0 $0xF7A, s2;
	p2 =	seq.s32 @!p0 s5, $0x0  }
0x1f: {  	s9 =	smul.u32 $0xF7A, s1;
	s8 =	simm.s32 @!p0 $0x1BF5;
	p2 =	por !p2, p0  }
0x20: {  	[sflag:s8] =	ssyncset.s32 @!p0 $0xFFFFF086;
	s6 =	sadd.s32 @!p0 s3, s7;
	s7 =	simm.s32 @!p0 $0x108  }
0x21: {  	s3 =	sadd.s32 s3, s9;
	s6 =	sadd.s32 @!p0 $0x88, s6;
	s7 =	simm.s32 @p2 $0x1082  }
0x22: {  	[simem:s7], [sflag:s8] =	dma.local @!p0 [hbm:s6], $0xF7A  }
0x23: {  	s9 =	sor.u32 $0xD0000000, s2;
	s6 =	simm.s32 $0x108;
	_ =	swait.ge @!p0 [sflag:s8], $0x0  }
0x24: {  	s3 =	sadd.s32 $0x88, s3;
	s6 =	simm.s32 @!p1 $0x1082;
	[sflag:s4] =	ssyncset.s32 $0xFFFFF086  }
0x25: {  	[simem:s6], [sflag:s4] =	dma.local [hbm:s3], $0xF7A  }
0x26: {  	[smem:$0x3F99] =	sst s1;
	(tag) =	ssettag s2;
	_ =	strace s9  }
0x27: {  	s1 =	sld [smem:$0x3FA9]  }
0x28: {  	s2 =	sld [smem:$0x3FAA]  }
0x29: {  	s4 =	sld [smem:$0x3FAC]  }
0x2a: {  	p0 =	seq.s32 s5, $0x0;
	s5 =	sld [smem:$0x3FAD]  }
0x2b: {  	s6 =	sld [smem:$0x3FAE]  }
0x2c: {  	s7 =	sld [smem:$0x3FAF]  }
0x2d: {  	s3 =	simm.s32 $0x108;
	s8 =	sld [smem:$0x3FB0]  }
0x2e: {  	s3 =	simm.s32 @!p0 $0x1082;
	s9 =	sld [smem:$0x3FB1]  }
0x2f: {  	lr =	sadd.s32 s0, s3;
	s0 =	sld [smem:$0x3FA8]  }
0x30: {  	s3 =	sld [smem:$0x3FAB]  }
0x31: {  	[smem:$0x3FB4] =	sst s10  }
0x32: {  	s10 =	sld [smem:$0x3FB2];
	_ =	sdelay $0x3  }
0x33: {  	p0 =	seq.s32 s10, $0x1;
	s10 =	sld [smem:$0x3FB4];
	_ =	sdelay $0x3  }
0x34: {  	[smem:$0x3FB4] =	sst s10  }
0x35: {  	s10 =	sld [smem:$0x3FB3];
	_ =	sdelay $0x3  }
0x36: {  	p1 =	seq.s32 s10, $0x1;
	s10 =	sld [smem:$0x3FB4];
	_ =	sdelay $0x3  }
0x37: {  	[smem:$0x3FB4] =	sst s10  }
0x38: {  	s10 =	sld [smem:$0x3FB5]  }
0x39: {  	_ = 	snop;
	(pc) =	sbr.ind lr, $3  }
0x3a: {  	_ = 	snop  }
0x3b: {  	_ = 	snop  }
0x3c: {  	p2 =	seq.s32 s10, $0x1;
	s10 =	sld [smem:$0x3FB4]  }
0x3d: {  	_ =	shalt  }
0x3e: {  	_ =	shalt  }
0x3f: {  	_ =	shalt  }
0x40: {  	_ =	shalt  }
0x41: {  	_ =	shalt  }
0x42: {  	_ =	shalt  }
0x43: {  	_ =	shalt  }
0x44: {  	_ =	shalt  }
0x45: {  	_ =	shalt  }
0x46: {  	_ =	shalt  }
0x47: {  	_ =	shalt  }
0x48: {  	_ =	shalt  }
0x49: {  	_ =	shalt  }
0x4a: {  	_ =	shalt  }
0x4b: {  	_ =	shalt  }
0x4c: {  	_ =	shalt  }
0x4d: {  	_ =	shalt  }
0x4e: {  	_ =	shalt  }
0x4f: {  	_ =	shalt  }
0x50: {  	_ =	shalt  }
0x51: {  	_ =	shalt  }
0x52: {  	_ =	shalt  }
0x53: {  	_ =	shalt  }
0x54: {  	_ =	shalt  }
0x55: {  	_ =	shalt  }
0x56: {  	_ =	shalt  }
0x57: {  	_ =	shalt  }
0x58: {  	_ =	shalt  }
0x59: {  	_ =	shalt  }
0x5a: {  	_ =	shalt  }
0x5b: {  	_ =	shalt  }
0x5c: {  	_ =	shalt  }
0x5d: {  	_ =	shalt  }
0x5e: {  	_ =	shalt  }
0x5f: {  	_ =	shalt  }
0x60: {  	_ =	shalt  }
0x61: {  	_ =	shalt  }
0x62: {  	_ =	shalt  }
0x63: {  	_ =	shalt  }
0x64: {  	_ =	shalt  }
0x65: {  	_ =	shalt  }
0x66: {  	_ =	shalt  }
0x67: {  	_ =	shalt  }
0x68: {  	_ =	shalt  }
0x69: {  	_ =	shalt  }
0x6a: {  	_ =	shalt  }
0x6b: {  	_ =	shalt  }
0x6c: {  	_ =	shalt  }
0x6d: {  	_ =	shalt  }
0x6e: {  	_ =	shalt  }
0x6f: {  	_ =	shalt  }
0x70: {  	_ =	shalt  }
0x71: {  	_ =	shalt  }
0x72: {  	_ =	shalt  }
0x73: {  	_ =	shalt  }
0x74: {  	_ =	shalt  }
0x75: {  	_ =	shalt  }
0x76: {  	_ =	shalt  }
0x77: {  	_ =	shalt  }
0x78: {  	_ =	shalt  }
0x79: {  	_ =	shalt  }
0x7a: {  	_ =	shalt  }
0x7b: {  	_ =	shalt  }
0x7c: {  	_ =	shalt  }
0x7d: {  	_ =	shalt  }
0x7e: {  	_ =	shalt  }
0x7f: {  	_ =	shalt  }
0x80: {  	_ =	shalt  }
0x81: {  	_ =	shalt  }
0x82: {  	_ =	shalt  }
0x83: {  	_ =	shalt  }
0x84: {  	_ =	shalt  }
0x85: {  	_ =	shalt  }
0x86: {  	_ =	shalt  }
0x87: {  	_ =	shalt  }
.Lfunc_end0:
.L_simem_size_0:
called_computation_lowered:
.L_overlay_start_0:
0x88: {  	s2 =	sld [smem:$0x3FD9]  }
0x89: {  	s3 =	sld [smem:$0x3FFE];
	_ =	sdelay $0x1  }
0x8a: {  	s1 =	srdreg.scid  }
0x8b: {  	s0 =	sand.u32 $0x1, s1  }
0x8c: {  	s17 =	sshll.u32 s0, $0xA;
	s2 =	sadd.s32 s3, s2  }
0x8d: {  	s2 =	sadd.s32 s2, s17  }
0x8e: {  	[smem:$0x3FC0] =	sst s2  }
0x8f: {  	_ = 	snop  }
0x90: {  	(tm) =	ssettm $0x1  }
0x91: {  	s18 =	sld [smem:$0x3FFB];
	_ =	sdelay $0x3  }
0x92: {  	_ =	strace s18  }
0x93: {  	s2 =	sld [smem:$0x3FFC];
	_ =	sdelay $0x3  }
0x94: {  	_ =	strace s2  }
0x95: {  	s2 =	sld [smem:$0x3FFD];
	_ =	sdelay $0x3  }
0x96: {  	_ =	strace s2  }
0x97: {  	_ =	strace $0x8FFFFFFF  }
0x98: {  	s19 =	sld [smem:$0x3FDB];
	_ =	sdelay $0x1  }
0x99: {  	s20 =	simm.s32 $_scs_section_size  }
0x9a: {  	s4 =	simm.s32 $_size__tile_overlayer_lowered;
	s5 =	simm.s32 $_tile_overlayer_lowered  }
0x9b: {  	s6 =	simm.s32 $0x1BFF;
	s21 =	sshll.u32 s5, $0x1;
	s3 =	sadd.s32 s20, s19  }
0x9c: {  	s22 =	simm.s32 $0x0;
	s4 =	sshll.u32 s4, $0x1;
	s5 =	sadd.s32 s21, s3  }
0x9d: {  	[timem:s22], [sflag:s6] =	dma.local [hbm:s5], s4  }
0x9e: {  	_ =	swait.ge [sflag:s6], s4  }
0x9f: {  	s4 =	ssub.s32 $0x0, s4;
	[sflag:s6] =	ssyncset.done $0x0  }
0xa0: {  	[sflag:s6] =	ssyncadd.s32 s4;
	_ =	sdelay $0x1  }
0xa1: {  	s23 =	simm.s32 $0x1B8B  }
0xa2: {  	_ =	swait.ge [sflag:s23], $0x1  }
0xa3: {  	[sflag:s23] =	ssyncset.done $0x0  }
0xa4: {  	[sflag:s23] =	ssyncadd.s32 $0xFFFFFFFF  }
0xa5: {  	s4 =	sld [smem:$0x0]  }
0xa6: {  	s5 =	sand.u32 $0xFFFFFFFE, s1  }
0xa7: {  	p0 =	sne.s32 s1, s5  }
0xa8: {  	s5 =	sshll.u32 @p0 s5, $0xE  }
0xa9: {  	s5 =	sadd.s32 @p0 $0x11B8D, s5;
	s6 =	sshll.u32 @p0 s4, $0x11  }
0xaa: {  	s5 =	sor.u32 @p0 s6, s5  }
0xab: {  	[sflag:s5] =	ssyncadd.remote.s32 @p0 $0x1;
	_ =	sdelay $0x1  }
0xac: {  	s5 =	simm.s32 @p0 $0x1B8D  }
0xad: {  	_ =	swait.eq @p0 [sflag:s5], $0x1  }
0xae: {  	[sflag:s5] =	ssyncadd.s32 @p0 $0xFFFFFFFF  }
0xaf: {  	s6 =	sshll.u32 @!p0 s1, $0xE  }
0xb0: {  	s6 =	sor.u32 @!p0 $0x4000, s6;
	s5 =	simm.s32 @!p0 $0x1B8D  }
0xb1: {  	s4 =	sshll.u32 @!p0 s4, $0x11;
	s6 =	sadd.s32 @!p0 $0x11B8D, s6;
	_ =	swait.eq @!p0 [sflag:s5], $0x1  }
0xb2: {  	s4 =	sor.u32 @!p0 s4, s6;
	[sflag:s5] =	ssyncadd.s32 @!p0 $0xFFFFFFFF  }
0xb3: {  	s25 =	simm.s32 $0x1B8E;
	s24 =	sld [smem:$0x3FFE];
	[sflag:s4] =	ssyncadd.remote.s32 @!p0 $0x1  }
0xb4: {  	s26 =	simm.s32 $execute0_lowered;
	[smem:$0x3FD2] =	sst s25  }
0xb5: {  	s5 =	sshll.u32 s26, $0x1;
	_ =	strace $0x80000049;
	[dreg:$0x1] =	wrdreg $0xFFFFFFFF  }
0xb6: {  	s28 =	simm.s32 $_size_execute0_lowered;
	s3 =	sadd.s32 s3, s5;
	[dreg:$0x0] =	wrdreg $0x0  }
0xb7: {  	s5 =	sshll.u32 s28, $0x1;
	[dreg:$0x2] =	wrdreg s3  }
0xb8: {  	[dreg:$0x3] =	wrdreg s5  }
0xb9: {  	[dreg:$0x4] =	wrdreg $0xC0  }
0xba: {  	_ =	task [dreg:s22], $0x5FFFF  }
0xbb: {  	[dreg:$0x1] =	wrdreg $0xFFFFFFFF  }
0xbc: {  	[dreg:$0x0] =	wrdreg $0x60  }
0xbd: {  	[dreg:$0x2] =	wrdreg s24  }
0xbe: {  	[dreg:$0x3] =	wrdreg $0x0  }
0xbf: {  	[dreg:$0x4] =	wrdreg $0x9  }
0xc0: {  	_ =	task.clear_ibuf [dreg:s22], $0x5FFFF;
	_ =	strace $0x90000049  }
0xc1: {  	s29 =	simm.s32 $0x9;
	_ =	strace $0x8000004B  }
0xc2: {  	_ =	swait.ge [sflag:s29], $0x1  }
0xc3: {  	[sflag:s29] =	ssyncadd.s32 $0xFFFFFFFF  }
0xc4: {  	_ =	strace $0x9000004B  }
0xc5: {  	_ =	sfence  }
0xc6: {  	s30 =	sld [smem:$0x0];
	_ =	sdelay $0x2  }
0xc7: {  	s31 =	sshll.u32 s1, $0xD;
	s1 =	sshrl.u32 s1, $0x2  }
0xc8: {  	s4 =	sand.u32 $0x4000, s31;
	s1 =	sadd.s32 s1, s30  }
0xc9: {  	s0 =	sor.u32 s4, s0;
	s1 =	sshll.u32 s1, $0x11  }
0xca: {  	s0 =	sor.u32 s1, s0  }
0xcb: {  	s0 =	sadd.s32 $0x8F2B, s0  }
0xcc: {  	[sflag:s0] =	ssyncadd.remote.s32 $0x1  }
0xcd: {  	_ =	sfence.sel $0xFFFF  }
0xce: {  	[dreg:$0x0] =	wrdreg $0xFFFFFFFF;
	(pc) =	sbr.abs _section_cstart, $3  }
0xcf: {  	[dreg:$0x1] =	wrdreg $0xFFFFFFFF  }
0xd0: {  	_ =	task.clear_ibuf [dreg:s22], $0x2FFFF;
	_ =	strace $0x9FFFFFFF  }
0xd1: {  	(tm) =	ssettm $0x7FFFFFFF  }
tec
execute0_lowered:
.L_overlay_start_1:
0x0: {  	(tag) =	ssettag $0x1  }
0x1: {  	s0 =	rddreg [dreg:$0x0]  }
0x2: {  	s1 =	rddreg [dreg:$0x1];
	s3 =	simm.s32 $0x0  }
0x3: {  	s2 =	srdreg.scid;
	s10 =	stileid.u32;
	s28 =	simm.s32 $0x13880  }
0x4: {  	s29 =	simm.s32 $0x50;
	s30 =	simm.s32 $0x13980;
	s31 =	simm.s32 $0x13900  }
0x5: {  	[smem:$0x7FF] =	sst s3;
	s2 =	sand.u32 $0x1, s2;
	s5 =	smul.u32 $0x4E000, s10  }
0x6: {  	s4 =	sadd.s32 $0x2000, s0;
	s0 =	sadd.s32 $0x63E00, s0;
	s8 =	sshll.u32 s10, $0x1  }
0x7: {  	s9 =	smul.u32 $0x13800, s10;
	p0 =	sne.s32 s10, $0xF;
	_ =	strace $0x8000004A  }
0x8: {  	s6 =	ssub.s32 $0x2, s2;
	s16 =	sor.u32 s2, s8;
	s23 =	smul.u32 $0x138800, s2  }
0x9: {  	s2 =	smul.u32 $0x2710, s2;
	s7 =	sshrl.u32 s6, $0x1;
	s5 =	sshrl.u32 s5, $0x2  }
0xa: {  	s6 =	ssub.s32 s6, s7;
	s5 =	sadd.s32 s5, s1;
	s7 =	smul.u32 $0x2710, s16  }
0xb: {  	s24 =	sadd.s32 s9, s23;
	s8 =	sshrl.u32 s23, $0x3;
	s17 =	sadd.s32 $0x1800, s5  }
0xc: {  	s18 =	sadd.s32 $0x3000, s5;
	s19 =	sadd.s32 $0x4800, s5;
	[dreg:$0x3] =	wrdreg s17  }
0xd: {  	s20 =	sadd.s32 $0x6000, s5;
	s21 =	sadd.s32 $0x7800, s5;
	[dreg:$0x4] =	wrdreg s18  }
0xe: {  	s22 =	sadd.s32 $0x9000, s5;
	s12 =	sadd.s32 $0xA800, s5;
	[dreg:$0x5] =	wrdreg s19  }
0xf: {  	s13 =	sadd.s32 $0xC000, s5;
	s14 =	sadd.s32 $0xD800, s5;
	[dreg:$0x6] =	wrdreg s20  }
0x10: {  	s15 =	sadd.s32 $0xF000, s5;
	s16 =	sadd.s32 $0x10800, s5;
	[dreg:$0x7] =	wrdreg s21  }
0x11: {  	[dreg:$0x8] =	wrdreg s22;
	s20 =	smul.u32 $0x4E20, s10;
	s17 =	sadd.s32 $0x12000, s5  }
0x12: {  	s7 =	sshrl.u32 s7, $0x3;
	s18 =	sadd.s32 $0x138000, s1;
	s22 =	smax.u32 s6, $0x1  }
0x13: {  	s6 =	simm.s32 $0x0;
	s19 =	sadd.s32 s4, s7;
	s7 =	sshrl.u32 s24, $0x3  }
0x14: {  	s2 =	sadd.s32 s2, s20;
	s20 =	sadd.s32 s0, s7;
	s0 =	sadd.s32 s0, s8  }
0x15: {  	s25 =	sadd.s32 $0x50, s2;
	s21 =	sadd.s32 $0x27000, s0;
	s23 =	sadd.s32 $0xA0, s2  }
0x16: {  	s0 =	simm.s32 $0x1;
	s2 =	simm.s32 $0x2;
	s26 =	sshrl.u32 s25, $0x3  }
0x17: {  	v0 =	vimm.f32 $0.0e+00;
	v1 =	vimm.f32 $1.000000000e+00;
	s25 =	simm.s32 $0x16180;
	s24 =	sadd.s32 s26, s4;
	s26 =	simm.s32 $0x3  }
.LBB2_1:
0x18: {  	s7 =	simm.s32 $0x0;
	s8 =	simm.s32 $0x0  }
.LBB2_2:
0x19: {  	p1 =	sne.s32 s8, $0x5FC0  }
.Ltmp0:
0x1a: {  	_ = 	snop;
	(pc) =	sbr.rel @p1 .LBB2_2-.Ltmp0, $4  }
0x1b: {  	s9 =	sand.u32 $0x7E00, s8  }
0x1c: {  	s10 =	sand.u32 $0x70, s7;
	s9 =	sshrl.u32 s9, $0x2  }
0x1d: {  	s9 =	sor.u32 s10, s9  }
0x1e: {  	s7 =	sadd.s32 $0x10, s7;
	s8 =	sadd.s32 $0x40, s8;
	[tilespmem:s9+$0x16180] =	vst v0  }
0x1f: {  	s7 =	simm.s32 $0x0  }
0x20: {  	s8 =	sand.u32 $0xFE00, s7  }
0x21: {  	s9 =	sand.u32 $0x70, s7;
	s10 =	sshrl.u32 s8, $0x2  }
0x22: {  	s8 =	simm.s32 $0x40;
	s9 =	sor.u32 s9, s10  }
.LBB2_4:
0x23: {  	p1 =	sne.s32 s8, $0x9FC0  }
0x24: {  	[tilespmem:s9+$0x13980] =	vst v1;
	s7 =	sadd.s32 $0x10, s7;
	s9 =	smov.u32 s8;
	s8 =	sadd.s32 $0x40, s8  }
.Ltmp1:
0x25: {  	(pc) =	sbr.rel @p1 .LBB2_4-.Ltmp1, $4  }
0x26: {  	_ = 	snop  }
0x27: {  	s9 =	sand.u32 $0xFE00, s9  }
0x28: {  	s10 =	sand.u32 $0x70, s7;
	s9 =	sshrl.u32 s9, $0x2  }
0x29: {  	s9 =	sor.u32 s10, s9  }
0x2a: {  	[tilespmem:s9+$0x13980] =	vst v1  }
0x2b: {  	[spmem:s5] =	stream.linear.scatter [tilespmem:s25], [sflag:$0x3], $0x1800, $0x38;
	[tilespmem:$0x17980] =	vst v63  }
0x2c: {  	_ =	swait.ge [sflag:s26], $0x1800  }
0x2d: {  	[sflag:s26] =	ssyncset.done $0x0  }
0x2e: {  	s7 =	rddreg [dreg:$0x3];
	[sflag:s26] =	ssyncadd.s32 $0xFFFFE800  }
0x2f: {  	[spmem:s7] =	stream.linear.scatter [tilespmem:s25], [sflag:$0x3], $0x1800, $0x38;
	[tilespmem:$0x17980] =	vst v63  }
0x30: {  	_ =	swait.ge [sflag:s26], $0x1800  }
0x31: {  	[sflag:s26] =	ssyncset.done $0x0  }
0x32: {  	s8 =	rddreg [dreg:$0x4];
	[sflag:s26] =	ssyncadd.s32 $0xFFFFE800  }
0x33: {  	[spmem:s8] =	stream.linear.scatter [tilespmem:s25], [sflag:$0x3], $0x1800, $0x38;
	[tilespmem:$0x17980] =	vst v63  }
0x34: {  	_ =	swait.ge [sflag:s26], $0x1800  }
0x35: {  	[sflag:s26] =	ssyncset.done $0x0  }
0x36: {  	s9 =	rddreg [dreg:$0x5];
	[sflag:s26] =	ssyncadd.s32 $0xFFFFE800  }
0x37: {  	[spmem:s9] =	stream.linear.scatter [tilespmem:s25], [sflag:$0x3], $0x1800, $0x38;
	[tilespmem:$0x17980] =	vst v63  }
0x38: {  	_ =	swait.ge [sflag:s26], $0x1800  }
0x39: {  	[sflag:s26] =	ssyncset.done $0x0  }
0x3a: {  	s10 =	rddreg [dreg:$0x6];
	[sflag:s26] =	ssyncadd.s32 $0xFFFFE800  }
0x3b: {  	[spmem:s10] =	stream.linear.scatter [tilespmem:s25], [sflag:$0x3], $0x1800, $0x38;
	[tilespmem:$0x17980] =	vst v63  }
0x3c: {  	_ =	swait.ge [sflag:s26], $0x1800  }
0x3d: {  	[sflag:s26] =	ssyncset.done $0x0  }
0x3e: {  	s11 =	rddreg [dreg:$0x7];
	[sflag:s26] =	ssyncadd.s32 $0xFFFFE800  }
0x3f: {  	[spmem:s11] =	stream.linear.scatter [tilespmem:s25], [sflag:$0x3], $0x1800, $0x38;
	[tilespmem:$0x17980] =	vst v63  }
0x40: {  	_ =	swait.ge [sflag:s26], $0x1800  }
0x41: {  	[sflag:s26] =	ssyncset.done $0x0  }
0x42: {  	s8 =	rddreg [dreg:$0x8];
	[sflag:s26] =	ssyncadd.s32 $0xFFFFE800  }
0x43: {  	[spmem:s8] =	stream.linear.scatter [tilespmem:s25], [sflag:$0x3], $0x1800, $0x38;
	[tilespmem:$0x17980] =	vst v63  }
0x44: {  	_ =	swait.ge [sflag:s26], $0x1800  }
0x45: {  	[sflag:s26] =	ssyncset.done $0x0  }
0x46: {  	[sflag:s26] =	ssyncadd.s32 $0xFFFFE800  }
0x47: {  	[spmem:s12] =	stream.linear.scatter [tilespmem:s25], [sflag:$0x3], $0x1800, $0x38;
	[tilespmem:$0x17980] =	vst v63  }
0x48: {  	_ =	swait.ge [sflag:s26], $0x1800  }
0x49: {  	[sflag:s26] =	ssyncset.done $0x0  }
0x4a: {  	[sflag:s26] =	ssyncadd.s32 $0xFFFFE800  }
0x4b: {  	[spmem:s13] =	stream.linear.scatter [tilespmem:s25], [sflag:$0x3], $0x1800, $0x38;
	[tilespmem:$0x17980] =	vst v63  }
0x4c: {  	_ =	swait.ge [sflag:s26], $0x1800  }
0x4d: {  	[sflag:s26] =	ssyncset.done $0x0  }
0x4e: {  	[sflag:s26] =	ssyncadd.s32 $0xFFFFE800  }
0x4f: {  	[spmem:s14] =	stream.linear.scatter [tilespmem:s25], [sflag:$0x3], $0x1800, $0x38;
	[tilespmem:$0x17980] =	vst v63  }
0x50: {  	_ =	swait.ge [sflag:s26], $0x1800  }
0x51: {  	[sflag:s26] =	ssyncset.done $0x0  }
0x52: {  	[sflag:s26] =	ssyncadd.s32 $0xFFFFE800  }
0x53: {  	[spmem:s15] =	stream.linear.scatter [tilespmem:s25], [sflag:$0x3], $0x1800, $0x38;
	[tilespmem:$0x17980] =	vst v63  }
0x54: {  	_ =	swait.ge [sflag:s26], $0x1800  }
0x55: {  	[sflag:s26] =	ssyncset.done $0x0  }
0x56: {  	[sflag:s26] =	ssyncadd.s32 $0xFFFFE800  }
0x57: {  	[spmem:s16] =	stream.linear.scatter [tilespmem:s25], [sflag:$0x3], $0x1800, $0x38;
	[tilespmem:$0x17980] =	vst v63  }
0x58: {  	_ =	swait.ge [sflag:s26], $0x1800  }
0x59: {  	[sflag:s26] =	ssyncset.done $0x0  }
0x5a: {  	[sflag:s26] =	ssyncadd.s32 $0xFFFFE800  }
0x5b: {  	[spmem:s17] =	stream.linear.scatter [tilespmem:s25], [sflag:$0x3], $0x1800, $0x38;
	[tilespmem:$0x17980] =	vst v63  }
0x5c: {  	_ =	swait.ge [sflag:s26], $0x1800  }
0x5d: {  	[sflag:s26] =	ssyncset.done $0x0  }
0x5e: {  	s7 =	simm.s32 @!p0 $0x16180;
	[sflag:s26] =	ssyncadd.s32 $0xFFFFE800  }
0x5f: {  	[spmem:s18] =	stream.linear.scatter @!p0 [tilespmem:s7], [sflag:$0x3], $0x800, $0x38;
	[tilespmem:$0x17980] =	vst v63  }
0x60: {  	s7 =	simm.s32 @!p0 $0x3  }
0x61: {  	_ =	swait.ge @!p0 [sflag:s7], $0x800  }
0x62: {  	[sflag:s7] =	ssyncset.done @!p0 $0x0  }
0x63: {  	[sflag:s7] =	ssyncadd.s32 @!p0 $0xFFFFF800  }
0x64: {  	s9 =	simm.s32 $0x0;
	[bflag:$0x0] =	sbarrier.arrive $0xFFFF  }
0x65: {  	[tilespmem:s28], [sflag:$0x3] =	stream.linear.gather [hbm4b:s19+s9], $0x50, $0x38;
	[tilespmem:$0x17980] =	vst v63  }
0x66: {  	_ =	swait.ge [sflag:s26], $0x50  }
0x67: {  	[sflag:s26] =	ssyncset.done $0x0  }
0x68: {  	[sflag:s26] =	ssyncadd.s32 $0xFFFFFFB0  }
0x69: {  	[spmem:s1] =	stream.indirect.scatter.add.f32 [tilespmem:s30], [sflag:$0x1], $0x80, s28, s29, $0xb8;
	[tilespmem:$0x17980] =	vst v63  }
0x6a: {  	s10 =	sadd.s32 $0x0, s24  }
0x6b: {  	[tilespmem:s31], [sflag:$0x3] =	stream.linear.gather [hbm4b:s10+s3], $0x50, $0x38;
	[tilespmem:$0x17980] =	vst v63  }
0x6c: {  	_ =	swait.ge [sflag:s26], $0x50  }
0x6d: {  	[sflag:s26] =	ssyncset.done $0x0  }
0x6e: {  	[sflag:s26] =	ssyncadd.s32 $0xFFFFFFB0  }
0x6f: {  	[spmem:s1] =	stream.indirect.scatter.add.f32 [tilespmem:s30], [sflag:$0x2], $0x80, s31, s29, $0xb8;
	[tilespmem:$0x17980] =	vst v63  }
0x70: {  	_ =	swait.ge [sflag:s0], $0x2800  }
0x71: {  	s11 =	sshrl.u32 s23, $0x3;
	[sflag:s0] =	ssyncset.done $0x0  }
0x72: {  	s7 =	sadd.s32 s4, s11;
	[sflag:s0] =	ssyncadd.s32 $0xFFFFD800  }
0x73: {  	[tilespmem:s28], [sflag:$0x3] =	stream.linear.gather [hbm4b:s7+s3], $0x50, $0x38;
	[tilespmem:$0x17980] =	vst v63  }
0x74: {  	_ =	swait.ge [sflag:s26], $0x50  }
0x75: {  	[sflag:s26] =	ssyncset.done $0x0  }
0x76: {  	[sflag:s26] =	ssyncadd.s32 $0xFFFFFFB0  }
0x77: {  	[spmem:s1] =	stream.indirect.scatter.add.f32 [tilespmem:s30], [sflag:$0x1], $0x80, s28, s29, $0xb8;
	[tilespmem:$0x17980] =	vst v63  }
0x78: {  	s8 =	simm.s32 $0x14;
	_ =	swait.ge [sflag:s2], $0x2800  }
0x79: {  	s9 =	simm.s32 $0x28;
	s7 =	sadd.s32 $0xA0, s23;
	[sflag:s2] =	ssyncset.done $0x0  }
.LBB2_6:
0x7a: {  	s10 =	sadd.s32 s8, s24  }
0x7b: {  	[sflag:s2] =	ssyncadd.s32 $0xFFFFD800;
	s8 =	smov.u32 s9;
	s11 =	sadd.s32 $0x14, s9  }
0x7c: {  	[tilespmem:s31], [sflag:$0x3] =	stream.linear.gather [hbm4b:s10+s3], $0x50, $0x38;
	[tilespmem:$0x17980] =	vst v63  }
0x7d: {  	p1 =	sne.s32 s9, $0x4C4;
	_ =	swait.ge [sflag:s26], $0x50  }
0x7e: {  	[sflag:s26] =	ssyncset.done $0x0  }
0x7f: {  	[sflag:s26] =	ssyncadd.s32 $0xFFFFFFB0  }
0x80: {  	[spmem:s1] =	stream.indirect.scatter.add.f32 [tilespmem:s30], [sflag:$0x2], $0x80, s31, s29, $0xb8;
	[tilespmem:$0x17980] =	vst v63  }
0x81: {  	_ =	swait.ge [sflag:s0], $0x2800  }
0x82: {  	s9 =	sshrl.u32 s7, $0x3;
	[sflag:s0] =	ssyncset.done $0x0  }
0x83: {  	s9 =	sadd.s32 s4, s9;
	[sflag:s0] =	ssyncadd.s32 $0xFFFFD800  }
0x84: {  	[tilespmem:s28], [sflag:$0x3] =	stream.linear.gather [hbm4b:s9+s3], $0x50, $0x38;
	[tilespmem:$0x17980] =	vst v63  }
0x85: {  	_ =	swait.ge [sflag:s26], $0x50  }
.Ltmp2:
0x86: {  	[sflag:s26] =	ssyncset.done $0x0;
	(pc) =	sbr.rel @p1 .LBB2_6-.Ltmp2, $4  }
0x87: {  	[sflag:s26] =	ssyncadd.s32 $0xFFFFFFB0  }
0x88: {  	[spmem:s1] =	stream.indirect.scatter.add.f32 [tilespmem:s30], [sflag:$0x1], $0x80, s28, s29, $0xb8;
	[tilespmem:$0x17980] =	vst v63  }
0x89: {  	_ =	swait.ge [sflag:s2], $0x2800  }
0x8a: {  	s7 =	sadd.s32 $0xA0, s7;
	s9 =	smov.u32 s11;
	[sflag:s2] =	ssyncset.done $0x0  }
0x8b: {  	s8 =	sadd.s32 s8, s24;
	[sflag:s2] =	ssyncadd.s32 $0xFFFFD800  }
0x8c: {  	[tilespmem:s31], [sflag:$0x3] =	stream.linear.gather [hbm4b:s8+s3], $0x50, $0x38;
	[tilespmem:$0x17980] =	vst v63  }
0x8d: {  	_ =	swait.ge [sflag:s26], $0x50  }
0x8e: {  	[sflag:s26] =	ssyncset.done $0x0  }
0x8f: {  	[sflag:s26] =	ssyncadd.s32 $0xFFFFFFB0  }
0x90: {  	[spmem:s1] =	stream.indirect.scatter.add.f32 [tilespmem:s30], [sflag:$0x2], $0x80, s31, s29, $0xb8;
	[tilespmem:$0x17980] =	vst v63  }
0x91: {  	_ =	swait.ge [sflag:s0], $0x2800  }
0x92: {  	s7 =	sshrl.u32 s7, $0x3;
	[sflag:s0] =	ssyncset.done $0x0  }
0x93: {  	s7 =	sadd.s32 s4, s7;
	[sflag:s0] =	ssyncadd.s32 $0xFFFFD800  }
0x94: {  	[tilespmem:s28], [sflag:$0x3] =	stream.linear.gather [hbm4b:s7+s3], $0x50, $0x38;
	[tilespmem:$0x17980] =	vst v63  }
0x95: {  	_ =	swait.ge [sflag:s26], $0x50  }
0x96: {  	[sflag:s26] =	ssyncset.done $0x0  }
0x97: {  	[sflag:s26] =	ssyncadd.s32 $0xFFFFFFB0  }
0x98: {  	[spmem:s1] =	stream.indirect.scatter.add.f32 [tilespmem:s30], [sflag:$0x1], $0x80, s28, s29, $0xb8;
	[tilespmem:$0x17980] =	vst v63  }
0x99: {  	_ =	swait.ge [sflag:s2], $0x2800  }
0x9a: {  	[sflag:s2] =	ssyncset.done $0x0  }
0x9b: {  	[sflag:s2] =	ssyncadd.s32 $0xFFFFD800  }
0x9c: {  	_ =	swait.ge [sflag:s0], $0x2800  }
0x9d: {  	s10 =	stileid.u32;
	[sflag:s0] =	ssyncset.done $0x0  }
0x9e: {  	s7 =	sshll.u32 s10, $0x6;
	[sflag:s0] =	ssyncadd.s32 $0xFFFFD800  }
0x9f: {  	s11 =	sshrl.u32 s5, $0x3;
	s7 =	sor.u32 $0x1C03, s7;
	[bflag:$0x0] =	sbarrier.arrive $0xFFFF  }
0xa0: {  	[hbm:s20], [sflag:s7] =	dma.local [spmem:s11], $0x2700  }
0xa1: {  	_ =	swait.ge [sflag:s26], $0x2700  }
0xa2: {  	s6 =	sadd.s32 $0x1, s6;
	[sflag:s26] =	ssyncset.done $0x0  }
0xa3: {  	s8 =	sshrl.u32 @!p0 s18, $0x3;
	p1 =	sne.s32 s6, s22;
	[sflag:s26] =	ssyncadd.s32 $0xFFFFD900  }
0xa4: {  	[hbm:s21], [sflag:s7] =	dma.local @!p0 [spmem:s8], $0x100  }
.Ltmp3:
0xa5: {  	_ = 	snop;
	(pc) =	sbr.rel @p1 .LBB2_1-.Ltmp3, $4  }
0xa6: {  	s7 =	simm.s32 @!p0 $0x3  }
0xa7: {  	_ =	swait.ge @!p0 [sflag:s7], $0x100  }
0xa8: {  	[sflag:s7] =	ssyncset.done @!p0 $0x0  }
0xa9: {  	[sflag:s7] =	ssyncadd.s32 @!p0 $0xFFFFFF00  }
0xaa: {  	_ =	sfence.sel $0x180000  }
0xab: {  	[bflag:$0x0] =	sbarrier.arrive $0xFFFF  }
0xac: {  	_ =	strace $0x9000004A  }
0xad: {  	s0 =	stileid.u32;
	[bflag:$0x2] =	sbarrier.arrive $0xFFFF  }
0xae: {  	p0 =	sne.s32 s0, $0x0;
	s0 =	rddreg [dreg:$0x2]  }
0xaf: {  	s0 =	sadd.s32 @!p0 $0x100000, s0  }
0xb0: {  	[sflag:s0] =	ssyncadd.tile.s32 @!p0 $0x1;
	_ =	shalt  }
.Lfunc_end2:
_tile_overlayer_lowered:
.L_overlay_start_2:
0xb1: {  	(tag) =	ssettag $0x2  }
0xb2: {  	s0 =	rddreg [dreg:$0x0];
	s2 =	stileid.u32  }
0xb3: {  	s1 =	rddreg [dreg:$0x1];
	p0 =	sne.s32 s2, $0x0  }
0xb4: {  	s3 =	rddreg [dreg:$0x2];
	[bflag:$0x3] =	sbarrier.arrive $0xFFFF;
	s2 =	simm.s32 @!p0 $0x1C03  }
0xb5: {  	[timem:s3], [sflag:s2] =	dma.local @!p0 [hbm:s0], s1  }
0xb6: {  	s0 =	simm.s32 @!p0 $0x3  }
0xb7: {  	_ =	swait.ge @!p0 [sflag:s0], s1  }
0xb8: {  	s1 =	ssub.s32 @!p0 $0x0, s1;
	[sflag:s0] =	ssyncset.done @!p0 $0x0  }
0xb9: {  	[sflag:s0] =	ssyncadd.s32 @!p0 s1  }
0xba: {  	[bflag:$0x3] =	sbarrier.arrive $0xFFFF  }
0xbb: {  	_ =	shalt  }

</sc_bundles>
